<compile_context>
chip_gen: v7x
topology: tpu7x:2x2x1
jax: 0.10.2.dev20260603
libtpu: 0.0.44.dev20260713+nightly
codegen_flags: <defaults>
</compile_context>

<pallas_src>
import functools

import jax
import jax.numpy as jnp
from jax import lax
from jax.experimental import pallas as pl
from jax.experimental.pallas import tpu as pltpu
from jax.experimental.pallas import tpu_sc as plsc

N_POOLED = 50000
N_ORIG = 100000
D = 128
C = 128
NC = 2
NS = 16
NW = NC * NS
K = 12
NB = 4
UNIFORM = NW * K * C
TAIL = N_POOLED - UNIFORM
ZBLK = 25000


def _build_unpool():
    mesh = plsc.VectorSubcoreMesh(core_axis_name="c", subcore_axis_name="s")

    @functools.partial(
        pl.kernel,
        mesh=mesh,
        out_type=(),
        scratch_types=[
            pltpu.VMEM((K, C), jnp.int32),
            pltpu.VMEM((1, C), jnp.int32),
            pltpu.VMEM((1, 80), jnp.int32),
            pltpu.VMEM((NB, C, D), jnp.float32),
            pltpu.SemaphoreType.DMA,
            pltpu.SemaphoreType.DMA((NB,)),
            pltpu.SemaphoreType.DMA((NB,)),
        ],
    )
    def unpool(x_hbm, idx_hbm, out_hbm,
               idx_v, idxt_v, idxt80_v, rows_v, isem, xsem, ssem):
        wid = lax.axis_index("s") * NC + lax.axis_index("c")
        span = wid * (K * C)

        def start_idx_load(i):
            return pltpu.async_copy(idx_hbm.at[pl.ds(span + i * C, C)],
                                    idx_v.at[i], isem)

        def start_load(i):
            b = i % NB
            return pltpu.async_copy(x_hbm.at[pl.ds(span + i * C, C)],
                                    rows_v.at[b], xsem.at[b])

        ihs = [None] * K
        loads = [None] * K
        sc = [None] * K
        ihs[0] = start_idx_load(0)
        loads[0] = start_load(0)
        for i in range(1, K):
            ihs[i] = start_idx_load(i)
        for i in range(K):
            b = i % NB
            if i + 1 < K:
                if i + 1 - NB >= 0:
                    sc[i + 1 - NB].wait()
                loads[i + 1] = start_load(i + 1)
            ihs[i].wait()
            loads[i].wait()
            sc[i] = pltpu.async_copy(rows_v.at[b], out_hbm.at[idx_v.at[i]],
                                     ssem.at[b])
        for i in range(max(0, K - NB), K):
            sc[i].wait()

        for t in range(6):
            @pl.when(wid == t)
            def _tail128(t=t):
                base = UNIFORM + t * C
                hi = pltpu.async_copy(idx_hbm.at[pl.ds(base, C)],
                                      idxt_v.at[0], isem)
                hx = pltpu.async_copy(x_hbm.at[pl.ds(base, C)],
                                      rows_v.at[0], xsem.at[0])
                hi.wait()
                hx.wait()
                pltpu.async_copy(rows_v.at[0], out_hbm.at[idxt_v.at[0]],
                                 ssem.at[0]).wait()

        @pl.when(wid == 6)
        def _tail80():
            base = UNIFORM + 6 * C
            hi = pltpu.async_copy(idx_hbm.at[pl.ds(base, 80)],
                                  idxt80_v.at[0], isem)
            hx = pltpu.async_copy(x_hbm.at[pl.ds(base, 80)],
                                  rows_v.at[0, pl.ds(0, 80)], xsem.at[0])
            hi.wait()
            hx.wait()
            pltpu.async_copy(rows_v.at[0, pl.ds(0, 80)],
                             out_hbm.at[idxt80_v.at[0]],
                             ssem.at[0]).wait()

    return unpool


_unpool = _build_unpool()


def _zero_body(out_ref):
    out_ref[...] = jnp.zeros_like(out_ref)


def _tc_zero_upper():
    return pl.pallas_call(
        _zero_body,
        out_shape=jax.ShapeDtypeStruct((N_ORIG, D), jnp.float32),
        grid=(N_POOLED // ZBLK,),
        out_specs=pl.BlockSpec((ZBLK, D), lambda i: (N_POOLED // ZBLK + i, 0)),
    )()


def _copy_body(edge_ref, batch_ref, edge_out, batch_out):
    edge_out[...] = edge_ref[...]
    batch_out[...] = batch_ref[...]


def _tc_copy(edge_index, batch):
    return pl.pallas_call(
        _copy_body,
        out_shape=(
            jax.ShapeDtypeStruct(edge_index.shape, edge_index.dtype),
            jax.ShapeDtypeStruct(batch.shape, batch.dtype),
        ),
    )(edge_index, batch)


def kernel(x, edge_index, batch, idx, orig_num_nodes):
    new_x_ref = jax.new_ref(_tc_zero_upper())
    _unpool(x, idx, new_x_ref)
    edge_out, batch_out = _tc_copy(edge_index, batch)
    return new_x_ref[...], edge_out, batch_out

# --- scband reference (transcript-rebuilt; emitter-appended) ---
"""Pipeline reference for scband-unpool-32212254720650 (READ-ONLY COPY).

The authoritative reference and input builder live on the scoring server;
editing this copy changes nothing except your own understanding.
"""

import jax, jax.numpy as jnp
import numpy as np


def setup_inputs(seed: int = 0) -> dict:
    key = jax.random.key(seed)
    k1, k2 = jax.random.split(key, 2)
    N_pooled = 50000
    N_orig = 100000
    d = 128
    E = 800000
    x = jax.random.normal(k1, (N_pooled, d), dtype=jnp.float32)
    edge_index = jax.random.randint(k2, (2, E), 0, N_pooled, dtype=jnp.int32)
    # data.batch in the Data object: per-node graph id over the ORIGINAL node count
    # (length must equal orig total nodes so that new_x has the unpooled size).
    batch = jnp.zeros((N_orig,), dtype=jnp.int32)
    # idx: indices of nodes kept during pooling (unique, in [0, N_orig))
    idx = jnp.arange(N_pooled, dtype=jnp.int32)
    orig_num_nodes = N_orig  # scalar int
    return {"x": x, "edge_index": edge_index, "batch": batch, "idx": idx, "orig_num_nodes": orig_num_nodes}


def reference(x, edge_index, batch, idx, orig_num_nodes):
    # Faithful translation of Unpool.forward (Data object flattened into tensors).
    if batch is None:
        batch = jnp.zeros((x.shape[0],), dtype=jnp.int32)
    # max_nodes = orig_num_nodes.max() if tensor else orig_num_nodes (scalar here)
    max_nodes = jnp.asarray(orig_num_nodes)
    new_x = jnp.zeros((batch.shape[0], x.shape[1]), dtype=x.dtype)
    num_graphs = 1
    batch_offsets = jnp.zeros((num_graphs,), dtype=jnp.int32)
    csum = jnp.cumsum(jnp.asarray(orig_num_nodes, dtype=jnp.int32))
    offsets_updated = batch_offsets.at[1:].set(csum[: num_graphs - 1])
    batch_offsets = jnp.where(batch.max() > 0, offsets_updated, batch_offsets)
    global_idx = idx + batch_offsets[batch[idx]]
    # scatter-overwrite: new_x[global_idx] = x
    new_x = new_x.at[global_idx].set(x)
    return new_x, edge_index, batch

if __name__ == "__main__":
    import jax
    _d = setup_inputs()
    print(jax.jit(kernel)(*tuple(_d.values())))

</pallas_src>

<mosaic_0001>
#map = affine_map<(d0, d1) -> (0, 0)>
#map1 = affine_map<(d0, d1) -> (0)>
module attributes {stable_mosaic.version = 14 : i64} {
  func.func @new_body(%arg0: i32, %arg1: i32, %arg2: memref<50000x128xf32, #tpu.memory_space<hbm>>, %arg3: memref<50000xi32, #tpu.memory_space<hbm>>, %arg4: memref<100000x128xf32, #tpu.memory_space<hbm>>, %arg5: memref<100000x128xf32, #tpu.memory_space<hbm>>, %arg6: memref<12x128xi32, #tpu.memory_space<vmem>>, %arg7: memref<1x128xi32, #tpu.memory_space<vmem>>, %arg8: memref<1x80xi32, #tpu.memory_space<vmem>>, %arg9: memref<4x128x128xf32, #tpu.memory_space<vmem>>, %arg10: memref<!tpu.dma_semaphore, #tpu.memory_space<semaphore_mem>>, %arg11: memref<4x!tpu.dma_semaphore, #tpu.memory_space<semaphore_mem>>, %arg12: memref<4x!tpu.dma_semaphore, #tpu.memory_space<semaphore_mem>>) attributes {dimension_semantics = [#tpu.dimension_semantics<core_parallel>, #tpu.dimension_semantics<subcore_parallel>], iteration_bounds = array<i64: 2, 16>, scalar_prefetch = 0 : i64, scratch_operands = 7 : i64, tpu.core_type = #tpu.core_type<sc_vector_subcore>, window_params = [{transform_indices = #map}, {transform_indices = #map1}, {transform_indices = #map}, {transform_indices = #map}]} {
    %mul3A = arith.constant 2 : i32
    %mul3A_0 = arith.muli %arg1, %mul3A : i32
    %add3A = arith.addi %mul3A_0, %arg0 : i32
    %mul3A_1 = arith.constant 1536 : i32
    %mul3A_2 = arith.muli %add3A, %mul3A_1 : i32
    %add3A_3 = arith.constant 0 : i32
    %add3A_4 = arith.addi %mul3A_2, %add3A_3 : i32
    %dma_start3A = arith.constant 0 : i32
    %dma_start3A_5 = arith.constant 0 : i32
    %dma_start3A_6 = tpu.memref_slice %arg6[%dma_start3A, %dma_start3A_5] : memref<12x128xi32, #tpu.memory_space<vmem>> -> memref<1x128xi32, #tpu.memory_space<vmem>>
    %dma_start3A_7 = tpu.memref_squeeze %dma_start3A_6 : memref<1x128xi32, #tpu.memory_space<vmem>> -> memref<128xi32, #tpu.memory_space<vmem>>
    %dma_start3A_8 = tpu.memref_slice %arg3[%add3A_4] : memref<50000xi32, #tpu.memory_space<hbm>> -> memref<128xi32, #tpu.memory_space<hbm>>
    %dma_start3A_9 = arith.constant 0 : i32
    %dma_start3A_10 = tpu.memref_slice %arg6[%dma_start3A, %dma_start3A_9] : memref<12x128xi32, #tpu.memory_space<vmem>> -> memref<1x128xi32, #tpu.memory_space<vmem>>
    %dma_start3A_11 = tpu.memref_squeeze %dma_start3A_10 : memref<1x128xi32, #tpu.memory_space<vmem>> -> memref<128xi32, #tpu.memory_space<vmem>>
    %dma_start3A_12 = tpu.memref_slice %arg3[%add3A_4] : memref<50000xi32, #tpu.memory_space<hbm>> -> memref<128xi32, #tpu.memory_space<hbm>>
    tpu.enqueue_dma source(%dma_start3A_12 : memref<128xi32, #tpu.memory_space<hbm>>) target(%dma_start3A_11 : memref<128xi32, #tpu.memory_space<vmem>>) target_semaphore(%arg10 : memref<!tpu.dma_semaphore, #tpu.memory_space<semaphore_mem>>)
    %add3A_13 = arith.constant 0 : i32
    %add3A_14 = arith.addi %mul3A_2, %add3A_13 : i32
    %dma_start3A_15 = arith.constant 0 : i32
    %dma_start3A_16 = arith.constant 0 : i32
    %dma_start3A_17 = arith.constant 0 : i32
    %dma_start3A_18 = arith.constant 0 : i32
    %dma_start3A_19 = tpu.memref_slice %arg9[%dma_start3A_15, %dma_start3A_17, %dma_start3A_18] : memref<4x128x128xf32, #tpu.memory_space<vmem>> -> memref<1x128x128xf32, #tpu.memory_space<vmem>>
    %dma_start3A_20 = tpu.memref_squeeze %dma_start3A_19 : memref<1x128x128xf32, #tpu.memory_space<vmem>> -> memref<128x128xf32, #tpu.memory_space<vmem>>
    %dma_start3A_21 = arith.constant 0 : i32
    %dma_start3A_22 = tpu.memref_slice %arg2[%add3A_14, %dma_start3A_21] : memref<50000x128xf32, #tpu.memory_space<hbm>> -> memref<128x128xf32, #tpu.memory_space<hbm>>
    %dma_start3A_23 = tpu.memref_slice %arg11[%dma_start3A_16] : memref<4x!tpu.dma_semaphore, #tpu.memory_space<semaphore_mem>> -> memref<1x!tpu.dma_semaphore, #tpu.memory_space<semaphore_mem>>
    %dma_start3A_24 = tpu.memref_squeeze %dma_start3A_23 : memref<1x!tpu.dma_semaphore, #tpu.memory_space<semaphore_mem>> -> memref<!tpu.dma_semaphore, #tpu.memory_space<semaphore_mem>>
    %dma_start3A_25 = arith.constant 0 : i32
    %dma_start3A_26 = arith.constant 0 : i32
    %dma_start3A_27 = tpu.memref_slice %arg9[%dma_start3A_15, %dma_start3A_25, %dma_start3A_26] : memref<4x128x128xf32, #tpu.memory_space<vmem>> -> memref<1x128x128xf32, #tpu.memory_space<vmem>>
    %dma_start3A_28 = tpu.memref_squeeze %dma_start3A_27 : memref<1x128x128xf32, #tpu.memory_space<vmem>> -> memref<128x128xf32, #tpu.memory_space<vmem>>
    %dma_start3A_29 = arith.constant 0 : i32
    %dma_start3A_30 = tpu.memref_slice %arg2[%add3A_14, %dma_start3A_29] : memref<50000x128xf32, #tpu.memory_space<hbm>> -> memref<128x128xf32, #tpu.memory_space<hbm>>
    tpu.enqueue_dma source(%dma_start3A_30 : memref<128x128xf32, #tpu.memory_space<hbm>>) target(%dma_start3A_28 : memref<128x128xf32, #tpu.memory_space<vmem>>) target_semaphore(%dma_start3A_24 : memref<!tpu.dma_semaphore, #tpu.memory_space<semaphore_mem>>)
    %add3A_31 = arith.constant 128 : i32
    %add3A_32 = arith.addi %mul3A_2, %add3A_31 : i32
    %dma_start3A_33 = arith.constant 1 : i32
    %dma_start3A_34 = arith.constant 0 : i32
    %dma_start3A_35 = tpu.memref_slice %arg6[%dma_start3A_33, %dma_start3A_34] : memref<12x128xi32, #tpu.memory_space<vmem>> -> memref<1x128xi32, #tpu.memory_space<vmem>>
    %dma_start3A_36 = tpu.memref_squeeze %dma_start3A_35 : memref<1x128xi32, #tpu.memory_space<vmem>> -> memref<128xi32, #tpu.memory_space<vmem>>
    %dma_start3A_37 = tpu.memref_slice %arg3[%add3A_32] : memref<50000xi32, #tpu.memory_space<hbm>> -> memref<128xi32, #tpu.memory_space<hbm>>
    %dma_start3A_38 = arith.constant 0 : i32
    %dma_start3A_39 = tpu.memref_slice %arg6[%dma_start3A_33, %dma_start3A_38] : memref<12x128xi32, #tpu.memory_space<vmem>> -> memref<1x128xi32, #tpu.memory_space<vmem>>
    %dma_start3A_40 = tpu.memref_squeeze %dma_start3A_39 : memref<1x128xi32, #tpu.memory_space<vmem>> -> memref<128xi32, #tpu.memory_space<vmem>>
    %dma_start3A_41 = tpu.memref_slice %arg3[%add3A_32] : memref<50000xi32, #tpu.memory_space<hbm>> -> memref<128xi32, #tpu.memory_space<hbm>>
    tpu.enqueue_dma source(%dma_start3A_41 : memref<128xi32, #tpu.memory_space<hbm>>) target(%dma_start3A_40 : memref<128xi32, #tpu.memory_space<vmem>>) target_semaphore(%arg10 : memref<!tpu.dma_semaphore, #tpu.memory_space<semaphore_mem>>)
    %add3A_42 = arith.constant 256 : i32
    %add3A_43 = arith.addi %mul3A_2, %add3A_42 : i32
    %dma_start3A_44 = arith.constant 2 : i32
    %dma_start3A_45 = arith.constant 0 : i32
    %dma_start3A_46 = tpu.memref_slice %arg6[%dma_start3A_44, %dma_start3A_45] : memref<12x128xi32, #tpu.memory_space<vmem>> -> memref<1x128xi32, #tpu.memory_space<vmem>>
    %dma_start3A_47 = tpu.memref_squeeze %dma_start3A_46 : memref<1x128xi32, #tpu.memory_space<vmem>> -> memref<128xi32, #tpu.memory_space<vmem>>
    %dma_start3A_48 = tpu.memref_slice %arg3[%add3A_43] : memref<50000xi32, #tpu.memory_space<hbm>> -> memref<128xi32, #tpu.memory_space<hbm>>
    %dma_start3A_49 = arith.constant 0 : i32
    %dma_start3A_50 = tpu.memref_slice %arg6[%dma_start3A_44, %dma_start3A_49] : memref<12x128xi32, #tpu.memory_space<vmem>> -> memref<1x128xi32, #tpu.memory_space<vmem>>
    %dma_start3A_51 = tpu.memref_squeeze %dma_start3A_50 : memref<1x128xi32, #tpu.memory_space<vmem>> -> memref<128xi32, #tpu.memory_space<vmem>>
    %dma_start3A_52 = tpu.memref_slice %arg3[%add3A_43] : memref<50000xi32, #tpu.memory_space<hbm>> -> memref<128xi32, #tpu.memory_space<hbm>>
    tpu.enqueue_dma source(%dma_start3A_52 : memref<128xi32, #tpu.memory_space<hbm>>) target(%dma_start3A_51 : memref<128xi32, #tpu.memory_space<vmem>>) target_semaphore(%arg10 : memref<!tpu.dma_semaphore, #tpu.memory_space<semaphore_mem>>)
    %add3A_53 = arith.constant 384 : i32
    %add3A_54 = arith.addi %mul3A_2, %add3A_53 : i32
    %dma_start3A_55 = arith.constant 3 : i32
    %dma_start3A_56 = arith.constant 0 : i32
    %dma_start3A_57 = tpu.memref_slice %arg6[%dma_start3A_55, %dma_start3A_56] : memref<12x128xi32, #tpu.memory_space<vmem>> -> memref<1x128xi32, #tpu.memory_space<vmem>>
    %dma_start3A_58 = tpu.memref_squeeze %dma_start3A_57 : memref<1x128xi32, #tpu.memory_space<vmem>> -> memref<128xi32, #tpu.memory_space<vmem>>
    %dma_start3A_59 = tpu.memref_slice %arg3[%add3A_54] : memref<50000xi32, #tpu.memory_space<hbm>> -> memref<128xi32, #tpu.memory_space<hbm>>
    %dma_start3A_60 = arith.constant 0 : i32
    %dma_start3A_61 = tpu.memref_slice %arg6[%dma_start3A_55, %dma_start3A_60] : memref<12x128xi32, #tpu.memory_space<vmem>> -> memref<1x128xi32, #tpu.memory_space<vmem>>
    %dma_start3A_62 = tpu.memref_squeeze %dma_start3A_61 : memref<1x128xi32, #tpu.memory_space<vmem>> -> memref<128xi32, #tpu.memory_space<vmem>>
    %dma_start3A_63 = tpu.memref_slice %arg3[%add3A_54] : memref<50000xi32, #tpu.memory_space<hbm>> -> memref<128xi32, #tpu.memory_space<hbm>>
    tpu.enqueue_dma source(%dma_start3A_63 : memref<128xi32, #tpu.memory_space<hbm>>) target(%dma_start3A_62 : memref<128xi32, #tpu.memory_space<vmem>>) target_semaphore(%arg10 : memref<!tpu.dma_semaphore, #tpu.memory_space<semaphore_mem>>)
    %add3A_64 = arith.constant 512 : i32
    %add3A_65 = arith.addi %mul3A_2, %add3A_64 : i32
    %dma_start3A_66 = arith.constant 4 : i32
    %dma_start3A_67 = arith.constant 0 : i32
    %dma_start3A_68 = tpu.memref_slice %arg6[%dma_start3A_66, %dma_start3A_67] : memref<12x128xi32, #tpu.memory_space<vmem>> -> memref<1x128xi32, #tpu.memory_space<vmem>>
    %dma_start3A_69 = tpu.memref_squeeze %dma_start3A_68 : memref<1x128xi32, #tpu.memory_space<vmem>> -> memref<128xi32, #tpu.memory_space<vmem>>
    %dma_start3A_70 = tpu.memref_slice %arg3[%add3A_65] : memref<50000xi32, #tpu.memory_space<hbm>> -> memref<128xi32, #tpu.memory_space<hbm>>
    %dma_start3A_71 = arith.constant 0 : i32
    %dma_start3A_72 = tpu.memref_slice %arg6[%dma_start3A_66, %dma_start3A_71] : memref<12x128xi32, #tpu.memory_space<vmem>> -> memref<1x128xi32, #tpu.memory_space<vmem>>
    %dma_start3A_73 = tpu.memref_squeeze %dma_start3A_72 : memref<1x128xi32, #tpu.memory_space<vmem>> -> memref<128xi32, #tpu.memory_space<vmem>>
    %dma_start3A_74 = tpu.memref_slice %arg3[%add3A_65] : memref<50000xi32, #tpu.memory_space<hbm>> -> memref<128xi32, #tpu.memory_space<hbm>>
    tpu.enqueue_dma source(%dma_start3A_74 : memref<128xi32, #tpu.memory_space<hbm>>) target(%dma_start3A_73 : memref<128xi32, #tpu.memory_space<vmem>>) target_semaphore(%arg10 : memref<!tpu.dma_semaphore, #tpu.memory_space<semaphore_mem>>)
    %add3A_75 = arith.constant 640 : i32
    %add3A_76 = arith.addi %mul3A_2, %add3A_75 : i32
    %dma_start3A_77 = arith.constant 5 : i32
    %dma_start3A_78 = arith.constant 0 : i32
    %dma_start3A_79 = tpu.memref_slice %arg6[%dma_start3A_77, %dma_start3A_78] : memref<12x128xi32, #tpu.memory_space<vmem>> -> memref<1x128xi32, #tpu.memory_space<vmem>>
    %dma_start3A_80 = tpu.memref_squeeze %dma_start3A_79 : memref<1x128xi32, #tpu.memory_space<vmem>> -> memref<128xi32, #tpu.memory_space<vmem>>
    %dma_start3A_81 = tpu.memref_slice %arg3[%add3A_76] : memref<50000xi32, #tpu.memory_space<hbm>> -> memref<128xi32, #tpu.memory_space<hbm>>
    %dma_start3A_82 = arith.constant 0 : i32
    %dma_start3A_83 = tpu.memref_slice %arg6[%dma_start3A_77, %dma_start3A_82] : memref<12x128xi32, #tpu.memory_space<vmem>> -> memref<1x128xi32, #tpu.memory_space<vmem>>
    %dma_start3A_84 = tpu.memref_squeeze %dma_start3A_83 : memref<1x128xi32, #tpu.memory_space<vmem>> -> memref<128xi32, #tpu.memory_space<vmem>>
    %dma_start3A_85 = tpu.memref_slice %arg3[%add3A_76] : memref<50000xi32, #tpu.memory_space<hbm>> -> memref<128xi32, #tpu.memory_space<hbm>>
    tpu.enqueue_dma source(%dma_start3A_85 : memref<128xi32, #tpu.memory_space<hbm>>) target(%dma_start3A_84 : memref<128xi32, #tpu.memory_space<vmem>>) target_semaphore(%arg10 : memref<!tpu.dma_semaphore, #tpu.memory_space<semaphore_mem>>)
    %add3A_86 = arith.constant 768 : i32
    %add3A_87 = arith.addi %mul3A_2, %add3A_86 : i32
    %dma_start3A_88 = arith.constant 6 : i32
    %dma_start3A_89 = arith.constant 0 : i32
    %dma_start3A_90 = tpu.memref_slice %arg6[%dma_start3A_88, %dma_start3A_89] : memref<12x128xi32, #tpu.memory_space<vmem>> -> memref<1x128xi32, #tpu.memory_space<vmem>>
    %dma_start3A_91 = tpu.memref_squeeze %dma_start3A_90 : memref<1x128xi32, #tpu.memory_space<vmem>> -> memref<128xi32, #tpu.memory_space<vmem>>
    %dma_start3A_92 = tpu.memref_slice %arg3[%add3A_87] : memref<50000xi32, #tpu.memory_space<hbm>> -> memref<128xi32, #tpu.memory_space<hbm>>
    %dma_start3A_93 = arith.constant 0 : i32
    %dma_start3A_94 = tpu.memref_slice %arg6[%dma_start3A_88, %dma_start3A_93] : memref<12x128xi32, #tpu.memory_space<vmem>> -> memref<1x128xi32, #tpu.memory_space<vmem>>
    %dma_start3A_95 = tpu.memref_squeeze %dma_start3A_94 : memref<1x128xi32, #tpu.memory_space<vmem>> -> memref<128xi32, #tpu.memory_space<vmem>>
    %dma_start3A_96 = tpu.memref_slice %arg3[%add3A_87] : memref<50000xi32, #tpu.memory_space<hbm>> -> memref<128xi32, #tpu.memory_space<hbm>>
    tpu.enqueue_dma source(%dma_start3A_96 : memref<128xi32, #tpu.memory_space<hbm>>) target(%dma_start3A_95 : memref<128xi32, #tpu.memory_space<vmem>>) target_semaphore(%arg10 : memref<!tpu.dma_semaphore, #tpu.memory_space<semaphore_mem>>)
    %add3A_97 = arith.constant 896 : i32
    %add3A_98 = arith.addi %mul3A_2, %add3A_97 : i32
    %dma_start3A_99 = arith.constant 7 : i32
    %dma_start3A_100 = arith.constant 0 : i32
    %dma_start3A_101 = tpu.memref_slice %arg6[%dma_start3A_99, %dma_start3A_100] : memref<12x128xi32, #tpu.memory_space<vmem>> -> memref<1x128xi32, #tpu.memory_space<vmem>>
    %dma_start3A_102 = tpu.memref_squeeze %dma_start3A_101 : memref<1x128xi32, #tpu.memory_space<vmem>> -> memref<128xi32, #tpu.memory_space<vmem>>
    %dma_start3A_103 = tpu.memref_slice %arg3[%add3A_98] : memref<50000xi32, #tpu.memory_space<hbm>> -> memref<128xi32, #tpu.memory_space<hbm>>
    %dma_start3A_104 = arith.constant 0 : i32
    %dma_start3A_105 = tpu.memref_slice %arg6[%dma_start3A_99, %dma_start3A_104] : memref<12x128xi32, #tpu.memory_space<vmem>> -> memref<1x128xi32, #tpu.memory_space<vmem>>
    %dma_start3A_106 = tpu.memref_squeeze %dma_start3A_105 : memref<1x128xi32, #tpu.memory_space<vmem>> -> memref<128xi32, #tpu.memory_space<vmem>>
    %dma_start3A_107 = tpu.memref_slice %arg3[%add3A_98] : memref<50000xi32, #tpu.memory_space<hbm>> -> memref<128xi32, #tpu.memory_space<hbm>>
    tpu.enqueue_dma source(%dma_start3A_107 : memref<128xi32, #tpu.memory_space<hbm>>) target(%dma_start3A_106 : memref<128xi32, #tpu.memory_space<vmem>>) target_semaphore(%arg10 : memref<!tpu.dma_semaphore, #tpu.memory_space<semaphore_mem>>)
    %add3A_108 = arith.constant 1024 : i32
    %add3A_109 = arith.addi %mul3A_2, %add3A_108 : i32
    %dma_start3A_110 = arith.constant 8 : i32
    %dma_start3A_111 = arith.constant 0 : i32
    %dma_start3A_112 = tpu.memref_slice %arg6[%dma_start3A_110, %dma_start3A_111] : memref<12x128xi32, #tpu.memory_space<vmem>> -> memref<1x128xi32, #tpu.memory_space<vmem>>
    %dma_start3A_113 = tpu.memref_squeeze %dma_start3A_112 : memref<1x128xi32, #tpu.memory_space<vmem>> -> memref<128xi32, #tpu.memory_space<vmem>>
    %dma_start3A_114 = tpu.memref_slice %arg3[%add3A_109] : memref<50000xi32, #tpu.memory_space<hbm>> -> memref<128xi32, #tpu.memory_space<hbm>>
    %dma_start3A_115 = arith.constant 0 : i32
    %dma_start3A_116 = tpu.memref_slice %arg6[%dma_start3A_110, %dma_start3A_115] : memref<12x128xi32, #tpu.memory_space<vmem>> -> memref<1x128xi32, #tpu.memory_space<vmem>>
    %dma_start3A_117 = tpu.memref_squeeze %dma_start3A_116 : memref<1x128xi32, #tpu.memory_space<vmem>> -> memref<128xi32, #tpu.memory_space<vmem>>
    %dma_start3A_118 = tpu.memref_slice %arg3[%add3A_109] : memref<50000xi32, #tpu.memory_space<hbm>> -> memref<128xi32, #tpu.memory_space<hbm>>
    tpu.enqueue_dma source(%dma_start3A_118 : memref<128xi32, #tpu.memory_space<hbm>>) target(%dma_start3A_117 : memref<128xi32, #tpu.memory_space<vmem>>) target_semaphore(%arg10 : memref<!tpu.dma_semaphore, #tpu.memory_space<semaphore_mem>>)
    %add3A_119 = arith.constant 1152 : i32
    %add3A_120 = arith.addi %mul3A_2, %add3A_119 : i32
    %dma_start3A_121 = arith.constant 9 : i32
    %dma_start3A_122 = arith.constant 0 : i32
    %dma_start3A_123 = tpu.memref_slice %arg6[%dma_start3A_121, %dma_start3A_122] : memref<12x128xi32, #tpu.memory_space<vmem>> -> memref<1x128xi32, #tpu.memory_space<vmem>>
    %dma_start3A_124 = tpu.memref_squeeze %dma_start3A_123 : memref<1x128xi32, #tpu.memory_space<vmem>> -> memref<128xi32, #tpu.memory_space<vmem>>
    %dma_start3A_125 = tpu.memref_slice %arg3[%add3A_120] : memref<50000xi32, #tpu.memory_space<hbm>> -> memref<128xi32, #tpu.memory_space<hbm>>
    %dma_start3A_126 = arith.constant 0 : i32
    %dma_start3A_127 = tpu.memref_slice %arg6[%dma_start3A_121, %dma_start3A_126] : memref<12x128xi32, #tpu.memory_space<vmem>> -> memref<1x128xi32, #tpu.memory_space<vmem>>
    %dma_start3A_128 = tpu.memref_squeeze %dma_start3A_127 : memref<1x128xi32, #tpu.memory_space<vmem>> -> memref<128xi32, #tpu.memory_space<vmem>>
    %dma_start3A_129 = tpu.memref_slice %arg3[%add3A_120] : memref<50000xi32, #tpu.memory_space<hbm>> -> memref<128xi32, #tpu.memory_space<hbm>>
    tpu.enqueue_dma source(%dma_start3A_129 : memref<128xi32, #tpu.memory_space<hbm>>) target(%dma_start3A_128 : memref<128xi32, #tpu.memory_space<vmem>>) target_semaphore(%arg10 : memref<!tpu.dma_semaphore, #tpu.memory_space<semaphore_mem>>)
    %add3A_130 = arith.constant 1280 : i32
    %add3A_131 = arith.addi %mul3A_2, %add3A_130 : i32
    %dma_start3A_132 = arith.constant 10 : i32
    %dma_start3A_133 = arith.constant 0 : i32
    %dma_start3A_134 = tpu.memref_slice %arg6[%dma_start3A_132, %dma_start3A_133] : memref<12x128xi32, #tpu.memory_space<vmem>> -> memref<1x128xi32, #tpu.memory_space<vmem>>
    %dma_start3A_135 = tpu.memref_squeeze %dma_start3A_134 : memref<1x128xi32, #tpu.memory_space<vmem>> -> memref<128xi32, #tpu.memory_space<vmem>>
    %dma_start3A_136 = tpu.memref_slice %arg3[%add3A_131] : memref<50000xi32, #tpu.memory_space<hbm>> -> memref<128xi32, #tpu.memory_space<hbm>>
    %dma_start3A_137 = arith.constant 0 : i32
    %dma_start3A_138 = tpu.memref_slice %arg6[%dma_start3A_132, %dma_start3A_137] : memref<12x128xi32, #tpu.memory_space<vmem>> -> memref<1x128xi32, #tpu.memory_space<vmem>>
    %dma_start3A_139 = tpu.memref_squeeze %dma_start3A_138 : memref<1x128xi32, #tpu.memory_space<vmem>> -> memref<128xi32, #tpu.memory_space<vmem>>
    %dma_start3A_140 = tpu.memref_slice %arg3[%add3A_131] : memref<50000xi32, #tpu.memory_space<hbm>> -> memref<128xi32, #tpu.memory_space<hbm>>
    tpu.enqueue_dma source(%dma_start3A_140 : memref<128xi32, #tpu.memory_space<hbm>>) target(%dma_start3A_139 : memref<128xi32, #tpu.memory_space<vmem>>) target_semaphore(%arg10 : memref<!tpu.dma_semaphore, #tpu.memory_space<semaphore_mem>>)
    %add3A_141 = arith.constant 1408 : i32
    %add3A_142 = arith.addi %mul3A_2, %add3A_141 : i32
    %dma_start3A_143 = arith.constant 11 : i32
    %dma_start3A_144 = arith.constant 0 : i32
    %dma_start3A_145 = tpu.memref_slice %arg6[%dma_start3A_143, %dma_start3A_144] : memref<12x128xi32, #tpu.memory_space<vmem>> -> memref<1x128xi32, #tpu.memory_space<vmem>>
    %dma_start3A_146 = tpu.memref_squeeze %dma_start3A_145 : memref<1x128xi32, #tpu.memory_space<vmem>> -> memref<128xi32, #tpu.memory_space<vmem>>
    %dma_start3A_147 = tpu.memref_slice %arg3[%add3A_142] : memref<50000xi32, #tpu.memory_space<hbm>> -> memref<128xi32, #tpu.memory_space<hbm>>
    %dma_start3A_148 = arith.constant 0 : i32
    %dma_start3A_149 = tpu.memref_slice %arg6[%dma_start3A_143, %dma_start3A_148] : memref<12x128xi32, #tpu.memory_space<vmem>> -> memref<1x128xi32, #tpu.memory_space<vmem>>
    %dma_start3A_150 = tpu.memref_squeeze %dma_start3A_149 : memref<1x128xi32, #tpu.memory_space<vmem>> -> memref<128xi32, #tpu.memory_space<vmem>>
    %dma_start3A_151 = tpu.memref_slice %arg3[%add3A_142] : memref<50000xi32, #tpu.memory_space<hbm>> -> memref<128xi32, #tpu.memory_space<hbm>>
    tpu.enqueue_dma source(%dma_start3A_151 : memref<128xi32, #tpu.memory_space<hbm>>) target(%dma_start3A_150 : memref<128xi32, #tpu.memory_space<vmem>>) target_semaphore(%arg10 : memref<!tpu.dma_semaphore, #tpu.memory_space<semaphore_mem>>)
    %add3A_152 = arith.constant 128 : i32
    %add3A_153 = arith.addi %mul3A_2, %add3A_152 : i32
    %dma_start3A_154 = arith.constant 1 : i32
    %dma_start3A_155 = arith.constant 1 : i32
    %dma_start3A_156 = arith.constant 0 : i32
    %dma_start3A_157 = arith.constant 0 : i32
    %dma_start3A_158 = tpu.memref_slice %arg9[%dma_start3A_154, %dma_start3A_156, %dma_start3A_157] : memref<4x128x128xf32, #tpu.memory_space<vmem>> -> memref<1x128x128xf32, #tpu.memory_space<vmem>>
    %dma_start3A_159 = tpu.memref_squeeze %dma_start3A_158 : memref<1x128x128xf32, #tpu.memory_space<vmem>> -> memref<128x128xf32, #tpu.memory_space<vmem>>
    %dma_start3A_160 = arith.constant 0 : i32
    %dma_start3A_161 = tpu.memref_slice %arg2[%add3A_153, %dma_start3A_160] : memref<50000x128xf32, #tpu.memory_space<hbm>> -> memref<128x128xf32, #tpu.memory_space<hbm>>
    %dma_start3A_162 = tpu.memref_slice %arg11[%dma_start3A_155] : memref<4x!tpu.dma_semaphore, #tpu.memory_space<semaphore_mem>> -> memref<1x!tpu.dma_semaphore, #tpu.memory_space<semaphore_mem>>
    %dma_start3A_163 = tpu.memref_squeeze %dma_start3A_162 : memref<1x!tpu.dma_semaphore, #tpu.memory_space<semaphore_mem>> -> memref<!tpu.dma_semaphore, #tpu.memory_space<semaphore_mem>>
    %dma_start3A_164 = arith.constant 0 : i32
    %dma_start3A_165 = arith.constant 0 : i32
    %dma_start3A_166 = tpu.memref_slice %arg9[%dma_start3A_154, %dma_start3A_164, %dma_start3A_165] : memref<4x128x128xf32, #tpu.memory_space<vmem>> -> memref<1x128x128xf32, #tpu.memory_space<vmem>>
    %dma_start3A_167 = tpu.memref_squeeze %dma_start3A_166 : memref<1x128x128xf32, #tpu.memory_space<vmem>> -> memref<128x128xf32, #tpu.memory_space<vmem>>
    %dma_start3A_168 = arith.constant 0 : i32
    %dma_start3A_169 = tpu.memref_slice %arg2[%add3A_153, %dma_start3A_168] : memref<50000x128xf32, #tpu.memory_space<hbm>> -> memref<128x128xf32, #tpu.memory_space<hbm>>
    tpu.enqueue_dma source(%dma_start3A_169 : memref<128x128xf32, #tpu.memory_space<hbm>>) target(%dma_start3A_167 : memref<128x128xf32, #tpu.memory_space<vmem>>) target_semaphore(%dma_start3A_163 : memref<!tpu.dma_semaphore, #tpu.memory_space<semaphore_mem>>)
    %dma_wait3A = arith.constant 0 : i32
    %dma_wait3A_170 = arith.constant 0 : i32
    %dma_wait3A_171 = tpu.memref_slice %arg6[%dma_wait3A, %dma_wait3A_170] : memref<12x128xi32, #tpu.memory_space<vmem>> -> memref<1x128xi32, #tpu.memory_space<vmem>>
    %dma_wait3A_172 = tpu.memref_squeeze %dma_wait3A_171 : memref<1x128xi32, #tpu.memory_space<vmem>> -> memref<128xi32, #tpu.memory_space<vmem>>
    %dma_wait3A_173 = tpu.memref_slice %arg3[%add3A_4] : memref<50000xi32, #tpu.memory_space<hbm>> -> memref<128xi32, #tpu.memory_space<hbm>>
    %dma_wait3A_174 = arith.constant 0 : i32
    %dma_wait3A_175 = tpu.memref_slice %arg6[%dma_wait3A, %dma_wait3A_174] : memref<12x128xi32, #tpu.memory_space<vmem>> -> memref<1x128xi32, #tpu.memory_space<vmem>>
    %dma_wait3A_176 = tpu.memref_squeeze %dma_wait3A_175 : memref<1x128xi32, #tpu.memory_space<vmem>> -> memref<128xi32, #tpu.memory_space<vmem>>
    %dma_wait3A_177 = tpu.memref_slice %arg3[%add3A_4] : memref<50000xi32, #tpu.memory_space<hbm>> -> memref<128xi32, #tpu.memory_space<hbm>>
    tpu.wait_dma2 semaphore(%arg10 : memref<!tpu.dma_semaphore, #tpu.memory_space<semaphore_mem>>) src(%dma_wait3A_177 : memref<128xi32, #tpu.memory_space<hbm>>) dst(%dma_wait3A_176 : memref<128xi32, #tpu.memory_space<vmem>>)
    %dma_wait3A_178 = arith.constant 0 : i32
    %dma_wait3A_179 = arith.constant 0 : i32
    %dma_wait3A_180 = arith.constant 0 : i32
    %dma_wait3A_181 = arith.constant 0 : i32
    %dma_wait3A_182 = tpu.memref_slice %arg9[%dma_wait3A_178, %dma_wait3A_180, %dma_wait3A_181] : memref<4x128x128xf32, #tpu.memory_space<vmem>> -> memref<1x128x128xf32, #tpu.memory_space<vmem>>
    %dma_wait3A_183 = tpu.memref_squeeze %dma_wait3A_182 : memref<1x128x128xf32, #tpu.memory_space<vmem>> -> memref<128x128xf32, #tpu.memory_space<vmem>>
    %dma_wait3A_184 = arith.constant 0 : i32
    %dma_wait3A_185 = tpu.memref_slice %arg2[%add3A_14, %dma_wait3A_184] : memref<50000x128xf32, #tpu.memory_space<hbm>> -> memref<128x128xf32, #tpu.memory_space<hbm>>
    %dma_wait3A_186 = tpu.memref_slice %arg11[%dma_wait3A_179] : memref<4x!tpu.dma_semaphore, #tpu.memory_space<semaphore_mem>> -> memref<1x!tpu.dma_semaphore, #tpu.memory_space<semaphore_mem>>
    %dma_wait3A_187 = tpu.memref_squeeze %dma_wait3A_186 : memref<1x!tpu.dma_semaphore, #tpu.memory_space<semaphore_mem>> -> memref<!tpu.dma_semaphore, #tpu.memory_space<semaphore_mem>>
    %dma_wait3A_188 = arith.constant 0 : i32
    %dma_wait3A_189 = arith.constant 0 : i32
    %dma_wait3A_190 = tpu.memref_slice %arg9[%dma_wait3A_178, %dma_wait3A_188, %dma_wait3A_189] : memref<4x128x128xf32, #tpu.memory_space<vmem>> -> memref<1x128x128xf32, #tpu.memory_space<vmem>>
    %dma_wait3A_191 = tpu.memref_squeeze %dma_wait3A_190 : memref<1x128x128xf32, #tpu.memory_space<vmem>> -> memref<128x128xf32, #tpu.memory_space<vmem>>
    %dma_wait3A_192 = arith.constant 0 : i32
    %dma_wait3A_193 = tpu.memref_slice %arg2[%add3A_14, %dma_wait3A_192] : memref<50000x128xf32, #tpu.memory_space<hbm>> -> memref<128x128xf32, #tpu.memory_space<hbm>>
    tpu.wait_dma2 semaphore(%dma_wait3A_187 : memref<!tpu.dma_semaphore, #tpu.memory_space<semaphore_mem>>) src(%dma_wait3A_193 : memref<128x128xf32, #tpu.memory_space<hbm>>) dst(%dma_wait3A_191 : memref<128x128xf32, #tpu.memory_space<vmem>>)
    %dma_start3A_194 = arith.constant 0 : i32
    %dma_start3A_195 = arith.constant 0 : i32
    %dma_start3A_196 = arith.constant 0 : i32
    %dma_start3A_197 = arith.constant 0 : i32
    %dma_start3A_198 = arith.constant 0 : i32
    %dma_start3A_199 = tpu.memref_slice %arg9[%dma_start3A_194, %dma_start3A_197, %dma_start3A_198] : memref<4x128x128xf32, #tpu.memory_space<vmem>> -> memref<1x128x128xf32, #tpu.memory_space<vmem>>
    %dma_start3A_200 = tpu.memref_squeeze %dma_start3A_199 : memref<1x128x128xf32, #tpu.memory_space<vmem>> -> memref<128x128xf32, #tpu.memory_space<vmem>>
    %dma_start3A_201 = arith.constant 0 : i32
    %dma_start3A_202 = tpu.memref_slice %arg6[%dma_start3A_195, %dma_start3A_201] : memref<12x128xi32, #tpu.memory_space<vmem>> -> memref<1x128xi32, #tpu.memory_space<vmem>>
    %dma_start3A_203 = tpu.memref_squeeze %dma_start3A_202 : memref<1x128xi32, #tpu.memory_space<vmem>> -> memref<128xi32, #tpu.memory_space<vmem>>
    %dma_start3A_204 = arith.constant 0 : i32
    %dma_start3A_205 = arith.constant 0 : i32
    %dma_start3A_206 = tpu.memref_slice %arg4[%dma_start3A_204, %dma_start3A_205] : memref<100000x128xf32, #tpu.memory_space<hbm>> -> memref<100000x128xf32, #tpu.memory_space<hbm>>
    %dma_start3A_207 = tpu.memref_slice %arg12[%dma_start3A_196] : memref<4x!tpu.dma_semaphore, #tpu.memory_space<semaphore_mem>> -> memref<1x!tpu.dma_semaphore, #tpu.memory_space<semaphore_mem>>
    %dma_start3A_208 = tpu.memref_squeeze %dma_start3A_207 : memref<1x!tpu.dma_semaphore, #tpu.memory_space<semaphore_mem>> -> memref<!tpu.dma_semaphore, #tpu.memory_space<semaphore_mem>>
    tpu.enqueue_indirect_dma source(%dma_start3A_200 : memref<128x128xf32, #tpu.memory_space<vmem>>) target(%dma_start3A_206 : memref<100000x128xf32, #tpu.memory_space<hbm>>) offsets(%dma_start3A_203 : memref<128xi32, #tpu.memory_space<vmem>>) semaphore(%dma_start3A_208 : memref<!tpu.dma_semaphore, #tpu.memory_space<semaphore_mem>>)
    %add3A_209 = arith.constant 256 : i32
    %add3A_210 = arith.addi %mul3A_2, %add3A_209 : i32
    %dma_start3A_211 = arith.constant 2 : i32
    %dma_start3A_212 = arith.constant 2 : i32
    %dma_start3A_213 = arith.constant 0 : i32
    %dma_start3A_214 = arith.constant 0 : i32
    %dma_start3A_215 = tpu.memref_slice %arg9[%dma_start3A_211, %dma_start3A_213, %dma_start3A_214] : memref<4x128x128xf32, #tpu.memory_space<vmem>> -> memref<1x128x128xf32, #tpu.memory_space<vmem>>
    %dma_start3A_216 = tpu.memref_squeeze %dma_start3A_215 : memref<1x128x128xf32, #tpu.memory_space<vmem>> -> memref<128x128xf32, #tpu.memory_space<vmem>>
    %dma_start3A_217 = arith.constant 0 : i32
    %dma_start3A_218 = tpu.memref_slice %arg2[%add3A_210, %dma_start3A_217] : memref<50000x128xf32, #tpu.memory_space<hbm>> -> memref<128x128xf32, #tpu.memory_space<hbm>>
    %dma_start3A_219 = tpu.memref_slice %arg11[%dma_start3A_212] : memref<4x!tpu.dma_semaphore, #tpu.memory_space<semaphore_mem>> -> memref<1x!tpu.dma_semaphore, #tpu.memory_space<semaphore_mem>>
    %dma_start3A_220 = tpu.memref_squeeze %dma_start3A_219 : memref<1x!tpu.dma_semaphore, #tpu.memory_space<semaphore_mem>> -> memref<!tpu.dma_semaphore, #tpu.memory_space<semaphore_mem>>
    %dma_start3A_221 = arith.constant 0 : i32
    %dma_start3A_222 = arith.constant 0 : i32
    %dma_start3A_223 = tpu.memref_slice %arg9[%dma_start3A_211, %dma_start3A_221, %dma_start3A_222] : memref<4x128x128xf32, #tpu.memory_space<vmem>> -> memref<1x128x128xf32, #tpu.memory_space<vmem>>
    %dma_start3A_224 = tpu.memref_squeeze %dma_start3A_223 : memref<1x128x128xf32, #tpu.memory_space<vmem>> -> memref<128x128xf32, #tpu.memory_space<vmem>>
    %dma_start3A_225 = arith.constant 0 : i32
    %dma_start3A_226 = tpu.memref_slice %arg2[%add3A_210, %dma_start3A_225] : memref<50000x128xf32, #tpu.memory_space<hbm>> -> memref<128x128xf32, #tpu.memory_space<hbm>>
    tpu.enqueue_dma source(%dma_start3A_226 : memref<128x128xf32, #tpu.memory_space<hbm>>) target(%dma_start3A_224 : memref<128x128xf32, #tpu.memory_space<vmem>>) target_semaphore(%dma_start3A_220 : memref<!tpu.dma_semaphore, #tpu.memory_space<semaphore_mem>>)
    %dma_wait3A_227 = arith.constant 1 : i32
    %dma_wait3A_228 = arith.constant 0 : i32
    %dma_wait3A_229 = tpu.memref_slice %arg6[%dma_wait3A_227, %dma_wait3A_228] : memref<12x128xi32, #tpu.memory_space<vmem>> -> memref<1x128xi32, #tpu.memory_space<vmem>>
    %dma_wait3A_230 = tpu.memref_squeeze %dma_wait3A_229 : memref<1x128xi32, #tpu.memory_space<vmem>> -> memref<128xi32, #tpu.memory_space<vmem>>
    %dma_wait3A_231 = tpu.memref_slice %arg3[%add3A_32] : memref<50000xi32, #tpu.memory_space<hbm>> -> memref<128xi32, #tpu.memory_space<hbm>>
    %dma_wait3A_232 = arith.constant 0 : i32
    %dma_wait3A_233 = tpu.memref_slice %arg6[%dma_wait3A_227, %dma_wait3A_232] : memref<12x128xi32, #tpu.memory_space<vmem>> -> memref<1x128xi32, #tpu.memory_space<vmem>>
    %dma_wait3A_234 = tpu.memref_squeeze %dma_wait3A_233 : memref<1x128xi32, #tpu.memory_space<vmem>> -> memref<128xi32, #tpu.memory_space<vmem>>
    %dma_wait3A_235 = tpu.memref_slice %arg3[%add3A_32] : memref<50000xi32, #tpu.memory_space<hbm>> -> memref<128xi32, #tpu.memory_space<hbm>>
    tpu.wait_dma2 semaphore(%arg10 : memref<!tpu.dma_semaphore, #tpu.memory_space<semaphore_mem>>) src(%dma_wait3A_235 : memref<128xi32, #tpu.memory_space<hbm>>) dst(%dma_wait3A_234 : memref<128xi32, #tpu.memory_space<vmem>>)
    %dma_wait3A_236 = arith.constant 1 : i32
    %dma_wait3A_237 = arith.constant 1 : i32
    %dma_wait3A_238 = arith.constant 0 : i32
    %dma_wait3A_239 = arith.constant 0 : i32
    %dma_wait3A_240 = tpu.memref_slice %arg9[%dma_wait3A_236, %dma_wait3A_238, %dma_wait3A_239] : memref<4x128x128xf32, #tpu.memory_space<vmem>> -> memref<1x128x128xf32, #tpu.memory_space<vmem>>
    %dma_wait3A_241 = tpu.memref_squeeze %dma_wait3A_240 : memref<1x128x128xf32, #tpu.memory_space<vmem>> -> memref<128x128xf32, #tpu.memory_space<vmem>>
    %dma_wait3A_242 = arith.constant 0 : i32
    %dma_wait3A_243 = tpu.memref_slice %arg2[%add3A_153, %dma_wait3A_242] : memref<50000x128xf32, #tpu.memory_space<hbm>> -> memref<128x128xf32, #tpu.memory_space<hbm>>
    %dma_wait3A_244 = tpu.memref_slice %arg11[%dma_wait3A_237] : memref<4x!tpu.dma_semaphore, #tpu.memory_space<semaphore_mem>> -> memref<1x!tpu.dma_semaphore, #tpu.memory_space<semaphore_mem>>
    %dma_wait3A_245 = tpu.memref_squeeze %dma_wait3A_244 : memref<1x!tpu.dma_semaphore, #tpu.memory_space<semaphore_mem>> -> memref<!tpu.dma_semaphore, #tpu.memory_space<semaphore_mem>>
    %dma_wait3A_246 = arith.constant 0 : i32
    %dma_wait3A_247 = arith.constant 0 : i32
    %dma_wait3A_248 = tpu.memref_slice %arg9[%dma_wait3A_236, %dma_wait3A_246, %dma_wait3A_247] : memref<4x128x128xf32, #tpu.memory_space<vmem>> -> memref<1x128x128xf32, #tpu.memory_space<vmem>>
    %dma_wait3A_249 = tpu.memref_squeeze %dma_wait3A_248 : memref<1x128x128xf32, #tpu.memory_space<vmem>> -> memref<128x128xf32, #tpu.memory_space<vmem>>
    %dma_wait3A_250 = arith.constant 0 : i32
    %dma_wait3A_251 = tpu.memref_slice %arg2[%add3A_153, %dma_wait3A_250] : memref<50000x128xf32, #tpu.memory_space<hbm>> -> memref<128x128xf32, #tpu.memory_space<hbm>>
    tpu.wait_dma2 semaphore(%dma_wait3A_245 : memref<!tpu.dma_semaphore, #tpu.memory_space<semaphore_mem>>) src(%dma_wait3A_251 : memref<128x128xf32, #tpu.memory_space<hbm>>) dst(%dma_wait3A_249 : memref<128x128xf32, #tpu.memory_space<vmem>>)
    %dma_start3A_252 = arith.constant 1 : i32
    %dma_start3A_253 = arith.constant 1 : i32
    %dma_start3A_254 = arith.constant 1 : i32
    %dma_start3A_255 = arith.constant 0 : i32
    %dma_start3A_256 = arith.constant 0 : i32
    %dma_start3A_257 = tpu.memref_slice %arg9[%dma_start3A_252, %dma_start3A_255, %dma_start3A_256] : memref<4x128x128xf32, #tpu.memory_space<vmem>> -> memref<1x128x128xf32, #tpu.memory_space<vmem>>
    %dma_start3A_258 = tpu.memref_squeeze %dma_start3A_257 : memref<1x128x128xf32, #tpu.memory_space<vmem>> -> memref<128x128xf32, #tpu.memory_space<vmem>>
    %dma_start3A_259 = arith.constant 0 : i32
    %dma_start3A_260 = tpu.memref_slice %arg6[%dma_start3A_253, %dma_start3A_259] : memref<12x128xi32, #tpu.memory_space<vmem>> -> memref<1x128xi32, #tpu.memory_space<vmem>>
    %dma_start3A_261 = tpu.memref_squeeze %dma_start3A_260 : memref<1x128xi32, #tpu.memory_space<vmem>> -> memref<128xi32, #tpu.memory_space<vmem>>
    %dma_start3A_262 = arith.constant 0 : i32
    %dma_start3A_263 = arith.constant 0 : i32
    %dma_start3A_264 = tpu.memref_slice %arg4[%dma_start3A_262, %dma_start3A_263] : memref<100000x128xf32, #tpu.memory_space<hbm>> -> memref<100000x128xf32, #tpu.memory_space<hbm>>
    %dma_start3A_265 = tpu.memref_slice %arg12[%dma_start3A_254] : memref<4x!tpu.dma_semaphore, #tpu.memory_space<semaphore_mem>> -> memref<1x!tpu.dma_semaphore, #tpu.memory_space<semaphore_mem>>
    %dma_start3A_266 = tpu.memref_squeeze %dma_start3A_265 : memref<1x!tpu.dma_semaphore, #tpu.memory_space<semaphore_mem>> -> memref<!tpu.dma_semaphore, #tpu.memory_space<semaphore_mem>>
    tpu.enqueue_indirect_dma source(%dma_start3A_258 : memref<128x128xf32, #tpu.memory_space<vmem>>) target(%dma_start3A_264 : memref<100000x128xf32, #tpu.memory_space<hbm>>) offsets(%dma_start3A_261 : memref<128xi32, #tpu.memory_space<vmem>>) semaphore(%dma_start3A_266 : memref<!tpu.dma_semaphore, #tpu.memory_space<semaphore_mem>>)
    %add3A_267 = arith.constant 384 : i32
    %add3A_268 = arith.addi %mul3A_2, %add3A_267 : i32
    %dma_start3A_269 = arith.constant 3 : i32
    %dma_start3A_270 = arith.constant 3 : i32
    %dma_start3A_271 = arith.constant 0 : i32
    %dma_start3A_272 = arith.constant 0 : i32
    %dma_start3A_273 = tpu.memref_slice %arg9[%dma_start3A_269, %dma_start3A_271, %dma_start3A_272] : memref<4x128x128xf32, #tpu.memory_space<vmem>> -> memref<1x128x128xf32, #tpu.memory_space<vmem>>
    %dma_start3A_274 = tpu.memref_squeeze %dma_start3A_273 : memref<1x128x128xf32, #tpu.memory_space<vmem>> -> memref<128x128xf32, #tpu.memory_space<vmem>>
    %dma_start3A_275 = arith.constant 0 : i32
    %dma_start3A_276 = tpu.memref_slice %arg2[%add3A_268, %dma_start3A_275] : memref<50000x128xf32, #tpu.memory_space<hbm>> -> memref<128x128xf32, #tpu.memory_space<hbm>>
    %dma_start3A_277 = tpu.memref_slice %arg11[%dma_start3A_270] : memref<4x!tpu.dma_semaphore, #tpu.memory_space<semaphore_mem>> -> memref<1x!tpu.dma_semaphore, #tpu.memory_space<semaphore_mem>>
    %dma_start3A_278 = tpu.memref_squeeze %dma_start3A_277 : memref<1x!tpu.dma_semaphore, #tpu.memory_space<semaphore_mem>> -> memref<!tpu.dma_semaphore, #tpu.memory_space<semaphore_mem>>
    %dma_start3A_279 = arith.constant 0 : i32
    %dma_start3A_280 = arith.constant 0 : i32
    %dma_start3A_281 = tpu.memref_slice %arg9[%dma_start3A_269, %dma_start3A_279, %dma_start3A_280] : memref<4x128x128xf32, #tpu.memory_space<vmem>> -> memref<1x128x128xf32, #tpu.memory_space<vmem>>
    %dma_start3A_282 = tpu.memref_squeeze %dma_start3A_281 : memref<1x128x128xf32, #tpu.memory_space<vmem>> -> memref<128x128xf32, #tpu.memory_space<vmem>>
    %dma_start3A_283 = arith.constant 0 : i32
    %dma_start3A_284 = tpu.memref_slice %arg2[%add3A_268, %dma_start3A_283] : memref<50000x128xf32, #tpu.memory_space<hbm>> -> memref<128x128xf32, #tpu.memory_space<hbm>>
    tpu.enqueue_dma source(%dma_start3A_284 : memref<128x128xf32, #tpu.memory_space<hbm>>) target(%dma_start3A_282 : memref<128x128xf32, #tpu.memory_space<vmem>>) target_semaphore(%dma_start3A_278 : memref<!tpu.dma_semaphore, #tpu.memory_space<semaphore_mem>>)
    %dma_wait3A_285 = arith.constant 2 : i32
    %dma_wait3A_286 = arith.constant 0 : i32
    %dma_wait3A_287 = tpu.memref_slice %arg6[%dma_wait3A_285, %dma_wait3A_286] : memref<12x128xi32, #tpu.memory_space<vmem>> -> memref<1x128xi32, #tpu.memory_space<vmem>>
    %dma_wait3A_288 = tpu.memref_squeeze %dma_wait3A_287 : memref<1x128xi32, #tpu.memory_space<vmem>> -> memref<128xi32, #tpu.memory_space<vmem>>
    %dma_wait3A_289 = tpu.memref_slice %arg3[%add3A_43] : memref<50000xi32, #tpu.memory_space<hbm>> -> memref<128xi32, #tpu.memory_space<hbm>>
    %dma_wait3A_290 = arith.constant 0 : i32
    %dma_wait3A_291 = tpu.memref_slice %arg6[%dma_wait3A_285, %dma_wait3A_290] : memref<12x128xi32, #tpu.memory_space<vmem>> -> memref<1x128xi32, #tpu.memory_space<vmem>>
    %dma_wait3A_292 = tpu.memref_squeeze %dma_wait3A_291 : memref<1x128xi32, #tpu.memory_space<vmem>> -> memref<128xi32, #tpu.memory_space<vmem>>
    %dma_wait3A_293 = tpu.memref_slice %arg3[%add3A_43] : memref<50000xi32, #tpu.memory_space<hbm>> -> memref<128xi32, #tpu.memory_space<hbm>>
    tpu.wait_dma2 semaphore(%arg10 : memref<!tpu.dma_semaphore, #tpu.memory_space<semaphore_mem>>) src(%dma_wait3A_293 : memref<128xi32, #tpu.memory_space<hbm>>) dst(%dma_wait3A_292 : memref<128xi32, #tpu.memory_space<vmem>>)
    %dma_wait3A_294 = arith.constant 2 : i32
    %dma_wait3A_295 = arith.constant 2 : i32
    %dma_wait3A_296 = arith.constant 0 : i32
    %dma_wait3A_297 = arith.constant 0 : i32
    %dma_wait3A_298 = tpu.memref_slice %arg9[%dma_wait3A_294, %dma_wait3A_296, %dma_wait3A_297] : memref<4x128x128xf32, #tpu.memory_space<vmem>> -> memref<1x128x128xf32, #tpu.memory_space<vmem>>
    %dma_wait3A_299 = tpu.memref_squeeze %dma_wait3A_298 : memref<1x128x128xf32, #tpu.memory_space<vmem>> -> memref<128x128xf32, #tpu.memory_space<vmem>>
    %dma_wait3A_300 = arith.constant 0 : i32
    %dma_wait3A_301 = tpu.memref_slice %arg2[%add3A_210, %dma_wait3A_300] : memref<50000x128xf32, #tpu.memory_space<hbm>> -> memref<128x128xf32, #tpu.memory_space<hbm>>
    %dma_wait3A_302 = tpu.memref_slice %arg11[%dma_wait3A_295] : memref<4x!tpu.dma_semaphore, #tpu.memory_space<semaphore_mem>> -> memref<1x!tpu.dma_semaphore, #tpu.memory_space<semaphore_mem>>
    %dma_wait3A_303 = tpu.memref_squeeze %dma_wait3A_302 : memref<1x!tpu.dma_semaphore, #tpu.memory_space<semaphore_mem>> -> memref<!tpu.dma_semaphore, #tpu.memory_space<semaphore_mem>>
    %dma_wait3A_304 = arith.constant 0 : i32
    %dma_wait3A_305 = arith.constant 0 : i32
    %dma_wait3A_306 = tpu.memref_slice %arg9[%dma_wait3A_294, %dma_wait3A_304, %dma_wait3A_305] : memref<4x128x128xf32, #tpu.memory_space<vmem>> -> memref<1x128x128xf32, #tpu.memory_space<vmem>>
    %dma_wait3A_307 = tpu.memref_squeeze %dma_wait3A_306 : memref<1x128x128xf32, #tpu.memory_space<vmem>> -> memref<128x128xf32, #tpu.memory_space<vmem>>
    %dma_wait3A_308 = arith.constant 0 : i32
    %dma_wait3A_309 = tpu.memref_slice %arg2[%add3A_210, %dma_wait3A_308] : memref<50000x128xf32, #tpu.memory_space<hbm>> -> memref<128x128xf32, #tpu.memory_space<hbm>>
    tpu.wait_dma2 semaphore(%dma_wait3A_303 : memref<!tpu.dma_semaphore, #tpu.memory_space<semaphore_mem>>) src(%dma_wait3A_309 : memref<128x128xf32, #tpu.memory_space<hbm>>) dst(%dma_wait3A_307 : memref<128x128xf32, #tpu.memory_space<vmem>>)
    %dma_start3A_310 = arith.constant 2 : i32
    %dma_start3A_311 = arith.constant 2 : i32
    %dma_start3A_312 = arith.constant 2 : i32
    %dma_start3A_313 = arith.constant 0 : i32
    %dma_start3A_314 = arith.constant 0 : i32
    %dma_start3A_315 = tpu.memref_slice %arg9[%dma_start3A_310, %dma_start3A_313, %dma_start3A_314] : memref<4x128x128xf32, #tpu.memory_space<vmem>> -> memref<1x128x128xf32, #tpu.memory_space<vmem>>
    %dma_start3A_316 = tpu.memref_squeeze %dma_start3A_315 : memref<1x128x128xf32, #tpu.memory_space<vmem>> -> memref<128x128xf32, #tpu.memory_space<vmem>>
    %dma_start3A_317 = arith.constant 0 : i32
    %dma_start3A_318 = tpu.memref_slice %arg6[%dma_start3A_311, %dma_start3A_317] : memref<12x128xi32, #tpu.memory_space<vmem>> -> memref<1x128xi32, #tpu.memory_space<vmem>>
    %dma_start3A_319 = tpu.memref_squeeze %dma_start3A_318 : memref<1x128xi32, #tpu.memory_space<vmem>> -> memref<128xi32, #tpu.memory_space<vmem>>
    %dma_start3A_320 = arith.constant 0 : i32
    %dma_start3A_321 = arith.constant 0 : i32
    %dma_start3A_322 = tpu.memref_slice %arg4[%dma_start3A_320, %dma_start3A_321] : memref<100000x128xf32, #tpu.memory_space<hbm>> -> memref<100000x128xf32, #tpu.memory_space<hbm>>
    %dma_start3A_323 = tpu.memref_slice %arg12[%dma_start3A_312] : memref<4x!tpu.dma_semaphore, #tpu.memory_space<semaphore_mem>> -> memref<1x!tpu.dma_semaphore, #tpu.memory_space<semaphore_mem>>
    %dma_start3A_324 = tpu.memref_squeeze %dma_start3A_323 : memref<1x!tpu.dma_semaphore, #tpu.memory_space<semaphore_mem>> -> memref<!tpu.dma_semaphore, #tpu.memory_space<semaphore_mem>>
    tpu.enqueue_indirect_dma source(%dma_start3A_316 : memref<128x128xf32, #tpu.memory_space<vmem>>) target(%dma_start3A_322 : memref<100000x128xf32, #tpu.memory_space<hbm>>) offsets(%dma_start3A_319 : memref<128xi32, #tpu.memory_space<vmem>>) semaphore(%dma_start3A_324 : memref<!tpu.dma_semaphore, #tpu.memory_space<semaphore_mem>>)
    %dma_wait3A_325 = arith.constant 0 : i32
    %dma_wait3A_326 = arith.constant 0 : i32
    %dma_wait3A_327 = arith.constant 0 : i32
    %dma_wait3A_328 = arith.constant 0 : i32
    %dma_wait3A_329 = arith.constant 0 : i32
    %dma_wait3A_330 = tpu.memref_slice %arg9[%dma_wait3A_325, %dma_wait3A_328, %dma_wait3A_329] : memref<4x128x128xf32, #tpu.memory_space<vmem>> -> memref<1x128x128xf32, #tpu.memory_space<vmem>>
    %dma_wait3A_331 = tpu.memref_squeeze %dma_wait3A_330 : memref<1x128x128xf32, #tpu.memory_space<vmem>> -> memref<128x128xf32, #tpu.memory_space<vmem>>
    %dma_wait3A_332 = arith.constant 0 : i32
    %dma_wait3A_333 = tpu.memref_slice %arg6[%dma_wait3A_326, %dma_wait3A_332] : memref<12x128xi32, #tpu.memory_space<vmem>> -> memref<1x128xi32, #tpu.memory_space<vmem>>
    %dma_wait3A_334 = tpu.memref_squeeze %dma_wait3A_333 : memref<1x128xi32, #tpu.memory_space<vmem>> -> memref<128xi32, #tpu.memory_space<vmem>>
    %dma_wait3A_335 = arith.constant 0 : i32
    %dma_wait3A_336 = arith.constant 0 : i32
    %dma_wait3A_337 = tpu.memref_slice %arg4[%dma_wait3A_335, %dma_wait3A_336] : memref<100000x128xf32, #tpu.memory_space<hbm>> -> memref<100000x128xf32, #tpu.memory_space<hbm>>
    %dma_wait3A_338 = tpu.memref_slice %arg12[%dma_wait3A_327] : memref<4x!tpu.dma_semaphore, #tpu.memory_space<semaphore_mem>> -> memref<1x!tpu.dma_semaphore, #tpu.memory_space<semaphore_mem>>
    %dma_wait3A_339 = tpu.memref_squeeze %dma_wait3A_338 : memref<1x!tpu.dma_semaphore, #tpu.memory_space<semaphore_mem>> -> memref<!tpu.dma_semaphore, #tpu.memory_space<semaphore_mem>>
    tpu.wait_indirect_dma semaphore(%dma_wait3A_339 : memref<!tpu.dma_semaphore, #tpu.memory_space<semaphore_mem>>) src(%dma_wait3A_331 : memref<128x128xf32, #tpu.memory_space<vmem>>) dst(%dma_wait3A_337 : memref<100000x128xf32, #tpu.memory_space<hbm>>)
    %add3A_340 = arith.constant 512 : i32
    %add3A_341 = arith.addi %mul3A_2, %add3A_340 : i32
    %dma_start3A_342 = arith.constant 0 : i32
    %dma_start3A_343 = arith.constant 0 : i32
    %dma_start3A_344 = arith.constant 0 : i32
    %dma_start3A_345 = arith.constant 0 : i32
    %dma_start3A_346 = tpu.memref_slice %arg9[%dma_start3A_342, %dma_start3A_344, %dma_start3A_345] : memref<4x128x128xf32, #tpu.memory_space<vmem>> -> memref<1x128x128xf32, #tpu.memory_space<vmem>>
    %dma_start3A_347 = tpu.memref_squeeze %dma_start3A_346 : memref<1x128x128xf32, #tpu.memory_space<vmem>> -> memref<128x128xf32, #tpu.memory_space<vmem>>
    %dma_start3A_348 = arith.constant 0 : i32
    %dma_start3A_349 = tpu.memref_slice %arg2[%add3A_341, %dma_start3A_348] : memref<50000x128xf32, #tpu.memory_space<hbm>> -> memref<128x128xf32, #tpu.memory_space<hbm>>
    %dma_start3A_350 = tpu.memref_slice %arg11[%dma_start3A_343] : memref<4x!tpu.dma_semaphore, #tpu.memory_space<semaphore_mem>> -> memref<1x!tpu.dma_semaphore, #tpu.memory_space<semaphore_mem>>
    %dma_start3A_351 = tpu.memref_squeeze %dma_start3A_350 : memref<1x!tpu.dma_semaphore, #tpu.memory_space<semaphore_mem>> -> memref<!tpu.dma_semaphore, #tpu.memory_space<semaphore_mem>>
    %dma_start3A_352 = arith.constant 0 : i32
    %dma_start3A_353 = arith.constant 0 : i32
    %dma_start3A_354 = tpu.memref_slice %arg9[%dma_start3A_342, %dma_start3A_352, %dma_start3A_353] : memref<4x128x128xf32, #tpu.memory_space<vmem>> -> memref<1x128x128xf32, #tpu.memory_space<vmem>>
    %dma_start3A_355 = tpu.memref_squeeze %dma_start3A_354 : memref<1x128x128xf32, #tpu.memory_space<vmem>> -> memref<128x128xf32, #tpu.memory_space<vmem>>
    %dma_start3A_356 = arith.constant 0 : i32
    %dma_start3A_357 = tpu.memref_slice %arg2[%add3A_341, %dma_start3A_356] : memref<50000x128xf32, #tpu.memory_space<hbm>> -> memref<128x128xf32, #tpu.memory_space<hbm>>
    tpu.enqueue_dma source(%dma_start3A_357 : memref<128x128xf32, #tpu.memory_space<hbm>>) target(%dma_start3A_355 : memref<128x128xf32, #tpu.memory_space<vmem>>) target_semaphore(%dma_start3A_351 : memref<!tpu.dma_semaphore, #tpu.memory_space<semaphore_mem>>)
    %dma_wait3A_358 = arith.constant 3 : i32
    %dma_wait3A_359 = arith.constant 0 : i32
    %dma_wait3A_360 = tpu.memref_slice %arg6[%dma_wait3A_358, %dma_wait3A_359] : memref<12x128xi32, #tpu.memory_space<vmem>> -> memref<1x128xi32, #tpu.memory_space<vmem>>
    %dma_wait3A_361 = tpu.memref_squeeze %dma_wait3A_360 : memref<1x128xi32, #tpu.memory_space<vmem>> -> memref<128xi32, #tpu.memory_space<vmem>>
    %dma_wait3A_362 = tpu.memref_slice %arg3[%add3A_54] : memref<50000xi32, #tpu.memory_space<hbm>> -> memref<128xi32, #tpu.memory_space<hbm>>
    %dma_wait3A_363 = arith.constant 0 : i32
    %dma_wait3A_364 = tpu.memref_slice %arg6[%dma_wait3A_358, %dma_wait3A_363] : memref<12x128xi32, #tpu.memory_space<vmem>> -> memref<1x128xi32, #tpu.memory_space<vmem>>
    %dma_wait3A_365 = tpu.memref_squeeze %dma_wait3A_364 : memref<1x128xi32, #tpu.memory_space<vmem>> -> memref<128xi32, #tpu.memory_space<vmem>>
    %dma_wait3A_366 = tpu.memref_slice %arg3[%add3A_54] : memref<50000xi32, #tpu.memory_space<hbm>> -> memref<128xi32, #tpu.memory_space<hbm>>
    tpu.wait_dma2 semaphore(%arg10 : memref<!tpu.dma_semaphore, #tpu.memory_space<semaphore_mem>>) src(%dma_wait3A_366 : memref<128xi32, #tpu.memory_space<hbm>>) dst(%dma_wait3A_365 : memref<128xi32, #tpu.memory_space<vmem>>)
    %dma_wait3A_367 = arith.constant 3 : i32
    %dma_wait3A_368 = arith.constant 3 : i32
    %dma_wait3A_369 = arith.constant 0 : i32
    %dma_wait3A_370 = arith.constant 0 : i32
    %dma_wait3A_371 = tpu.memref_slice %arg9[%dma_wait3A_367, %dma_wait3A_369, %dma_wait3A_370] : memref<4x128x128xf32, #tpu.memory_space<vmem>> -> memref<1x128x128xf32, #tpu.memory_space<vmem>>
    %dma_wait3A_372 = tpu.memref_squeeze %dma_wait3A_371 : memref<1x128x128xf32, #tpu.memory_space<vmem>> -> memref<128x128xf32, #tpu.memory_space<vmem>>
    %dma_wait3A_373 = arith.constant 0 : i32
    %dma_wait3A_374 = tpu.memref_slice %arg2[%add3A_268, %dma_wait3A_373] : memref<50000x128xf32, #tpu.memory_space<hbm>> -> memref<128x128xf32, #tpu.memory_space<hbm>>
    %dma_wait3A_375 = tpu.memref_slice %arg11[%dma_wait3A_368] : memref<4x!tpu.dma_semaphore, #tpu.memory_space<semaphore_mem>> -> memref<1x!tpu.dma_semaphore, #tpu.memory_space<semaphore_mem>>
    %dma_wait3A_376 = tpu.memref_squeeze %dma_wait3A_375 : memref<1x!tpu.dma_semaphore, #tpu.memory_space<semaphore_mem>> -> memref<!tpu.dma_semaphore, #tpu.memory_space<semaphore_mem>>
    %dma_wait3A_377 = arith.constant 0 : i32
    %dma_wait3A_378 = arith.constant 0 : i32
    %dma_wait3A_379 = tpu.memref_slice %arg9[%dma_wait3A_367, %dma_wait3A_377, %dma_wait3A_378] : memref<4x128x128xf32, #tpu.memory_space<vmem>> -> memref<1x128x128xf32, #tpu.memory_space<vmem>>
    %dma_wait3A_380 = tpu.memref_squeeze %dma_wait3A_379 : memref<1x128x128xf32, #tpu.memory_space<vmem>> -> memref<128x128xf32, #tpu.memory_space<vmem>>
    %dma_wait3A_381 = arith.constant 0 : i32
    %dma_wait3A_382 = tpu.memref_slice %arg2[%add3A_268, %dma_wait3A_381] : memref<50000x128xf32, #tpu.memory_space<hbm>> -> memref<128x128xf32, #tpu.memory_space<hbm>>
    tpu.wait_dma2 semaphore(%dma_wait3A_376 : memref<!tpu.dma_semaphore, #tpu.memory_space<semaphore_mem>>) src(%dma_wait3A_382 : memref<128x128xf32, #tpu.memory_space<hbm>>) dst(%dma_wait3A_380 : memref<128x128xf32, #tpu.memory_space<vmem>>)
    %dma_start3A_383 = arith.constant 3 : i32
    %dma_start3A_384 = arith.constant 3 : i32
    %dma_start3A_385 = arith.constant 3 : i32
    %dma_start3A_386 = arith.constant 0 : i32
    %dma_start3A_387 = arith.constant 0 : i32
    %dma_start3A_388 = tpu.memref_slice %arg9[%dma_start3A_383, %dma_start3A_386, %dma_start3A_387] : memref<4x128x128xf32, #tpu.memory_space<vmem>> -> memref<1x128x128xf32, #tpu.memory_space<vmem>>
    %dma_start3A_389 = tpu.memref_squeeze %dma_start3A_388 : memref<1x128x128xf32, #tpu.memory_space<vmem>> -> memref<128x128xf32, #tpu.memory_space<vmem>>
    %dma_start3A_390 = arith.constant 0 : i32
    %dma_start3A_391 = tpu.memref_slice %arg6[%dma_start3A_384, %dma_start3A_390] : memref<12x128xi32, #tpu.memory_space<vmem>> -> memref<1x128xi32, #tpu.memory_space<vmem>>
    %dma_start3A_392 = tpu.memref_squeeze %dma_start3A_391 : memref<1x128xi32, #tpu.memory_space<vmem>> -> memref<128xi32, #tpu.memory_space<vmem>>
    %dma_start3A_393 = arith.constant 0 : i32
    %dma_start3A_394 = arith.constant 0 : i32
    %dma_start3A_395 = tpu.memref_slice %arg4[%dma_start3A_393, %dma_start3A_394] : memref<100000x128xf32, #tpu.memory_space<hbm>> -> memref<100000x128xf32, #tpu.memory_space<hbm>>
    %dma_start3A_396 = tpu.memref_slice %arg12[%dma_start3A_385] : memref<4x!tpu.dma_semaphore, #tpu.memory_space<semaphore_mem>> -> memref<1x!tpu.dma_semaphore, #tpu.memory_space<semaphore_mem>>
    %dma_start3A_397 = tpu.memref_squeeze %dma_start3A_396 : memref<1x!tpu.dma_semaphore, #tpu.memory_space<semaphore_mem>> -> memref<!tpu.dma_semaphore, #tpu.memory_space<semaphore_mem>>
    tpu.enqueue_indirect_dma source(%dma_start3A_389 : memref<128x128xf32, #tpu.memory_space<vmem>>) target(%dma_start3A_395 : memref<100000x128xf32, #tpu.memory_space<hbm>>) offsets(%dma_start3A_392 : memref<128xi32, #tpu.memory_space<vmem>>) semaphore(%dma_start3A_397 : memref<!tpu.dma_semaphore, #tpu.memory_space<semaphore_mem>>)
    %dma_wait3A_398 = arith.constant 1 : i32
    %dma_wait3A_399 = arith.constant 1 : i32
    %dma_wait3A_400 = arith.constant 1 : i32
    %dma_wait3A_401 = arith.constant 0 : i32
    %dma_wait3A_402 = arith.constant 0 : i32
    %dma_wait3A_403 = tpu.memref_slice %arg9[%dma_wait3A_398, %dma_wait3A_401, %dma_wait3A_402] : memref<4x128x128xf32, #tpu.memory_space<vmem>> -> memref<1x128x128xf32, #tpu.memory_space<vmem>>
    %dma_wait3A_404 = tpu.memref_squeeze %dma_wait3A_403 : memref<1x128x128xf32, #tpu.memory_space<vmem>> -> memref<128x128xf32, #tpu.memory_space<vmem>>
    %dma_wait3A_405 = arith.constant 0 : i32
    %dma_wait3A_406 = tpu.memref_slice %arg6[%dma_wait3A_399, %dma_wait3A_405] : memref<12x128xi32, #tpu.memory_space<vmem>> -> memref<1x128xi32, #tpu.memory_space<vmem>>
    %dma_wait3A_407 = tpu.memref_squeeze %dma_wait3A_406 : memref<1x128xi32, #tpu.memory_space<vmem>> -> memref<128xi32, #tpu.memory_space<vmem>>
    %dma_wait3A_408 = arith.constant 0 : i32
    %dma_wait3A_409 = arith.constant 0 : i32
    %dma_wait3A_410 = tpu.memref_slice %arg4[%dma_wait3A_408, %dma_wait3A_409] : memref<100000x128xf32, #tpu.memory_space<hbm>> -> memref<100000x128xf32, #tpu.memory_space<hbm>>
    %dma_wait3A_411 = tpu.memref_slice %arg12[%dma_wait3A_400] : memref<4x!tpu.dma_semaphore, #tpu.memory_space<semaphore_mem>> -> memref<1x!tpu.dma_semaphore, #tpu.memory_space<semaphore_mem>>
    %dma_wait3A_412 = tpu.memref_squeeze %dma_wait3A_411 : memref<1x!tpu.dma_semaphore, #tpu.memory_space<semaphore_mem>> -> memref<!tpu.dma_semaphore, #tpu.memory_space<semaphore_mem>>
    tpu.wait_indirect_dma semaphore(%dma_wait3A_412 : memref<!tpu.dma_semaphore, #tpu.memory_space<semaphore_mem>>) src(%dma_wait3A_404 : memref<128x128xf32, #tpu.memory_space<vmem>>) dst(%dma_wait3A_410 : memref<100000x128xf32, #tpu.memory_space<hbm>>)
    %add3A_413 = arith.constant 640 : i32
    %add3A_414 = arith.addi %mul3A_2, %add3A_413 : i32
    %dma_start3A_415 = arith.constant 1 : i32
    %dma_start3A_416 = arith.constant 1 : i32
    %dma_start3A_417 = arith.constant 0 : i32
    %dma_start3A_418 = arith.constant 0 : i32
    %dma_start3A_419 = tpu.memref_slice %arg9[%dma_start3A_415, %dma_start3A_417, %dma_start3A_418] : memref<4x128x128xf32, #tpu.memory_space<vmem>> -> memref<1x128x128xf32, #tpu.memory_space<vmem>>
    %dma_start3A_420 = tpu.memref_squeeze %dma_start3A_419 : memref<1x128x128xf32, #tpu.memory_space<vmem>> -> memref<128x128xf32, #tpu.memory_space<vmem>>
    %dma_start3A_421 = arith.constant 0 : i32
    %dma_start3A_422 = tpu.memref_slice %arg2[%add3A_414, %dma_start3A_421] : memref<50000x128xf32, #tpu.memory_space<hbm>> -> memref<128x128xf32, #tpu.memory_space<hbm>>
    %dma_start3A_423 = tpu.memref_slice %arg11[%dma_start3A_416] : memref<4x!tpu.dma_semaphore, #tpu.memory_space<semaphore_mem>> -> memref<1x!tpu.dma_semaphore, #tpu.memory_space<semaphore_mem>>
    %dma_start3A_424 = tpu.memref_squeeze %dma_start3A_423 : memref<1x!tpu.dma_semaphore, #tpu.memory_space<semaphore_mem>> -> memref<!tpu.dma_semaphore, #tpu.memory_space<semaphore_mem>>
    %dma_start3A_425 = arith.constant 0 : i32
    %dma_start3A_426 = arith.constant 0 : i32
    %dma_start3A_427 = tpu.memref_slice %arg9[%dma_start3A_415, %dma_start3A_425, %dma_start3A_426] : memref<4x128x128xf32, #tpu.memory_space<vmem>> -> memref<1x128x128xf32, #tpu.memory_space<vmem>>
    %dma_start3A_428 = tpu.memref_squeeze %dma_start3A_427 : memref<1x128x128xf32, #tpu.memory_space<vmem>> -> memref<128x128xf32, #tpu.memory_space<vmem>>
    %dma_start3A_429 = arith.constant 0 : i32
    %dma_start3A_430 = tpu.memref_slice %arg2[%add3A_414, %dma_start3A_429] : memref<50000x128xf32, #tpu.memory_space<hbm>> -> memref<128x128xf32, #tpu.memory_space<hbm>>
    tpu.enqueue_dma source(%dma_start3A_430 : memref<128x128xf32, #tpu.memory_space<hbm>>) target(%dma_start3A_428 : memref<128x128xf32, #tpu.memory_space<vmem>>) target_semaphore(%dma_start3A_424 : memref<!tpu.dma_semaphore, #tpu.memory_space<semaphore_mem>>)
    %dma_wait3A_431 = arith.constant 4 : i32
    %dma_wait3A_432 = arith.constant 0 : i32
    %dma_wait3A_433 = tpu.memref_slice %arg6[%dma_wait3A_431, %dma_wait3A_432] : memref<12x128xi32, #tpu.memory_space<vmem>> -> memref<1x128xi32, #tpu.memory_space<vmem>>
    %dma_wait3A_434 = tpu.memref_squeeze %dma_wait3A_433 : memref<1x128xi32, #tpu.memory_space<vmem>> -> memref<128xi32, #tpu.memory_space<vmem>>
    %dma_wait3A_435 = tpu.memref_slice %arg3[%add3A_65] : memref<50000xi32, #tpu.memory_space<hbm>> -> memref<128xi32, #tpu.memory_space<hbm>>
    %dma_wait3A_436 = arith.constant 0 : i32
    %dma_wait3A_437 = tpu.memref_slice %arg6[%dma_wait3A_431, %dma_wait3A_436] : memref<12x128xi32, #tpu.memory_space<vmem>> -> memref<1x128xi32, #tpu.memory_space<vmem>>
    %dma_wait3A_438 = tpu.memref_squeeze %dma_wait3A_437 : memref<1x128xi32, #tpu.memory_space<vmem>> -> memref<128xi32, #tpu.memory_space<vmem>>
    %dma_wait3A_439 = tpu.memref_slice %arg3[%add3A_65] : memref<50000xi32, #tpu.memory_space<hbm>> -> memref<128xi32, #tpu.memory_space<hbm>>
    tpu.wait_dma2 semaphore(%arg10 : memref<!tpu.dma_semaphore, #tpu.memory_space<semaphore_mem>>) src(%dma_wait3A_439 : memref<128xi32, #tpu.memory_space<hbm>>) dst(%dma_wait3A_438 : memref<128xi32, #tpu.memory_space<vmem>>)
    %dma_wait3A_440 = arith.constant 0 : i32
    %dma_wait3A_441 = arith.constant 0 : i32
    %dma_wait3A_442 = arith.constant 0 : i32
    %dma_wait3A_443 = arith.constant 0 : i32
    %dma_wait3A_444 = tpu.memref_slice %arg9[%dma_wait3A_440, %dma_wait3A_442, %dma_wait3A_443] : memref<4x128x128xf32, #tpu.memory_space<vmem>> -> memref<1x128x128xf32, #tpu.memory_space<vmem>>
    %dma_wait3A_445 = tpu.memref_squeeze %dma_wait3A_444 : memref<1x128x128xf32, #tpu.memory_space<vmem>> -> memref<128x128xf32, #tpu.memory_space<vmem>>
    %dma_wait3A_446 = arith.constant 0 : i32
    %dma_wait3A_447 = tpu.memref_slice %arg2[%add3A_341, %dma_wait3A_446] : memref<50000x128xf32, #tpu.memory_space<hbm>> -> memref<128x128xf32, #tpu.memory_space<hbm>>
    %dma_wait3A_448 = tpu.memref_slice %arg11[%dma_wait3A_441] : memref<4x!tpu.dma_semaphore, #tpu.memory_space<semaphore_mem>> -> memref<1x!tpu.dma_semaphore, #tpu.memory_space<semaphore_mem>>
    %dma_wait3A_449 = tpu.memref_squeeze %dma_wait3A_448 : memref<1x!tpu.dma_semaphore, #tpu.memory_space<semaphore_mem>> -> memref<!tpu.dma_semaphore, #tpu.memory_space<semaphore_mem>>
    %dma_wait3A_450 = arith.constant 0 : i32
    %dma_wait3A_451 = arith.constant 0 : i32
    %dma_wait3A_452 = tpu.memref_slice %arg9[%dma_wait3A_440, %dma_wait3A_450, %dma_wait3A_451] : memref<4x128x128xf32, #tpu.memory_space<vmem>> -> memref<1x128x128xf32, #tpu.memory_space<vmem>>
    %dma_wait3A_453 = tpu.memref_squeeze %dma_wait3A_452 : memref<1x128x128xf32, #tpu.memory_space<vmem>> -> memref<128x128xf32, #tpu.memory_space<vmem>>
    %dma_wait3A_454 = arith.constant 0 : i32
    %dma_wait3A_455 = tpu.memref_slice %arg2[%add3A_341, %dma_wait3A_454] : memref<50000x128xf32, #tpu.memory_space<hbm>> -> memref<128x128xf32, #tpu.memory_space<hbm>>
    tpu.wait_dma2 semaphore(%dma_wait3A_449 : memref<!tpu.dma_semaphore, #tpu.memory_space<semaphore_mem>>) src(%dma_wait3A_455 : memref<128x128xf32, #tpu.memory_space<hbm>>) dst(%dma_wait3A_453 : memref<128x128xf32, #tpu.memory_space<vmem>>)
    %dma_start3A_456 = arith.constant 0 : i32
    %dma_start3A_457 = arith.constant 4 : i32
    %dma_start3A_458 = arith.constant 0 : i32
    %dma_start3A_459 = arith.constant 0 : i32
    %dma_start3A_460 = arith.constant 0 : i32
    %dma_start3A_461 = tpu.memref_slice %arg9[%dma_start3A_456, %dma_start3A_459, %dma_start3A_460] : memref<4x128x128xf32, #tpu.memory_space<vmem>> -> memref<1x128x128xf32, #tpu.memory_space<vmem>>
    %dma_start3A_462 = tpu.memref_squeeze %dma_start3A_461 : memref<1x128x128xf32, #tpu.memory_space<vmem>> -> memref<128x128xf32, #tpu.memory_space<vmem>>
    %dma_start3A_463 = arith.constant 0 : i32
    %dma_start3A_464 = tpu.memref_slice %arg6[%dma_start3A_457, %dma_start3A_463] : memref<12x128xi32, #tpu.memory_space<vmem>> -> memref<1x128xi32, #tpu.memory_space<vmem>>
    %dma_start3A_465 = tpu.memref_squeeze %dma_start3A_464 : memref<1x128xi32, #tpu.memory_space<vmem>> -> memref<128xi32, #tpu.memory_space<vmem>>
    %dma_start3A_466 = arith.constant 0 : i32
    %dma_start3A_467 = arith.constant 0 : i32
    %dma_start3A_468 = tpu.memref_slice %arg4[%dma_start3A_466, %dma_start3A_467] : memref<100000x128xf32, #tpu.memory_space<hbm>> -> memref<100000x128xf32, #tpu.memory_space<hbm>>
    %dma_start3A_469 = tpu.memref_slice %arg12[%dma_start3A_458] : memref<4x!tpu.dma_semaphore, #tpu.memory_space<semaphore_mem>> -> memref<1x!tpu.dma_semaphore, #tpu.memory_space<semaphore_mem>>
    %dma_start3A_470 = tpu.memref_squeeze %dma_start3A_469 : memref<1x!tpu.dma_semaphore, #tpu.memory_space<semaphore_mem>> -> memref<!tpu.dma_semaphore, #tpu.memory_space<semaphore_mem>>
    tpu.enqueue_indirect_dma source(%dma_start3A_462 : memref<128x128xf32, #tpu.memory_space<vmem>>) target(%dma_start3A_468 : memref<100000x128xf32, #tpu.memory_space<hbm>>) offsets(%dma_start3A_465 : memref<128xi32, #tpu.memory_space<vmem>>) semaphore(%dma_start3A_470 : memref<!tpu.dma_semaphore, #tpu.memory_space<semaphore_mem>>)
    %dma_wait3A_471 = arith.constant 2 : i32
    %dma_wait3A_472 = arith.constant 2 : i32
    %dma_wait3A_473 = arith.constant 2 : i32
    %dma_wait3A_474 = arith.constant 0 : i32
    %dma_wait3A_475 = arith.constant 0 : i32
    %dma_wait3A_476 = tpu.memref_slice %arg9[%dma_wait3A_471, %dma_wait3A_474, %dma_wait3A_475] : memref<4x128x128xf32, #tpu.memory_space<vmem>> -> memref<1x128x128xf32, #tpu.memory_space<vmem>>
    %dma_wait3A_477 = tpu.memref_squeeze %dma_wait3A_476 : memref<1x128x128xf32, #tpu.memory_space<vmem>> -> memref<128x128xf32, #tpu.memory_space<vmem>>
    %dma_wait3A_478 = arith.constant 0 : i32
    %dma_wait3A_479 = tpu.memref_slice %arg6[%dma_wait3A_472, %dma_wait3A_478] : memref<12x128xi32, #tpu.memory_space<vmem>> -> memref<1x128xi32, #tpu.memory_space<vmem>>
    %dma_wait3A_480 = tpu.memref_squeeze %dma_wait3A_479 : memref<1x128xi32, #tpu.memory_space<vmem>> -> memref<128xi32, #tpu.memory_space<vmem>>
    %dma_wait3A_481 = arith.constant 0 : i32
    %dma_wait3A_482 = arith.constant 0 : i32
    %dma_wait3A_483 = tpu.memref_slice %arg4[%dma_wait3A_481, %dma_wait3A_482] : memref<100000x128xf32, #tpu.memory_space<hbm>> -> memref<100000x128xf32, #tpu.memory_space<hbm>>
    %dma_wait3A_484 = tpu.memref_slice %arg12[%dma_wait3A_473] : memref<4x!tpu.dma_semaphore, #tpu.memory_space<semaphore_mem>> -> memref<1x!tpu.dma_semaphore, #tpu.memory_space<semaphore_mem>>
    %dma_wait3A_485 = tpu.memref_squeeze %dma_wait3A_484 : memref<1x!tpu.dma_semaphore, #tpu.memory_space<semaphore_mem>> -> memref<!tpu.dma_semaphore, #tpu.memory_space<semaphore_mem>>
    tpu.wait_indirect_dma semaphore(%dma_wait3A_485 : memref<!tpu.dma_semaphore, #tpu.memory_space<semaphore_mem>>) src(%dma_wait3A_477 : memref<128x128xf32, #tpu.memory_space<vmem>>) dst(%dma_wait3A_483 : memref<100000x128xf32, #tpu.memory_space<hbm>>)
    %add3A_486 = arith.constant 768 : i32
    %add3A_487 = arith.addi %mul3A_2, %add3A_486 : i32
    %dma_start3A_488 = arith.constant 2 : i32
    %dma_start3A_489 = arith.constant 2 : i32
    %dma_start3A_490 = arith.constant 0 : i32
    %dma_start3A_491 = arith.constant 0 : i32
    %dma_start3A_492 = tpu.memref_slice %arg9[%dma_start3A_488, %dma_start3A_490, %dma_start3A_491] : memref<4x128x128xf32, #tpu.memory_space<vmem>> -> memref<1x128x128xf32, #tpu.memory_space<vmem>>
    %dma_start3A_493 = tpu.memref_squeeze %dma_start3A_492 : memref<1x128x128xf32, #tpu.memory_space<vmem>> -> memref<128x128xf32, #tpu.memory_space<vmem>>
    %dma_start3A_494 = arith.constant 0 : i32
    %dma_start3A_495 = tpu.memref_slice %arg2[%add3A_487, %dma_start3A_494] : memref<50000x128xf32, #tpu.memory_space<hbm>> -> memref<128x128xf32, #tpu.memory_space<hbm>>
    %dma_start3A_496 = tpu.memref_slice %arg11[%dma_start3A_489] : memref<4x!tpu.dma_semaphore, #tpu.memory_space<semaphore_mem>> -> memref<1x!tpu.dma_semaphore, #tpu.memory_space<semaphore_mem>>
    %dma_start3A_497 = tpu.memref_squeeze %dma_start3A_496 : memref<1x!tpu.dma_semaphore, #tpu.memory_space<semaphore_mem>> -> memref<!tpu.dma_semaphore, #tpu.memory_space<semaphore_mem>>
    %dma_start3A_498 = arith.constant 0 : i32
    %dma_start3A_499 = arith.constant 0 : i32
    %dma_start3A_500 = tpu.memref_slice %arg9[%dma_start3A_488, %dma_start3A_498, %dma_start3A_499] : memref<4x128x128xf32, #tpu.memory_space<vmem>> -> memref<1x128x128xf32, #tpu.memory_space<vmem>>
    %dma_start3A_501 = tpu.memref_squeeze %dma_start3A_500 : memref<1x128x128xf32, #tpu.memory_space<vmem>> -> memref<128x128xf32, #tpu.memory_space<vmem>>
    %dma_start3A_502 = arith.constant 0 : i32
    %dma_start3A_503 = tpu.memref_slice %arg2[%add3A_487, %dma_start3A_502] : memref<50000x128xf32, #tpu.memory_space<hbm>> -> memref<128x128xf32, #tpu.memory_space<hbm>>
    tpu.enqueue_dma source(%dma_start3A_503 : memref<128x128xf32, #tpu.memory_space<hbm>>) target(%dma_start3A_501 : memref<128x128xf32, #tpu.memory_space<vmem>>) target_semaphore(%dma_start3A_497 : memref<!tpu.dma_semaphore, #tpu.memory_space<semaphore_mem>>)
    %dma_wait3A_504 = arith.constant 5 : i32
    %dma_wait3A_505 = arith.constant 0 : i32
    %dma_wait3A_506 = tpu.memref_slice %arg6[%dma_wait3A_504, %dma_wait3A_505] : memref<12x128xi32, #tpu.memory_space<vmem>> -> memref<1x128xi32, #tpu.memory_space<vmem>>
    %dma_wait3A_507 = tpu.memref_squeeze %dma_wait3A_506 : memref<1x128xi32, #tpu.memory_space<vmem>> -> memref<128xi32, #tpu.memory_space<vmem>>
    %dma_wait3A_508 = tpu.memref_slice %arg3[%add3A_76] : memref<50000xi32, #tpu.memory_space<hbm>> -> memref<128xi32, #tpu.memory_space<hbm>>
    %dma_wait3A_509 = arith.constant 0 : i32
    %dma_wait3A_510 = tpu.memref_slice %arg6[%dma_wait3A_504, %dma_wait3A_509] : memref<12x128xi32, #tpu.memory_space<vmem>> -> memref<1x128xi32, #tpu.memory_space<vmem>>
    %dma_wait3A_511 = tpu.memref_squeeze %dma_wait3A_510 : memref<1x128xi32, #tpu.memory_space<vmem>> -> memref<128xi32, #tpu.memory_space<vmem>>
    %dma_wait3A_512 = tpu.memref_slice %arg3[%add3A_76] : memref<50000xi32, #tpu.memory_space<hbm>> -> memref<128xi32, #tpu.memory_space<hbm>>
    tpu.wait_dma2 semaphore(%arg10 : memref<!tpu.dma_semaphore, #tpu.memory_space<semaphore_mem>>) src(%dma_wait3A_512 : memref<128xi32, #tpu.memory_space<hbm>>) dst(%dma_wait3A_511 : memref<128xi32, #tpu.memory_space<vmem>>)
    %dma_wait3A_513 = arith.constant 1 : i32
    %dma_wait3A_514 = arith.constant 1 : i32
    %dma_wait3A_515 = arith.constant 0 : i32
    %dma_wait3A_516 = arith.constant 0 : i32
    %dma_wait3A_517 = tpu.memref_slice %arg9[%dma_wait3A_513, %dma_wait3A_515, %dma_wait3A_516] : memref<4x128x128xf32, #tpu.memory_space<vmem>> -> memref<1x128x128xf32, #tpu.memory_space<vmem>>
    %dma_wait3A_518 = tpu.memref_squeeze %dma_wait3A_517 : memref<1x128x128xf32, #tpu.memory_space<vmem>> -> memref<128x128xf32, #tpu.memory_space<vmem>>
    %dma_wait3A_519 = arith.constant 0 : i32
    %dma_wait3A_520 = tpu.memref_slice %arg2[%add3A_414, %dma_wait3A_519] : memref<50000x128xf32, #tpu.memory_space<hbm>> -> memref<128x128xf32, #tpu.memory_space<hbm>>
    %dma_wait3A_521 = tpu.memref_slice %arg11[%dma_wait3A_514] : memref<4x!tpu.dma_semaphore, #tpu.memory_space<semaphore_mem>> -> memref<1x!tpu.dma_semaphore, #tpu.memory_space<semaphore_mem>>
    %dma_wait3A_522 = tpu.memref_squeeze %dma_wait3A_521 : memref<1x!tpu.dma_semaphore, #tpu.memory_space<semaphore_mem>> -> memref<!tpu.dma_semaphore, #tpu.memory_space<semaphore_mem>>
    %dma_wait3A_523 = arith.constant 0 : i32
    %dma_wait3A_524 = arith.constant 0 : i32
    %dma_wait3A_525 = tpu.memref_slice %arg9[%dma_wait3A_513, %dma_wait3A_523, %dma_wait3A_524] : memref<4x128x128xf32, #tpu.memory_space<vmem>> -> memref<1x128x128xf32, #tpu.memory_space<vmem>>
    %dma_wait3A_526 = tpu.memref_squeeze %dma_wait3A_525 : memref<1x128x128xf32, #tpu.memory_space<vmem>> -> memref<128x128xf32, #tpu.memory_space<vmem>>
    %dma_wait3A_527 = arith.constant 0 : i32
    %dma_wait3A_528 = tpu.memref_slice %arg2[%add3A_414, %dma_wait3A_527] : memref<50000x128xf32, #tpu.memory_space<hbm>> -> memref<128x128xf32, #tpu.memory_space<hbm>>
    tpu.wait_dma2 semaphore(%dma_wait3A_522 : memref<!tpu.dma_semaphore, #tpu.memory_space<semaphore_mem>>) src(%dma_wait3A_528 : memref<128x128xf32, #tpu.memory_space<hbm>>) dst(%dma_wait3A_526 : memref<128x128xf32, #tpu.memory_space<vmem>>)
    %dma_start3A_529 = arith.constant 1 : i32
    %dma_start3A_530 = arith.constant 5 : i32
    %dma_start3A_531 = arith.constant 1 : i32
    %dma_start3A_532 = arith.constant 0 : i32
    %dma_start3A_533 = arith.constant 0 : i32
    %dma_start3A_534 = tpu.memref_slice %arg9[%dma_start3A_529, %dma_start3A_532, %dma_start3A_533] : memref<4x128x128xf32, #tpu.memory_space<vmem>> -> memref<1x128x128xf32, #tpu.memory_space<vmem>>
    %dma_start3A_535 = tpu.memref_squeeze %dma_start3A_534 : memref<1x128x128xf32, #tpu.memory_space<vmem>> -> memref<128x128xf32, #tpu.memory_space<vmem>>
    %dma_start3A_536 = arith.constant 0 : i32
    %dma_start3A_537 = tpu.memref_slice %arg6[%dma_start3A_530, %dma_start3A_536] : memref<12x128xi32, #tpu.memory_space<vmem>> -> memref<1x128xi32, #tpu.memory_space<vmem>>
    %dma_start3A_538 = tpu.memref_squeeze %dma_start3A_537 : memref<1x128xi32, #tpu.memory_space<vmem>> -> memref<128xi32, #tpu.memory_space<vmem>>
    %dma_start3A_539 = arith.constant 0 : i32
    %dma_start3A_540 = arith.constant 0 : i32
    %dma_start3A_541 = tpu.memref_slice %arg4[%dma_start3A_539, %dma_start3A_540] : memref<100000x128xf32, #tpu.memory_space<hbm>> -> memref<100000x128xf32, #tpu.memory_space<hbm>>
    %dma_start3A_542 = tpu.memref_slice %arg12[%dma_start3A_531] : memref<4x!tpu.dma_semaphore, #tpu.memory_space<semaphore_mem>> -> memref<1x!tpu.dma_semaphore, #tpu.memory_space<semaphore_mem>>
    %dma_start3A_543 = tpu.memref_squeeze %dma_start3A_542 : memref<1x!tpu.dma_semaphore, #tpu.memory_space<semaphore_mem>> -> memref<!tpu.dma_semaphore, #tpu.memory_space<semaphore_mem>>
    tpu.enqueue_indirect_dma source(%dma_start3A_535 : memref<128x128xf32, #tpu.memory_space<vmem>>) target(%dma_start3A_541 : memref<100000x128xf32, #tpu.memory_space<hbm>>) offsets(%dma_start3A_538 : memref<128xi32, #tpu.memory_space<vmem>>) semaphore(%dma_start3A_543 : memref<!tpu.dma_semaphore, #tpu.memory_space<semaphore_mem>>)
    %dma_wait3A_544 = arith.constant 3 : i32
    %dma_wait3A_545 = arith.constant 3 : i32
    %dma_wait3A_546 = arith.constant 3 : i32
    %dma_wait3A_547 = arith.constant 0 : i32
    %dma_wait3A_548 = arith.constant 0 : i32
    %dma_wait3A_549 = tpu.memref_slice %arg9[%dma_wait3A_544, %dma_wait3A_547, %dma_wait3A_548] : memref<4x128x128xf32, #tpu.memory_space<vmem>> -> memref<1x128x128xf32, #tpu.memory_space<vmem>>
    %dma_wait3A_550 = tpu.memref_squeeze %dma_wait3A_549 : memref<1x128x128xf32, #tpu.memory_space<vmem>> -> memref<128x128xf32, #tpu.memory_space<vmem>>
    %dma_wait3A_551 = arith.constant 0 : i32
    %dma_wait3A_552 = tpu.memref_slice %arg6[%dma_wait3A_545, %dma_wait3A_551] : memref<12x128xi32, #tpu.memory_space<vmem>> -> memref<1x128xi32, #tpu.memory_space<vmem>>
    %dma_wait3A_553 = tpu.memref_squeeze %dma_wait3A_552 : memref<1x128xi32, #tpu.memory_space<vmem>> -> memref<128xi32, #tpu.memory_space<vmem>>
    %dma_wait3A_554 = arith.constant 0 : i32
    %dma_wait3A_555 = arith.constant 0 : i32
    %dma_wait3A_556 = tpu.memref_slice %arg4[%dma_wait3A_554, %dma_wait3A_555] : memref<100000x128xf32, #tpu.memory_space<hbm>> -> memref<100000x128xf32, #tpu.memory_space<hbm>>
    %dma_wait3A_557 = tpu.memref_slice %arg12[%dma_wait3A_546] : memref<4x!tpu.dma_semaphore, #tpu.memory_space<semaphore_mem>> -> memref<1x!tpu.dma_semaphore, #tpu.memory_space<semaphore_mem>>
    %dma_wait3A_558 = tpu.memref_squeeze %dma_wait3A_557 : memref<1x!tpu.dma_semaphore, #tpu.memory_space<semaphore_mem>> -> memref<!tpu.dma_semaphore, #tpu.memory_space<semaphore_mem>>
    tpu.wait_indirect_dma semaphore(%dma_wait3A_558 : memref<!tpu.dma_semaphore, #tpu.memory_space<semaphore_mem>>) src(%dma_wait3A_550 : memref<128x128xf32, #tpu.memory_space<vmem>>) dst(%dma_wait3A_556 : memref<100000x128xf32, #tpu.memory_space<hbm>>)
    %add3A_559 = arith.constant 896 : i32
    %add3A_560 = arith.addi %mul3A_2, %add3A_559 : i32
    %dma_start3A_561 = arith.constant 3 : i32
    %dma_start3A_562 = arith.constant 3 : i32
    %dma_start3A_563 = arith.constant 0 : i32
    %dma_start3A_564 = arith.constant 0 : i32
    %dma_start3A_565 = tpu.memref_slice %arg9[%dma_start3A_561, %dma_start3A_563, %dma_start3A_564] : memref<4x128x128xf32, #tpu.memory_space<vmem>> -> memref<1x128x128xf32, #tpu.memory_space<vmem>>
    %dma_start3A_566 = tpu.memref_squeeze %dma_start3A_565 : memref<1x128x128xf32, #tpu.memory_space<vmem>> -> memref<128x128xf32, #tpu.memory_space<vmem>>
    %dma_start3A_567 = arith.constant 0 : i32
    %dma_start3A_568 = tpu.memref_slice %arg2[%add3A_560, %dma_start3A_567] : memref<50000x128xf32, #tpu.memory_space<hbm>> -> memref<128x128xf32, #tpu.memory_space<hbm>>
    %dma_start3A_569 = tpu.memref_slice %arg11[%dma_start3A_562] : memref<4x!tpu.dma_semaphore, #tpu.memory_space<semaphore_mem>> -> memref<1x!tpu.dma_semaphore, #tpu.memory_space<semaphore_mem>>
    %dma_start3A_570 = tpu.memref_squeeze %dma_start3A_569 : memref<1x!tpu.dma_semaphore, #tpu.memory_space<semaphore_mem>> -> memref<!tpu.dma_semaphore, #tpu.memory_space<semaphore_mem>>
    %dma_start3A_571 = arith.constant 0 : i32
    %dma_start3A_572 = arith.constant 0 : i32
    %dma_start3A_573 = tpu.memref_slice %arg9[%dma_start3A_561, %dma_start3A_571, %dma_start3A_572] : memref<4x128x128xf32, #tpu.memory_space<vmem>> -> memref<1x128x128xf32, #tpu.memory_space<vmem>>
    %dma_start3A_574 = tpu.memref_squeeze %dma_start3A_573 : memref<1x128x128xf32, #tpu.memory_space<vmem>> -> memref<128x128xf32, #tpu.memory_space<vmem>>
    %dma_start3A_575 = arith.constant 0 : i32
    %dma_start3A_576 = tpu.memref_slice %arg2[%add3A_560, %dma_start3A_575] : memref<50000x128xf32, #tpu.memory_space<hbm>> -> memref<128x128xf32, #tpu.memory_space<hbm>>
    tpu.enqueue_dma source(%dma_start3A_576 : memref<128x128xf32, #tpu.memory_space<hbm>>) target(%dma_start3A_574 : memref<128x128xf32, #tpu.memory_space<vmem>>) target_semaphore(%dma_start3A_570 : memref<!tpu.dma_semaphore, #tpu.memory_space<semaphore_mem>>)
    %dma_wait3A_577 = arith.constant 6 : i32
    %dma_wait3A_578 = arith.constant 0 : i32
    %dma_wait3A_579 = tpu.memref_slice %arg6[%dma_wait3A_577, %dma_wait3A_578] : memref<12x128xi32, #tpu.memory_space<vmem>> -> memref<1x128xi32, #tpu.memory_space<vmem>>
    %dma_wait3A_580 = tpu.memref_squeeze %dma_wait3A_579 : memref<1x128xi32, #tpu.memory_space<vmem>> -> memref<128xi32, #tpu.memory_space<vmem>>
    %dma_wait3A_581 = tpu.memref_slice %arg3[%add3A_87] : memref<50000xi32, #tpu.memory_space<hbm>> -> memref<128xi32, #tpu.memory_space<hbm>>
    %dma_wait3A_582 = arith.constant 0 : i32
    %dma_wait3A_583 = tpu.memref_slice %arg6[%dma_wait3A_577, %dma_wait3A_582] : memref<12x128xi32, #tpu.memory_space<vmem>> -> memref<1x128xi32, #tpu.memory_space<vmem>>
    %dma_wait3A_584 = tpu.memref_squeeze %dma_wait3A_583 : memref<1x128xi32, #tpu.memory_space<vmem>> -> memref<128xi32, #tpu.memory_space<vmem>>
    %dma_wait3A_585 = tpu.memref_slice %arg3[%add3A_87] : memref<50000xi32, #tpu.memory_space<hbm>> -> memref<128xi32, #tpu.memory_space<hbm>>
    tpu.wait_dma2 semaphore(%arg10 : memref<!tpu.dma_semaphore, #tpu.memory_space<semaphore_mem>>) src(%dma_wait3A_585 : memref<128xi32, #tpu.memory_space<hbm>>) dst(%dma_wait3A_584 : memref<128xi32, #tpu.memory_space<vmem>>)
    %dma_wait3A_586 = arith.constant 2 : i32
    %dma_wait3A_587 = arith.constant 2 : i32
    %dma_wait3A_588 = arith.constant 0 : i32
    %dma_wait3A_589 = arith.constant 0 : i32
    %dma_wait3A_590 = tpu.memref_slice %arg9[%dma_wait3A_586, %dma_wait3A_588, %dma_wait3A_589] : memref<4x128x128xf32, #tpu.memory_space<vmem>> -> memref<1x128x128xf32, #tpu.memory_space<vmem>>
    %dma_wait3A_591 = tpu.memref_squeeze %dma_wait3A_590 : memref<1x128x128xf32, #tpu.memory_space<vmem>> -> memref<128x128xf32, #tpu.memory_space<vmem>>
    %dma_wait3A_592 = arith.constant 0 : i32
    %dma_wait3A_593 = tpu.memref_slice %arg2[%add3A_487, %dma_wait3A_592] : memref<50000x128xf32, #tpu.memory_space<hbm>> -> memref<128x128xf32, #tpu.memory_space<hbm>>
    %dma_wait3A_594 = tpu.memref_slice %arg11[%dma_wait3A_587] : memref<4x!tpu.dma_semaphore, #tpu.memory_space<semaphore_mem>> -> memref<1x!tpu.dma_semaphore, #tpu.memory_space<semaphore_mem>>
    %dma_wait3A_595 = tpu.memref_squeeze %dma_wait3A_594 : memref<1x!tpu.dma_semaphore, #tpu.memory_space<semaphore_mem>> -> memref<!tpu.dma_semaphore, #tpu.memory_space<semaphore_mem>>
    %dma_wait3A_596 = arith.constant 0 : i32
    %dma_wait3A_597 = arith.constant 0 : i32
    %dma_wait3A_598 = tpu.memref_slice %arg9[%dma_wait3A_586, %dma_wait3A_596, %dma_wait3A_597] : memref<4x128x128xf32, #tpu.memory_space<vmem>> -> memref<1x128x128xf32, #tpu.memory_space<vmem>>
    %dma_wait3A_599 = tpu.memref_squeeze %dma_wait3A_598 : memref<1x128x128xf32, #tpu.memory_space<vmem>> -> memref<128x128xf32, #tpu.memory_space<vmem>>
    %dma_wait3A_600 = arith.constant 0 : i32
    %dma_wait3A_601 = tpu.memref_slice %arg2[%add3A_487, %dma_wait3A_600] : memref<50000x128xf32, #tpu.memory_space<hbm>> -> memref<128x128xf32, #tpu.memory_space<hbm>>
    tpu.wait_dma2 semaphore(%dma_wait3A_595 : memref<!tpu.dma_semaphore, #tpu.memory_space<semaphore_mem>>) src(%dma_wait3A_601 : memref<128x128xf32, #tpu.memory_space<hbm>>) dst(%dma_wait3A_599 : memref<128x128xf32, #tpu.memory_space<vmem>>)
    %dma_start3A_602 = arith.constant 2 : i32
    %dma_start3A_603 = arith.constant 6 : i32
    %dma_start3A_604 = arith.constant 2 : i32
    %dma_start3A_605 = arith.constant 0 : i32
    %dma_start3A_606 = arith.constant 0 : i32
    %dma_start3A_607 = tpu.memref_slice %arg9[%dma_start3A_602, %dma_start3A_605, %dma_start3A_606] : memref<4x128x128xf32, #tpu.memory_space<vmem>> -> memref<1x128x128xf32, #tpu.memory_space<vmem>>
    %dma_start3A_608 = tpu.memref_squeeze %dma_start3A_607 : memref<1x128x128xf32, #tpu.memory_space<vmem>> -> memref<128x128xf32, #tpu.memory_space<vmem>>
    %dma_start3A_609 = arith.constant 0 : i32
    %dma_start3A_610 = tpu.memref_slice %arg6[%dma_start3A_603, %dma_start3A_609] : memref<12x128xi32, #tpu.memory_space<vmem>> -> memref<1x128xi32, #tpu.memory_space<vmem>>
    %dma_start3A_611 = tpu.memref_squeeze %dma_start3A_610 : memref<1x128xi32, #tpu.memory_space<vmem>> -> memref<128xi32, #tpu.memory_space<vmem>>
    %dma_start3A_612 = arith.constant 0 : i32
    %dma_start3A_613 = arith.constant 0 : i32
    %dma_start3A_614 = tpu.memref_slice %arg4[%dma_start3A_612, %dma_start3A_613] : memref<100000x128xf32, #tpu.memory_space<hbm>> -> memref<100000x128xf32, #tpu.memory_space<hbm>>
    %dma_start3A_615 = tpu.memref_slice %arg12[%dma_start3A_604] : memref<4x!tpu.dma_semaphore, #tpu.memory_space<semaphore_mem>> -> memref<1x!tpu.dma_semaphore, #tpu.memory_space<semaphore_mem>>
    %dma_start3A_616 = tpu.memref_squeeze %dma_start3A_615 : memref<1x!tpu.dma_semaphore, #tpu.memory_space<semaphore_mem>> -> memref<!tpu.dma_semaphore, #tpu.memory_space<semaphore_mem>>
    tpu.enqueue_indirect_dma source(%dma_start3A_608 : memref<128x128xf32, #tpu.memory_space<vmem>>) target(%dma_start3A_614 : memref<100000x128xf32, #tpu.memory_space<hbm>>) offsets(%dma_start3A_611 : memref<128xi32, #tpu.memory_space<vmem>>) semaphore(%dma_start3A_616 : memref<!tpu.dma_semaphore, #tpu.memory_space<semaphore_mem>>)
    %dma_wait3A_617 = arith.constant 0 : i32
    %dma_wait3A_618 = arith.constant 4 : i32
    %dma_wait3A_619 = arith.constant 0 : i32
    %dma_wait3A_620 = arith.constant 0 : i32
    %dma_wait3A_621 = arith.constant 0 : i32
    %dma_wait3A_622 = tpu.memref_slice %arg9[%dma_wait3A_617, %dma_wait3A_620, %dma_wait3A_621] : memref<4x128x128xf32, #tpu.memory_space<vmem>> -> memref<1x128x128xf32, #tpu.memory_space<vmem>>
    %dma_wait3A_623 = tpu.memref_squeeze %dma_wait3A_622 : memref<1x128x128xf32, #tpu.memory_space<vmem>> -> memref<128x128xf32, #tpu.memory_space<vmem>>
    %dma_wait3A_624 = arith.constant 0 : i32
    %dma_wait3A_625 = tpu.memref_slice %arg6[%dma_wait3A_618, %dma_wait3A_624] : memref<12x128xi32, #tpu.memory_space<vmem>> -> memref<1x128xi32, #tpu.memory_space<vmem>>
    %dma_wait3A_626 = tpu.memref_squeeze %dma_wait3A_625 : memref<1x128xi32, #tpu.memory_space<vmem>> -> memref<128xi32, #tpu.memory_space<vmem>>
    %dma_wait3A_627 = arith.constant 0 : i32
    %dma_wait3A_628 = arith.constant 0 : i32
    %dma_wait3A_629 = tpu.memref_slice %arg4[%dma_wait3A_627, %dma_wait3A_628] : memref<100000x128xf32, #tpu.memory_space<hbm>> -> memref<100000x128xf32, #tpu.memory_space<hbm>>
    %dma_wait3A_630 = tpu.memref_slice %arg12[%dma_wait3A_619] : memref<4x!tpu.dma_semaphore, #tpu.memory_space<semaphore_mem>> -> memref<1x!tpu.dma_semaphore, #tpu.memory_space<semaphore_mem>>
    %dma_wait3A_631 = tpu.memref_squeeze %dma_wait3A_630 : memref<1x!tpu.dma_semaphore, #tpu.memory_space<semaphore_mem>> -> memref<!tpu.dma_semaphore, #tpu.memory_space<semaphore_mem>>
    tpu.wait_indirect_dma semaphore(%dma_wait3A_631 : memref<!tpu.dma_semaphore, #tpu.memory_space<semaphore_mem>>) src(%dma_wait3A_623 : memref<128x128xf32, #tpu.memory_space<vmem>>) dst(%dma_wait3A_629 : memref<100000x128xf32, #tpu.memory_space<hbm>>)
    %add3A_632 = arith.constant 1024 : i32
    %add3A_633 = arith.addi %mul3A_2, %add3A_632 : i32
    %dma_start3A_634 = arith.constant 0 : i32
    %dma_start3A_635 = arith.constant 0 : i32
    %dma_start3A_636 = arith.constant 0 : i32
    %dma_start3A_637 = arith.constant 0 : i32
    %dma_start3A_638 = tpu.memref_slice %arg9[%dma_start3A_634, %dma_start3A_636, %dma_start3A_637] : memref<4x128x128xf32, #tpu.memory_space<vmem>> -> memref<1x128x128xf32, #tpu.memory_space<vmem>>
    %dma_start3A_639 = tpu.memref_squeeze %dma_start3A_638 : memref<1x128x128xf32, #tpu.memory_space<vmem>> -> memref<128x128xf32, #tpu.memory_space<vmem>>
    %dma_start3A_640 = arith.constant 0 : i32
    %dma_start3A_641 = tpu.memref_slice %arg2[%add3A_633, %dma_start3A_640] : memref<50000x128xf32, #tpu.memory_space<hbm>> -> memref<128x128xf32, #tpu.memory_space<hbm>>
    %dma_start3A_642 = tpu.memref_slice %arg11[%dma_start3A_635] : memref<4x!tpu.dma_semaphore, #tpu.memory_space<semaphore_mem>> -> memref<1x!tpu.dma_semaphore, #tpu.memory_space<semaphore_mem>>
    %dma_start3A_643 = tpu.memref_squeeze %dma_start3A_642 : memref<1x!tpu.dma_semaphore, #tpu.memory_space<semaphore_mem>> -> memref<!tpu.dma_semaphore, #tpu.memory_space<semaphore_mem>>
    %dma_start3A_644 = arith.constant 0 : i32
    %dma_start3A_645 = arith.constant 0 : i32
    %dma_start3A_646 = tpu.memref_slice %arg9[%dma_start3A_634, %dma_start3A_644, %dma_start3A_645] : memref<4x128x128xf32, #tpu.memory_space<vmem>> -> memref<1x128x128xf32, #tpu.memory_space<vmem>>
    %dma_start3A_647 = tpu.memref_squeeze %dma_start3A_646 : memref<1x128x128xf32, #tpu.memory_space<vmem>> -> memref<128x128xf32, #tpu.memory_space<vmem>>
    %dma_start3A_648 = arith.constant 0 : i32
    %dma_start3A_649 = tpu.memref_slice %arg2[%add3A_633, %dma_start3A_648] : memref<50000x128xf32, #tpu.memory_space<hbm>> -> memref<128x128xf32, #tpu.memory_space<hbm>>
    tpu.enqueue_dma source(%dma_start3A_649 : memref<128x128xf32, #tpu.memory_space<hbm>>) target(%dma_start3A_647 : memref<128x128xf32, #tpu.memory_space<vmem>>) target_semaphore(%dma_start3A_643 : memref<!tpu.dma_semaphore, #tpu.memory_space<semaphore_mem>>)
    %dma_wait3A_650 = arith.constant 7 : i32
    %dma_wait3A_651 = arith.constant 0 : i32
    %dma_wait3A_652 = tpu.memref_slice %arg6[%dma_wait3A_650, %dma_wait3A_651] : memref<12x128xi32, #tpu.memory_space<vmem>> -> memref<1x128xi32, #tpu.memory_space<vmem>>
    %dma_wait3A_653 = tpu.memref_squeeze %dma_wait3A_652 : memref<1x128xi32, #tpu.memory_space<vmem>> -> memref<128xi32, #tpu.memory_space<vmem>>
    %dma_wait3A_654 = tpu.memref_slice %arg3[%add3A_98] : memref<50000xi32, #tpu.memory_space<hbm>> -> memref<128xi32, #tpu.memory_space<hbm>>
    %dma_wait3A_655 = arith.constant 0 : i32
    %dma_wait3A_656 = tpu.memref_slice %arg6[%dma_wait3A_650, %dma_wait3A_655] : memref<12x128xi32, #tpu.memory_space<vmem>> -> memref<1x128xi32, #tpu.memory_space<vmem>>
    %dma_wait3A_657 = tpu.memref_squeeze %dma_wait3A_656 : memref<1x128xi32, #tpu.memory_space<vmem>> -> memref<128xi32, #tpu.memory_space<vmem>>
    %dma_wait3A_658 = tpu.memref_slice %arg3[%add3A_98] : memref<50000xi32, #tpu.memory_space<hbm>> -> memref<128xi32, #tpu.memory_space<hbm>>
    tpu.wait_dma2 semaphore(%arg10 : memref<!tpu.dma_semaphore, #tpu.memory_space<semaphore_mem>>) src(%dma_wait3A_658 : memref<128xi32, #tpu.memory_space<hbm>>) dst(%dma_wait3A_657 : memref<128xi32, #tpu.memory_space<vmem>>)
    %dma_wait3A_659 = arith.constant 3 : i32
    %dma_wait3A_660 = arith.constant 3 : i32
    %dma_wait3A_661 = arith.constant 0 : i32
    %dma_wait3A_662 = arith.constant 0 : i32
    %dma_wait3A_663 = tpu.memref_slice %arg9[%dma_wait3A_659, %dma_wait3A_661, %dma_wait3A_662] : memref<4x128x128xf32, #tpu.memory_space<vmem>> -> memref<1x128x128xf32, #tpu.memory_space<vmem>>
    %dma_wait3A_664 = tpu.memref_squeeze %dma_wait3A_663 : memref<1x128x128xf32, #tpu.memory_space<vmem>> -> memref<128x128xf32, #tpu.memory_space<vmem>>
    %dma_wait3A_665 = arith.constant 0 : i32
    %dma_wait3A_666 = tpu.memref_slice %arg2[%add3A_560, %dma_wait3A_665] : memref<50000x128xf32, #tpu.memory_space<hbm>> -> memref<128x128xf32, #tpu.memory_space<hbm>>
    %dma_wait3A_667 = tpu.memref_slice %arg11[%dma_wait3A_660] : memref<4x!tpu.dma_semaphore, #tpu.memory_space<semaphore_mem>> -> memref<1x!tpu.dma_semaphore, #tpu.memory_space<semaphore_mem>>
    %dma_wait3A_668 = tpu.memref_squeeze %dma_wait3A_667 : memref<1x!tpu.dma_semaphore, #tpu.memory_space<semaphore_mem>> -> memref<!tpu.dma_semaphore, #tpu.memory_space<semaphore_mem>>
    %dma_wait3A_669 = arith.constant 0 : i32
    %dma_wait3A_670 = arith.constant 0 : i32
    %dma_wait3A_671 = tpu.memref_slice %arg9[%dma_wait3A_659, %dma_wait3A_669, %dma_wait3A_670] : memref<4x128x128xf32, #tpu.memory_space<vmem>> -> memref<1x128x128xf32, #tpu.memory_space<vmem>>
    %dma_wait3A_672 = tpu.memref_squeeze %dma_wait3A_671 : memref<1x128x128xf32, #tpu.memory_space<vmem>> -> memref<128x128xf32, #tpu.memory_space<vmem>>
    %dma_wait3A_673 = arith.constant 0 : i32
    %dma_wait3A_674 = tpu.memref_slice %arg2[%add3A_560, %dma_wait3A_673] : memref<50000x128xf32, #tpu.memory_space<hbm>> -> memref<128x128xf32, #tpu.memory_space<hbm>>
    tpu.wait_dma2 semaphore(%dma_wait3A_668 : memref<!tpu.dma_semaphore, #tpu.memory_space<semaphore_mem>>) src(%dma_wait3A_674 : memref<128x128xf32, #tpu.memory_space<hbm>>) dst(%dma_wait3A_672 : memref<128x128xf32, #tpu.memory_space<vmem>>)
    %dma_start3A_675 = arith.constant 3 : i32
    %dma_start3A_676 = arith.constant 7 : i32
    %dma_start3A_677 = arith.constant 3 : i32
    %dma_start3A_678 = arith.constant 0 : i32
    %dma_start3A_679 = arith.constant 0 : i32
    %dma_start3A_680 = tpu.memref_slice %arg9[%dma_start3A_675, %dma_start3A_678, %dma_start3A_679] : memref<4x128x128xf32, #tpu.memory_space<vmem>> -> memref<1x128x128xf32, #tpu.memory_space<vmem>>
    %dma_start3A_681 = tpu.memref_squeeze %dma_start3A_680 : memref<1x128x128xf32, #tpu.memory_space<vmem>> -> memref<128x128xf32, #tpu.memory_space<vmem>>
    %dma_start3A_682 = arith.constant 0 : i32
    %dma_start3A_683 = tpu.memref_slice %arg6[%dma_start3A_676, %dma_start3A_682] : memref<12x128xi32, #tpu.memory_space<vmem>> -> memref<1x128xi32, #tpu.memory_space<vmem>>
    %dma_start3A_684 = tpu.memref_squeeze %dma_start3A_683 : memref<1x128xi32, #tpu.memory_space<vmem>> -> memref<128xi32, #tpu.memory_space<vmem>>
    %dma_start3A_685 = arith.constant 0 : i32
    %dma_start3A_686 = arith.constant 0 : i32
    %dma_start3A_687 = tpu.memref_slice %arg4[%dma_start3A_685, %dma_start3A_686] : memref<100000x128xf32, #tpu.memory_space<hbm>> -> memref<100000x128xf32, #tpu.memory_space<hbm>>
    %dma_start3A_688 = tpu.memref_slice %arg12[%dma_start3A_677] : memref<4x!tpu.dma_semaphore, #tpu.memory_space<semaphore_mem>> -> memref<1x!tpu.dma_semaphore, #tpu.memory_space<semaphore_mem>>
    %dma_start3A_689 = tpu.memref_squeeze %dma_start3A_688 : memref<1x!tpu.dma_semaphore, #tpu.memory_space<semaphore_mem>> -> memref<!tpu.dma_semaphore, #tpu.memory_space<semaphore_mem>>
    tpu.enqueue_indirect_dma source(%dma_start3A_681 : memref<128x128xf32, #tpu.memory_space<vmem>>) target(%dma_start3A_687 : memref<100000x128xf32, #tpu.memory_space<hbm>>) offsets(%dma_start3A_684 : memref<128xi32, #tpu.memory_space<vmem>>) semaphore(%dma_start3A_689 : memref<!tpu.dma_semaphore, #tpu.memory_space<semaphore_mem>>)
    %dma_wait3A_690 = arith.constant 1 : i32
    %dma_wait3A_691 = arith.constant 5 : i32
    %dma_wait3A_692 = arith.constant 1 : i32
    %dma_wait3A_693 = arith.constant 0 : i32
    %dma_wait3A_694 = arith.constant 0 : i32
    %dma_wait3A_695 = tpu.memref_slice %arg9[%dma_wait3A_690, %dma_wait3A_693, %dma_wait3A_694] : memref<4x128x128xf32, #tpu.memory_space<vmem>> -> memref<1x128x128xf32, #tpu.memory_space<vmem>>
    %dma_wait3A_696 = tpu.memref_squeeze %dma_wait3A_695 : memref<1x128x128xf32, #tpu.memory_space<vmem>> -> memref<128x128xf32, #tpu.memory_space<vmem>>
    %dma_wait3A_697 = arith.constant 0 : i32
    %dma_wait3A_698 = tpu.memref_slice %arg6[%dma_wait3A_691, %dma_wait3A_697] : memref<12x128xi32, #tpu.memory_space<vmem>> -> memref<1x128xi32, #tpu.memory_space<vmem>>
    %dma_wait3A_699 = tpu.memref_squeeze %dma_wait3A_698 : memref<1x128xi32, #tpu.memory_space<vmem>> -> memref<128xi32, #tpu.memory_space<vmem>>
    %dma_wait3A_700 = arith.constant 0 : i32
    %dma_wait3A_701 = arith.constant 0 : i32
    %dma_wait3A_702 = tpu.memref_slice %arg4[%dma_wait3A_700, %dma_wait3A_701] : memref<100000x128xf32, #tpu.memory_space<hbm>> -> memref<100000x128xf32, #tpu.memory_space<hbm>>
    %dma_wait3A_703 = tpu.memref_slice %arg12[%dma_wait3A_692] : memref<4x!tpu.dma_semaphore, #tpu.memory_space<semaphore_mem>> -> memref<1x!tpu.dma_semaphore, #tpu.memory_space<semaphore_mem>>
    %dma_wait3A_704 = tpu.memref_squeeze %dma_wait3A_703 : memref<1x!tpu.dma_semaphore, #tpu.memory_space<semaphore_mem>> -> memref<!tpu.dma_semaphore, #tpu.memory_space<semaphore_mem>>
    tpu.wait_indirect_dma semaphore(%dma_wait3A_704 : memref<!tpu.dma_semaphore, #tpu.memory_space<semaphore_mem>>) src(%dma_wait3A_696 : memref<128x128xf32, #tpu.memory_space<vmem>>) dst(%dma_wait3A_702 : memref<100000x128xf32, #tpu.memory_space<hbm>>)
    %add3A_705 = arith.constant 1152 : i32
    %add3A_706 = arith.addi %mul3A_2, %add3A_705 : i32
    %dma_start3A_707 = arith.constant 1 : i32
    %dma_start3A_708 = arith.constant 1 : i32
    %dma_start3A_709 = arith.constant 0 : i32
    %dma_start3A_710 = arith.constant 0 : i32
    %dma_start3A_711 = tpu.memref_slice %arg9[%dma_start3A_707, %dma_start3A_709, %dma_start3A_710] : memref<4x128x128xf32, #tpu.memory_space<vmem>> -> memref<1x128x128xf32, #tpu.memory_space<vmem>>
    %dma_start3A_712 = tpu.memref_squeeze %dma_start3A_711 : memref<1x128x128xf32, #tpu.memory_space<vmem>> -> memref<128x128xf32, #tpu.memory_space<vmem>>
    %dma_start3A_713 = arith.constant 0 : i32
    %dma_start3A_714 = tpu.memref_slice %arg2[%add3A_706, %dma_start3A_713] : memref<50000x128xf32, #tpu.memory_space<hbm>> -> memref<128x128xf32, #tpu.memory_space<hbm>>
    %dma_start3A_715 = tpu.memref_slice %arg11[%dma_start3A_708] : memref<4x!tpu.dma_semaphore, #tpu.memory_space<semaphore_mem>> -> memref<1x!tpu.dma_semaphore, #tpu.memory_space<semaphore_mem>>
    %dma_start3A_716 = tpu.memref_squeeze %dma_start3A_715 : memref<1x!tpu.dma_semaphore, #tpu.memory_space<semaphore_mem>> -> memref<!tpu.dma_semaphore, #tpu.memory_space<semaphore_mem>>
    %dma_start3A_717 = arith.constant 0 : i32
    %dma_start3A_718 = arith.constant 0 : i32
    %dma_start3A_719 = tpu.memref_slice %arg9[%dma_start3A_707, %dma_start3A_717, %dma_start3A_718] : memref<4x128x128xf32, #tpu.memory_space<vmem>> -> memref<1x128x128xf32, #tpu.memory_space<vmem>>
    %dma_start3A_720 = tpu.memref_squeeze %dma_start3A_719 : memref<1x128x128xf32, #tpu.memory_space<vmem>> -> memref<128x128xf32, #tpu.memory_space<vmem>>
    %dma_start3A_721 = arith.constant 0 : i32
    %dma_start3A_722 = tpu.memref_slice %arg2[%add3A_706, %dma_start3A_721] : memref<50000x128xf32, #tpu.memory_space<hbm>> -> memref<128x128xf32, #tpu.memory_space<hbm>>
    tpu.enqueue_dma source(%dma_start3A_722 : memref<128x128xf32, #tpu.memory_space<hbm>>) target(%dma_start3A_720 : memref<128x128xf32, #tpu.memory_space<vmem>>) target_semaphore(%dma_start3A_716 : memref<!tpu.dma_semaphore, #tpu.memory_space<semaphore_mem>>)
    %dma_wait3A_723 = arith.constant 8 : i32
    %dma_wait3A_724 = arith.constant 0 : i32
    %dma_wait3A_725 = tpu.memref_slice %arg6[%dma_wait3A_723, %dma_wait3A_724] : memref<12x128xi32, #tpu.memory_space<vmem>> -> memref<1x128xi32, #tpu.memory_space<vmem>>
    %dma_wait3A_726 = tpu.memref_squeeze %dma_wait3A_725 : memref<1x128xi32, #tpu.memory_space<vmem>> -> memref<128xi32, #tpu.memory_space<vmem>>
    %dma_wait3A_727 = tpu.memref_slice %arg3[%add3A_109] : memref<50000xi32, #tpu.memory_space<hbm>> -> memref<128xi32, #tpu.memory_space<hbm>>
    %dma_wait3A_728 = arith.constant 0 : i32
    %dma_wait3A_729 = tpu.memref_slice %arg6[%dma_wait3A_723, %dma_wait3A_728] : memref<12x128xi32, #tpu.memory_space<vmem>> -> memref<1x128xi32, #tpu.memory_space<vmem>>
    %dma_wait3A_730 = tpu.memref_squeeze %dma_wait3A_729 : memref<1x128xi32, #tpu.memory_space<vmem>> -> memref<128xi32, #tpu.memory_space<vmem>>
    %dma_wait3A_731 = tpu.memref_slice %arg3[%add3A_109] : memref<50000xi32, #tpu.memory_space<hbm>> -> memref<128xi32, #tpu.memory_space<hbm>>
    tpu.wait_dma2 semaphore(%arg10 : memref<!tpu.dma_semaphore, #tpu.memory_space<semaphore_mem>>) src(%dma_wait3A_731 : memref<128xi32, #tpu.memory_space<hbm>>) dst(%dma_wait3A_730 : memref<128xi32, #tpu.memory_space<vmem>>)
    %dma_wait3A_732 = arith.constant 0 : i32
    %dma_wait3A_733 = arith.constant 0 : i32
    %dma_wait3A_734 = arith.constant 0 : i32
    %dma_wait3A_735 = arith.constant 0 : i32
    %dma_wait3A_736 = tpu.memref_slice %arg9[%dma_wait3A_732, %dma_wait3A_734, %dma_wait3A_735] : memref<4x128x128xf32, #tpu.memory_space<vmem>> -> memref<1x128x128xf32, #tpu.memory_space<vmem>>
    %dma_wait3A_737 = tpu.memref_squeeze %dma_wait3A_736 : memref<1x128x128xf32, #tpu.memory_space<vmem>> -> memref<128x128xf32, #tpu.memory_space<vmem>>
    %dma_wait3A_738 = arith.constant 0 : i32
    %dma_wait3A_739 = tpu.memref_slice %arg2[%add3A_633, %dma_wait3A_738] : memref<50000x128xf32, #tpu.memory_space<hbm>> -> memref<128x128xf32, #tpu.memory_space<hbm>>
    %dma_wait3A_740 = tpu.memref_slice %arg11[%dma_wait3A_733] : memref<4x!tpu.dma_semaphore, #tpu.memory_space<semaphore_mem>> -> memref<1x!tpu.dma_semaphore, #tpu.memory_space<semaphore_mem>>
    %dma_wait3A_741 = tpu.memref_squeeze %dma_wait3A_740 : memref<1x!tpu.dma_semaphore, #tpu.memory_space<semaphore_mem>> -> memref<!tpu.dma_semaphore, #tpu.memory_space<semaphore_mem>>
    %dma_wait3A_742 = arith.constant 0 : i32
    %dma_wait3A_743 = arith.constant 0 : i32
    %dma_wait3A_744 = tpu.memref_slice %arg9[%dma_wait3A_732, %dma_wait3A_742, %dma_wait3A_743] : memref<4x128x128xf32, #tpu.memory_space<vmem>> -> memref<1x128x128xf32, #tpu.memory_space<vmem>>
    %dma_wait3A_745 = tpu.memref_squeeze %dma_wait3A_744 : memref<1x128x128xf32, #tpu.memory_space<vmem>> -> memref<128x128xf32, #tpu.memory_space<vmem>>
    %dma_wait3A_746 = arith.constant 0 : i32
    %dma_wait3A_747 = tpu.memref_slice %arg2[%add3A_633, %dma_wait3A_746] : memref<50000x128xf32, #tpu.memory_space<hbm>> -> memref<128x128xf32, #tpu.memory_space<hbm>>
    tpu.wait_dma2 semaphore(%dma_wait3A_741 : memref<!tpu.dma_semaphore, #tpu.memory_space<semaphore_mem>>) src(%dma_wait3A_747 : memref<128x128xf32, #tpu.memory_space<hbm>>) dst(%dma_wait3A_745 : memref<128x128xf32, #tpu.memory_space<vmem>>)
    %dma_start3A_748 = arith.constant 0 : i32
    %dma_start3A_749 = arith.constant 8 : i32
    %dma_start3A_750 = arith.constant 0 : i32
    %dma_start3A_751 = arith.constant 0 : i32
    %dma_start3A_752 = arith.constant 0 : i32
    %dma_start3A_753 = tpu.memref_slice %arg9[%dma_start3A_748, %dma_start3A_751, %dma_start3A_752] : memref<4x128x128xf32, #tpu.memory_space<vmem>> -> memref<1x128x128xf32, #tpu.memory_space<vmem>>
    %dma_start3A_754 = tpu.memref_squeeze %dma_start3A_753 : memref<1x128x128xf32, #tpu.memory_space<vmem>> -> memref<128x128xf32, #tpu.memory_space<vmem>>
    %dma_start3A_755 = arith.constant 0 : i32
    %dma_start3A_756 = tpu.memref_slice %arg6[%dma_start3A_749, %dma_start3A_755] : memref<12x128xi32, #tpu.memory_space<vmem>> -> memref<1x128xi32, #tpu.memory_space<vmem>>
    %dma_start3A_757 = tpu.memref_squeeze %dma_start3A_756 : memref<1x128xi32, #tpu.memory_space<vmem>> -> memref<128xi32, #tpu.memory_space<vmem>>
    %dma_start3A_758 = arith.constant 0 : i32
    %dma_start3A_759 = arith.constant 0 : i32
    %dma_start3A_760 = tpu.memref_slice %arg4[%dma_start3A_758, %dma_start3A_759] : memref<100000x128xf32, #tpu.memory_space<hbm>> -> memref<100000x128xf32, #tpu.memory_space<hbm>>
    %dma_start3A_761 = tpu.memref_slice %arg12[%dma_start3A_750] : memref<4x!tpu.dma_semaphore, #tpu.memory_space<semaphore_mem>> -> memref<1x!tpu.dma_semaphore, #tpu.memory_space<semaphore_mem>>
    %dma_start3A_762 = tpu.memref_squeeze %dma_start3A_761 : memref<1x!tpu.dma_semaphore, #tpu.memory_space<semaphore_mem>> -> memref<!tpu.dma_semaphore, #tpu.memory_space<semaphore_mem>>
    tpu.enqueue_indirect_dma source(%dma_start3A_754 : memref<128x128xf32, #tpu.memory_space<vmem>>) target(%dma_start3A_760 : memref<100000x128xf32, #tpu.memory_space<hbm>>) offsets(%dma_start3A_757 : memref<128xi32, #tpu.memory_space<vmem>>) semaphore(%dma_start3A_762 : memref<!tpu.dma_semaphore, #tpu.memory_space<semaphore_mem>>)
    %dma_wait3A_763 = arith.constant 2 : i32
    %dma_wait3A_764 = arith.constant 6 : i32
    %dma_wait3A_765 = arith.constant 2 : i32
    %dma_wait3A_766 = arith.constant 0 : i32
    %dma_wait3A_767 = arith.constant 0 : i32
    %dma_wait3A_768 = tpu.memref_slice %arg9[%dma_wait3A_763, %dma_wait3A_766, %dma_wait3A_767] : memref<4x128x128xf32, #tpu.memory_space<vmem>> -> memref<1x128x128xf32, #tpu.memory_space<vmem>>
    %dma_wait3A_769 = tpu.memref_squeeze %dma_wait3A_768 : memref<1x128x128xf32, #tpu.memory_space<vmem>> -> memref<128x128xf32, #tpu.memory_space<vmem>>
    %dma_wait3A_770 = arith.constant 0 : i32
    %dma_wait3A_771 = tpu.memref_slice %arg6[%dma_wait3A_764, %dma_wait3A_770] : memref<12x128xi32, #tpu.memory_space<vmem>> -> memref<1x128xi32, #tpu.memory_space<vmem>>
    %dma_wait3A_772 = tpu.memref_squeeze %dma_wait3A_771 : memref<1x128xi32, #tpu.memory_space<vmem>> -> memref<128xi32, #tpu.memory_space<vmem>>
    %dma_wait3A_773 = arith.constant 0 : i32
    %dma_wait3A_774 = arith.constant 0 : i32
    %dma_wait3A_775 = tpu.memref_slice %arg4[%dma_wait3A_773, %dma_wait3A_774] : memref<100000x128xf32, #tpu.memory_space<hbm>> -> memref<100000x128xf32, #tpu.memory_space<hbm>>
    %dma_wait3A_776 = tpu.memref_slice %arg12[%dma_wait3A_765] : memref<4x!tpu.dma_semaphore, #tpu.memory_space<semaphore_mem>> -> memref<1x!tpu.dma_semaphore, #tpu.memory_space<semaphore_mem>>
    %dma_wait3A_777 = tpu.memref_squeeze %dma_wait3A_776 : memref<1x!tpu.dma_semaphore, #tpu.memory_space<semaphore_mem>> -> memref<!tpu.dma_semaphore, #tpu.memory_space<semaphore_mem>>
    tpu.wait_indirect_dma semaphore(%dma_wait3A_777 : memref<!tpu.dma_semaphore, #tpu.memory_space<semaphore_mem>>) src(%dma_wait3A_769 : memref<128x128xf32, #tpu.memory_space<vmem>>) dst(%dma_wait3A_775 : memref<100000x128xf32, #tpu.memory_space<hbm>>)
    %add3A_778 = arith.constant 1280 : i32
    %add3A_779 = arith.addi %mul3A_2, %add3A_778 : i32
    %dma_start3A_780 = arith.constant 2 : i32
    %dma_start3A_781 = arith.constant 2 : i32
    %dma_start3A_782 = arith.constant 0 : i32
    %dma_start3A_783 = arith.constant 0 : i32
    %dma_start3A_784 = tpu.memref_slice %arg9[%dma_start3A_780, %dma_start3A_782, %dma_start3A_783] : memref<4x128x128xf32, #tpu.memory_space<vmem>> -> memref<1x128x128xf32, #tpu.memory_space<vmem>>
    %dma_start3A_785 = tpu.memref_squeeze %dma_start3A_784 : memref<1x128x128xf32, #tpu.memory_space<vmem>> -> memref<128x128xf32, #tpu.memory_space<vmem>>
    %dma_start3A_786 = arith.constant 0 : i32
    %dma_start3A_787 = tpu.memref_slice %arg2[%add3A_779, %dma_start3A_786] : memref<50000x128xf32, #tpu.memory_space<hbm>> -> memref<128x128xf32, #tpu.memory_space<hbm>>
    %dma_start3A_788 = tpu.memref_slice %arg11[%dma_start3A_781] : memref<4x!tpu.dma_semaphore, #tpu.memory_space<semaphore_mem>> -> memref<1x!tpu.dma_semaphore, #tpu.memory_space<semaphore_mem>>
    %dma_start3A_789 = tpu.memref_squeeze %dma_start3A_788 : memref<1x!tpu.dma_semaphore, #tpu.memory_space<semaphore_mem>> -> memref<!tpu.dma_semaphore, #tpu.memory_space<semaphore_mem>>
    %dma_start3A_790 = arith.constant 0 : i32
    %dma_start3A_791 = arith.constant 0 : i32
    %dma_start3A_792 = tpu.memref_slice %arg9[%dma_start3A_780, %dma_start3A_790, %dma_start3A_791] : memref<4x128x128xf32, #tpu.memory_space<vmem>> -> memref<1x128x128xf32, #tpu.memory_space<vmem>>
    %dma_start3A_793 = tpu.memref_squeeze %dma_start3A_792 : memref<1x128x128xf32, #tpu.memory_space<vmem>> -> memref<128x128xf32, #tpu.memory_space<vmem>>
    %dma_start3A_794 = arith.constant 0 : i32
    %dma_start3A_795 = tpu.memref_slice %arg2[%add3A_779, %dma_start3A_794] : memref<50000x128xf32, #tpu.memory_space<hbm>> -> memref<128x128xf32, #tpu.memory_space<hbm>>
    tpu.enqueue_dma source(%dma_start3A_795 : memref<128x128xf32, #tpu.memory_space<hbm>>) target(%dma_start3A_793 : memref<128x128xf32, #tpu.memory_space<vmem>>) target_semaphore(%dma_start3A_789 : memref<!tpu.dma_semaphore, #tpu.memory_space<semaphore_mem>>)
    %dma_wait3A_796 = arith.constant 9 : i32
    %dma_wait3A_797 = arith.constant 0 : i32
    %dma_wait3A_798 = tpu.memref_slice %arg6[%dma_wait3A_796, %dma_wait3A_797] : memref<12x128xi32, #tpu.memory_space<vmem>> -> memref<1x128xi32, #tpu.memory_space<vmem>>
    %dma_wait3A_799 = tpu.memref_squeeze %dma_wait3A_798 : memref<1x128xi32, #tpu.memory_space<vmem>> -> memref<128xi32, #tpu.memory_space<vmem>>
    %dma_wait3A_800 = tpu.memref_slice %arg3[%add3A_120] : memref<50000xi32, #tpu.memory_space<hbm>> -> memref<128xi32, #tpu.memory_space<hbm>>
    %dma_wait3A_801 = arith.constant 0 : i32
    %dma_wait3A_802 = tpu.memref_slice %arg6[%dma_wait3A_796, %dma_wait3A_801] : memref<12x128xi32, #tpu.memory_space<vmem>> -> memref<1x128xi32, #tpu.memory_space<vmem>>
    %dma_wait3A_803 = tpu.memref_squeeze %dma_wait3A_802 : memref<1x128xi32, #tpu.memory_space<vmem>> -> memref<128xi32, #tpu.memory_space<vmem>>
    %dma_wait3A_804 = tpu.memref_slice %arg3[%add3A_120] : memref<50000xi32, #tpu.memory_space<hbm>> -> memref<128xi32, #tpu.memory_space<hbm>>
    tpu.wait_dma2 semaphore(%arg10 : memref<!tpu.dma_semaphore, #tpu.memory_space<semaphore_mem>>) src(%dma_wait3A_804 : memref<128xi32, #tpu.memory_space<hbm>>) dst(%dma_wait3A_803 : memref<128xi32, #tpu.memory_space<vmem>>)
    %dma_wait3A_805 = arith.constant 1 : i32
    %dma_wait3A_806 = arith.constant 1 : i32
    %dma_wait3A_807 = arith.constant 0 : i32
    %dma_wait3A_808 = arith.constant 0 : i32
    %dma_wait3A_809 = tpu.memref_slice %arg9[%dma_wait3A_805, %dma_wait3A_807, %dma_wait3A_808] : memref<4x128x128xf32, #tpu.memory_space<vmem>> -> memref<1x128x128xf32, #tpu.memory_space<vmem>>
    %dma_wait3A_810 = tpu.memref_squeeze %dma_wait3A_809 : memref<1x128x128xf32, #tpu.memory_space<vmem>> -> memref<128x128xf32, #tpu.memory_space<vmem>>
    %dma_wait3A_811 = arith.constant 0 : i32
    %dma_wait3A_812 = tpu.memref_slice %arg2[%add3A_706, %dma_wait3A_811] : memref<50000x128xf32, #tpu.memory_space<hbm>> -> memref<128x128xf32, #tpu.memory_space<hbm>>
    %dma_wait3A_813 = tpu.memref_slice %arg11[%dma_wait3A_806] : memref<4x!tpu.dma_semaphore, #tpu.memory_space<semaphore_mem>> -> memref<1x!tpu.dma_semaphore, #tpu.memory_space<semaphore_mem>>
    %dma_wait3A_814 = tpu.memref_squeeze %dma_wait3A_813 : memref<1x!tpu.dma_semaphore, #tpu.memory_space<semaphore_mem>> -> memref<!tpu.dma_semaphore, #tpu.memory_space<semaphore_mem>>
    %dma_wait3A_815 = arith.constant 0 : i32
    %dma_wait3A_816 = arith.constant 0 : i32
    %dma_wait3A_817 = tpu.memref_slice %arg9[%dma_wait3A_805, %dma_wait3A_815, %dma_wait3A_816] : memref<4x128x128xf32, #tpu.memory_space<vmem>> -> memref<1x128x128xf32, #tpu.memory_space<vmem>>
    %dma_wait3A_818 = tpu.memref_squeeze %dma_wait3A_817 : memref<1x128x128xf32, #tpu.memory_space<vmem>> -> memref<128x128xf32, #tpu.memory_space<vmem>>
    %dma_wait3A_819 = arith.constant 0 : i32
    %dma_wait3A_820 = tpu.memref_slice %arg2[%add3A_706, %dma_wait3A_819] : memref<50000x128xf32, #tpu.memory_space<hbm>> -> memref<128x128xf32, #tpu.memory_space<hbm>>
    tpu.wait_dma2 semaphore(%dma_wait3A_814 : memref<!tpu.dma_semaphore, #tpu.memory_space<semaphore_mem>>) src(%dma_wait3A_820 : memref<128x128xf32, #tpu.memory_space<hbm>>) dst(%dma_wait3A_818 : memref<128x128xf32, #tpu.memory_space<vmem>>)
    %dma_start3A_821 = arith.constant 1 : i32
    %dma_start3A_822 = arith.constant 9 : i32
    %dma_start3A_823 = arith.constant 1 : i32
    %dma_start3A_824 = arith.constant 0 : i32
    %dma_start3A_825 = arith.constant 0 : i32
    %dma_start3A_826 = tpu.memref_slice %arg9[%dma_start3A_821, %dma_start3A_824, %dma_start3A_825] : memref<4x128x128xf32, #tpu.memory_space<vmem>> -> memref<1x128x128xf32, #tpu.memory_space<vmem>>
    %dma_start3A_827 = tpu.memref_squeeze %dma_start3A_826 : memref<1x128x128xf32, #tpu.memory_space<vmem>> -> memref<128x128xf32, #tpu.memory_space<vmem>>
    %dma_start3A_828 = arith.constant 0 : i32
    %dma_start3A_829 = tpu.memref_slice %arg6[%dma_start3A_822, %dma_start3A_828] : memref<12x128xi32, #tpu.memory_space<vmem>> -> memref<1x128xi32, #tpu.memory_space<vmem>>
    %dma_start3A_830 = tpu.memref_squeeze %dma_start3A_829 : memref<1x128xi32, #tpu.memory_space<vmem>> -> memref<128xi32, #tpu.memory_space<vmem>>
    %dma_start3A_831 = arith.constant 0 : i32
    %dma_start3A_832 = arith.constant 0 : i32
    %dma_start3A_833 = tpu.memref_slice %arg4[%dma_start3A_831, %dma_start3A_832] : memref<100000x128xf32, #tpu.memory_space<hbm>> -> memref<100000x128xf32, #tpu.memory_space<hbm>>
    %dma_start3A_834 = tpu.memref_slice %arg12[%dma_start3A_823] : memref<4x!tpu.dma_semaphore, #tpu.memory_space<semaphore_mem>> -> memref<1x!tpu.dma_semaphore, #tpu.memory_space<semaphore_mem>>
    %dma_start3A_835 = tpu.memref_squeeze %dma_start3A_834 : memref<1x!tpu.dma_semaphore, #tpu.memory_space<semaphore_mem>> -> memref<!tpu.dma_semaphore, #tpu.memory_space<semaphore_mem>>
    tpu.enqueue_indirect_dma source(%dma_start3A_827 : memref<128x128xf32, #tpu.memory_space<vmem>>) target(%dma_start3A_833 : memref<100000x128xf32, #tpu.memory_space<hbm>>) offsets(%dma_start3A_830 : memref<128xi32, #tpu.memory_space<vmem>>) semaphore(%dma_start3A_835 : memref<!tpu.dma_semaphore, #tpu.memory_space<semaphore_mem>>)
    %dma_wait3A_836 = arith.constant 3 : i32
    %dma_wait3A_837 = arith.constant 7 : i32
    %dma_wait3A_838 = arith.constant 3 : i32
    %dma_wait3A_839 = arith.constant 0 : i32
    %dma_wait3A_840 = arith.constant 0 : i32
    %dma_wait3A_841 = tpu.memref_slice %arg9[%dma_wait3A_836, %dma_wait3A_839, %dma_wait3A_840] : memref<4x128x128xf32, #tpu.memory_space<vmem>> -> memref<1x128x128xf32, #tpu.memory_space<vmem>>
    %dma_wait3A_842 = tpu.memref_squeeze %dma_wait3A_841 : memref<1x128x128xf32, #tpu.memory_space<vmem>> -> memref<128x128xf32, #tpu.memory_space<vmem>>
    %dma_wait3A_843 = arith.constant 0 : i32
    %dma_wait3A_844 = tpu.memref_slice %arg6[%dma_wait3A_837, %dma_wait3A_843] : memref<12x128xi32, #tpu.memory_space<vmem>> -> memref<1x128xi32, #tpu.memory_space<vmem>>
    %dma_wait3A_845 = tpu.memref_squeeze %dma_wait3A_844 : memref<1x128xi32, #tpu.memory_space<vmem>> -> memref<128xi32, #tpu.memory_space<vmem>>
    %dma_wait3A_846 = arith.constant 0 : i32
    %dma_wait3A_847 = arith.constant 0 : i32
    %dma_wait3A_848 = tpu.memref_slice %arg4[%dma_wait3A_846, %dma_wait3A_847] : memref<100000x128xf32, #tpu.memory_space<hbm>> -> memref<100000x128xf32, #tpu.memory_space<hbm>>
    %dma_wait3A_849 = tpu.memref_slice %arg12[%dma_wait3A_838] : memref<4x!tpu.dma_semaphore, #tpu.memory_space<semaphore_mem>> -> memref<1x!tpu.dma_semaphore, #tpu.memory_space<semaphore_mem>>
    %dma_wait3A_850 = tpu.memref_squeeze %dma_wait3A_849 : memref<1x!tpu.dma_semaphore, #tpu.memory_space<semaphore_mem>> -> memref<!tpu.dma_semaphore, #tpu.memory_space<semaphore_mem>>
    tpu.wait_indirect_dma semaphore(%dma_wait3A_850 : memref<!tpu.dma_semaphore, #tpu.memory_space<semaphore_mem>>) src(%dma_wait3A_842 : memref<128x128xf32, #tpu.memory_space<vmem>>) dst(%dma_wait3A_848 : memref<100000x128xf32, #tpu.memory_space<hbm>>)
    %add3A_851 = arith.constant 1408 : i32
    %add3A_852 = arith.addi %mul3A_2, %add3A_851 : i32
    %dma_start3A_853 = arith.constant 3 : i32
    %dma_start3A_854 = arith.constant 3 : i32
    %dma_start3A_855 = arith.constant 0 : i32
    %dma_start3A_856 = arith.constant 0 : i32
    %dma_start3A_857 = tpu.memref_slice %arg9[%dma_start3A_853, %dma_start3A_855, %dma_start3A_856] : memref<4x128x128xf32, #tpu.memory_space<vmem>> -> memref<1x128x128xf32, #tpu.memory_space<vmem>>
    %dma_start3A_858 = tpu.memref_squeeze %dma_start3A_857 : memref<1x128x128xf32, #tpu.memory_space<vmem>> -> memref<128x128xf32, #tpu.memory_space<vmem>>
    %dma_start3A_859 = arith.constant 0 : i32
    %dma_start3A_860 = tpu.memref_slice %arg2[%add3A_852, %dma_start3A_859] : memref<50000x128xf32, #tpu.memory_space<hbm>> -> memref<128x128xf32, #tpu.memory_space<hbm>>
    %dma_start3A_861 = tpu.memref_slice %arg11[%dma_start3A_854] : memref<4x!tpu.dma_semaphore, #tpu.memory_space<semaphore_mem>> -> memref<1x!tpu.dma_semaphore, #tpu.memory_space<semaphore_mem>>
    %dma_start3A_862 = tpu.memref_squeeze %dma_start3A_861 : memref<1x!tpu.dma_semaphore, #tpu.memory_space<semaphore_mem>> -> memref<!tpu.dma_semaphore, #tpu.memory_space<semaphore_mem>>
    %dma_start3A_863 = arith.constant 0 : i32
    %dma_start3A_864 = arith.constant 0 : i32
    %dma_start3A_865 = tpu.memref_slice %arg9[%dma_start3A_853, %dma_start3A_863, %dma_start3A_864] : memref<4x128x128xf32, #tpu.memory_space<vmem>> -> memref<1x128x128xf32, #tpu.memory_space<vmem>>
    %dma_start3A_866 = tpu.memref_squeeze %dma_start3A_865 : memref<1x128x128xf32, #tpu.memory_space<vmem>> -> memref<128x128xf32, #tpu.memory_space<vmem>>
    %dma_start3A_867 = arith.constant 0 : i32
    %dma_start3A_868 = tpu.memref_slice %arg2[%add3A_852, %dma_start3A_867] : memref<50000x128xf32, #tpu.memory_space<hbm>> -> memref<128x128xf32, #tpu.memory_space<hbm>>
    tpu.enqueue_dma source(%dma_start3A_868 : memref<128x128xf32, #tpu.memory_space<hbm>>) target(%dma_start3A_866 : memref<128x128xf32, #tpu.memory_space<vmem>>) target_semaphore(%dma_start3A_862 : memref<!tpu.dma_semaphore, #tpu.memory_space<semaphore_mem>>)
    %dma_wait3A_869 = arith.constant 10 : i32
    %dma_wait3A_870 = arith.constant 0 : i32
    %dma_wait3A_871 = tpu.memref_slice %arg6[%dma_wait3A_869, %dma_wait3A_870] : memref<12x128xi32, #tpu.memory_space<vmem>> -> memref<1x128xi32, #tpu.memory_space<vmem>>
    %dma_wait3A_872 = tpu.memref_squeeze %dma_wait3A_871 : memref<1x128xi32, #tpu.memory_space<vmem>> -> memref<128xi32, #tpu.memory_space<vmem>>
    %dma_wait3A_873 = tpu.memref_slice %arg3[%add3A_131] : memref<50000xi32, #tpu.memory_space<hbm>> -> memref<128xi32, #tpu.memory_space<hbm>>
    %dma_wait3A_874 = arith.constant 0 : i32
    %dma_wait3A_875 = tpu.memref_slice %arg6[%dma_wait3A_869, %dma_wait3A_874] : memref<12x128xi32, #tpu.memory_space<vmem>> -> memref<1x128xi32, #tpu.memory_space<vmem>>
    %dma_wait3A_876 = tpu.memref_squeeze %dma_wait3A_875 : memref<1x128xi32, #tpu.memory_space<vmem>> -> memref<128xi32, #tpu.memory_space<vmem>>
    %dma_wait3A_877 = tpu.memref_slice %arg3[%add3A_131] : memref<50000xi32, #tpu.memory_space<hbm>> -> memref<128xi32, #tpu.memory_space<hbm>>
    tpu.wait_dma2 semaphore(%arg10 : memref<!tpu.dma_semaphore, #tpu.memory_space<semaphore_mem>>) src(%dma_wait3A_877 : memref<128xi32, #tpu.memory_space<hbm>>) dst(%dma_wait3A_876 : memref<128xi32, #tpu.memory_space<vmem>>)
    %dma_wait3A_878 = arith.constant 2 : i32
    %dma_wait3A_879 = arith.constant 2 : i32
    %dma_wait3A_880 = arith.constant 0 : i32
    %dma_wait3A_881 = arith.constant 0 : i32
    %dma_wait3A_882 = tpu.memref_slice %arg9[%dma_wait3A_878, %dma_wait3A_880, %dma_wait3A_881] : memref<4x128x128xf32, #tpu.memory_space<vmem>> -> memref<1x128x128xf32, #tpu.memory_space<vmem>>
    %dma_wait3A_883 = tpu.memref_squeeze %dma_wait3A_882 : memref<1x128x128xf32, #tpu.memory_space<vmem>> -> memref<128x128xf32, #tpu.memory_space<vmem>>
    %dma_wait3A_884 = arith.constant 0 : i32
    %dma_wait3A_885 = tpu.memref_slice %arg2[%add3A_779, %dma_wait3A_884] : memref<50000x128xf32, #tpu.memory_space<hbm>> -> memref<128x128xf32, #tpu.memory_space<hbm>>
    %dma_wait3A_886 = tpu.memref_slice %arg11[%dma_wait3A_879] : memref<4x!tpu.dma_semaphore, #tpu.memory_space<semaphore_mem>> -> memref<1x!tpu.dma_semaphore, #tpu.memory_space<semaphore_mem>>
    %dma_wait3A_887 = tpu.memref_squeeze %dma_wait3A_886 : memref<1x!tpu.dma_semaphore, #tpu.memory_space<semaphore_mem>> -> memref<!tpu.dma_semaphore, #tpu.memory_space<semaphore_mem>>
    %dma_wait3A_888 = arith.constant 0 : i32
    %dma_wait3A_889 = arith.constant 0 : i32
    %dma_wait3A_890 = tpu.memref_slice %arg9[%dma_wait3A_878, %dma_wait3A_888, %dma_wait3A_889] : memref<4x128x128xf32, #tpu.memory_space<vmem>> -> memref<1x128x128xf32, #tpu.memory_space<vmem>>
    %dma_wait3A_891 = tpu.memref_squeeze %dma_wait3A_890 : memref<1x128x128xf32, #tpu.memory_space<vmem>> -> memref<128x128xf32, #tpu.memory_space<vmem>>
    %dma_wait3A_892 = arith.constant 0 : i32
    %dma_wait3A_893 = tpu.memref_slice %arg2[%add3A_779, %dma_wait3A_892] : memref<50000x128xf32, #tpu.memory_space<hbm>> -> memref<128x128xf32, #tpu.memory_space<hbm>>
    tpu.wait_dma2 semaphore(%dma_wait3A_887 : memref<!tpu.dma_semaphore, #tpu.memory_space<semaphore_mem>>) src(%dma_wait3A_893 : memref<128x128xf32, #tpu.memory_space<hbm>>) dst(%dma_wait3A_891 : memref<128x128xf32, #tpu.memory_space<vmem>>)
    %dma_start3A_894 = arith.constant 2 : i32
    %dma_start3A_895 = arith.constant 10 : i32
    %dma_start3A_896 = arith.constant 2 : i32
    %dma_start3A_897 = arith.constant 0 : i32
    %dma_start3A_898 = arith.constant 0 : i32
    %dma_start3A_899 = tpu.memref_slice %arg9[%dma_start3A_894, %dma_start3A_897, %dma_start3A_898] : memref<4x128x128xf32, #tpu.memory_space<vmem>> -> memref<1x128x128xf32, #tpu.memory_space<vmem>>
    %dma_start3A_900 = tpu.memref_squeeze %dma_start3A_899 : memref<1x128x128xf32, #tpu.memory_space<vmem>> -> memref<128x128xf32, #tpu.memory_space<vmem>>
    %dma_start3A_901 = arith.constant 0 : i32
    %dma_start3A_902 = tpu.memref_slice %arg6[%dma_start3A_895, %dma_start3A_901] : memref<12x128xi32, #tpu.memory_space<vmem>> -> memref<1x128xi32, #tpu.memory_space<vmem>>
    %dma_start3A_903 = tpu.memref_squeeze %dma_start3A_902 : memref<1x128xi32, #tpu.memory_space<vmem>> -> memref<128xi32, #tpu.memory_space<vmem>>
    %dma_start3A_904 = arith.constant 0 : i32
    %dma_start3A_905 = arith.constant 0 : i32
    %dma_start3A_906 = tpu.memref_slice %arg4[%dma_start3A_904, %dma_start3A_905] : memref<100000x128xf32, #tpu.memory_space<hbm>> -> memref<100000x128xf32, #tpu.memory_space<hbm>>
    %dma_start3A_907 = tpu.memref_slice %arg12[%dma_start3A_896] : memref<4x!tpu.dma_semaphore, #tpu.memory_space<semaphore_mem>> -> memref<1x!tpu.dma_semaphore, #tpu.memory_space<semaphore_mem>>
    %dma_start3A_908 = tpu.memref_squeeze %dma_start3A_907 : memref<1x!tpu.dma_semaphore, #tpu.memory_space<semaphore_mem>> -> memref<!tpu.dma_semaphore, #tpu.memory_space<semaphore_mem>>
    tpu.enqueue_indirect_dma source(%dma_start3A_900 : memref<128x128xf32, #tpu.memory_space<vmem>>) target(%dma_start3A_906 : memref<100000x128xf32, #tpu.memory_space<hbm>>) offsets(%dma_start3A_903 : memref<128xi32, #tpu.memory_space<vmem>>) semaphore(%dma_start3A_908 : memref<!tpu.dma_semaphore, #tpu.memory_space<semaphore_mem>>)
    %dma_wait3A_909 = arith.constant 11 : i32
    %dma_wait3A_910 = arith.constant 0 : i32
    %dma_wait3A_911 = tpu.memref_slice %arg6[%dma_wait3A_909, %dma_wait3A_910] : memref<12x128xi32, #tpu.memory_space<vmem>> -> memref<1x128xi32, #tpu.memory_space<vmem>>
    %dma_wait3A_912 = tpu.memref_squeeze %dma_wait3A_911 : memref<1x128xi32, #tpu.memory_space<vmem>> -> memref<128xi32, #tpu.memory_space<vmem>>
    %dma_wait3A_913 = tpu.memref_slice %arg3[%add3A_142] : memref<50000xi32, #tpu.memory_space<hbm>> -> memref<128xi32, #tpu.memory_space<hbm>>
    %dma_wait3A_914 = arith.constant 0 : i32
    %dma_wait3A_915 = tpu.memref_slice %arg6[%dma_wait3A_909, %dma_wait3A_914] : memref<12x128xi32, #tpu.memory_space<vmem>> -> memref<1x128xi32, #tpu.memory_space<vmem>>
    %dma_wait3A_916 = tpu.memref_squeeze %dma_wait3A_915 : memref<1x128xi32, #tpu.memory_space<vmem>> -> memref<128xi32, #tpu.memory_space<vmem>>
    %dma_wait3A_917 = tpu.memref_slice %arg3[%add3A_142] : memref<50000xi32, #tpu.memory_space<hbm>> -> memref<128xi32, #tpu.memory_space<hbm>>
    tpu.wait_dma2 semaphore(%arg10 : memref<!tpu.dma_semaphore, #tpu.memory_space<semaphore_mem>>) src(%dma_wait3A_917 : memref<128xi32, #tpu.memory_space<hbm>>) dst(%dma_wait3A_916 : memref<128xi32, #tpu.memory_space<vmem>>)
    %dma_wait3A_918 = arith.constant 3 : i32
    %dma_wait3A_919 = arith.constant 3 : i32
    %dma_wait3A_920 = arith.constant 0 : i32
    %dma_wait3A_921 = arith.constant 0 : i32
    %dma_wait3A_922 = tpu.memref_slice %arg9[%dma_wait3A_918, %dma_wait3A_920, %dma_wait3A_921] : memref<4x128x128xf32, #tpu.memory_space<vmem>> -> memref<1x128x128xf32, #tpu.memory_space<vmem>>
    %dma_wait3A_923 = tpu.memref_squeeze %dma_wait3A_922 : memref<1x128x128xf32, #tpu.memory_space<vmem>> -> memref<128x128xf32, #tpu.memory_space<vmem>>
    %dma_wait3A_924 = arith.constant 0 : i32
    %dma_wait3A_925 = tpu.memref_slice %arg2[%add3A_852, %dma_wait3A_924] : memref<50000x128xf32, #tpu.memory_space<hbm>> -> memref<128x128xf32, #tpu.memory_space<hbm>>
    %dma_wait3A_926 = tpu.memref_slice %arg11[%dma_wait3A_919] : memref<4x!tpu.dma_semaphore, #tpu.memory_space<semaphore_mem>> -> memref<1x!tpu.dma_semaphore, #tpu.memory_space<semaphore_mem>>
    %dma_wait3A_927 = tpu.memref_squeeze %dma_wait3A_926 : memref<1x!tpu.dma_semaphore, #tpu.memory_space<semaphore_mem>> -> memref<!tpu.dma_semaphore, #tpu.memory_space<semaphore_mem>>
    %dma_wait3A_928 = arith.constant 0 : i32
    %dma_wait3A_929 = arith.constant 0 : i32
    %dma_wait3A_930 = tpu.memref_slice %arg9[%dma_wait3A_918, %dma_wait3A_928, %dma_wait3A_929] : memref<4x128x128xf32, #tpu.memory_space<vmem>> -> memref<1x128x128xf32, #tpu.memory_space<vmem>>
    %dma_wait3A_931 = tpu.memref_squeeze %dma_wait3A_930 : memref<1x128x128xf32, #tpu.memory_space<vmem>> -> memref<128x128xf32, #tpu.memory_space<vmem>>
    %dma_wait3A_932 = arith.constant 0 : i32
    %dma_wait3A_933 = tpu.memref_slice %arg2[%add3A_852, %dma_wait3A_932] : memref<50000x128xf32, #tpu.memory_space<hbm>> -> memref<128x128xf32, #tpu.memory_space<hbm>>
    tpu.wait_dma2 semaphore(%dma_wait3A_927 : memref<!tpu.dma_semaphore, #tpu.memory_space<semaphore_mem>>) src(%dma_wait3A_933 : memref<128x128xf32, #tpu.memory_space<hbm>>) dst(%dma_wait3A_931 : memref<128x128xf32, #tpu.memory_space<vmem>>)
    %dma_start3A_934 = arith.constant 3 : i32
    %dma_start3A_935 = arith.constant 11 : i32
    %dma_start3A_936 = arith.constant 3 : i32
    %dma_start3A_937 = arith.constant 0 : i32
    %dma_start3A_938 = arith.constant 0 : i32
    %dma_start3A_939 = tpu.memref_slice %arg9[%dma_start3A_934, %dma_start3A_937, %dma_start3A_938] : memref<4x128x128xf32, #tpu.memory_space<vmem>> -> memref<1x128x128xf32, #tpu.memory_space<vmem>>
    %dma_start3A_940 = tpu.memref_squeeze %dma_start3A_939 : memref<1x128x128xf32, #tpu.memory_space<vmem>> -> memref<128x128xf32, #tpu.memory_space<vmem>>
    %dma_start3A_941 = arith.constant 0 : i32
    %dma_start3A_942 = tpu.memref_slice %arg6[%dma_start3A_935, %dma_start3A_941] : memref<12x128xi32, #tpu.memory_space<vmem>> -> memref<1x128xi32, #tpu.memory_space<vmem>>
    %dma_start3A_943 = tpu.memref_squeeze %dma_start3A_942 : memref<1x128xi32, #tpu.memory_space<vmem>> -> memref<128xi32, #tpu.memory_space<vmem>>
    %dma_start3A_944 = arith.constant 0 : i32
    %dma_start3A_945 = arith.constant 0 : i32
    %dma_start3A_946 = tpu.memref_slice %arg4[%dma_start3A_944, %dma_start3A_945] : memref<100000x128xf32, #tpu.memory_space<hbm>> -> memref<100000x128xf32, #tpu.memory_space<hbm>>
    %dma_start3A_947 = tpu.memref_slice %arg12[%dma_start3A_936] : memref<4x!tpu.dma_semaphore, #tpu.memory_space<semaphore_mem>> -> memref<1x!tpu.dma_semaphore, #tpu.memory_space<semaphore_mem>>
    %dma_start3A_948 = tpu.memref_squeeze %dma_start3A_947 : memref<1x!tpu.dma_semaphore, #tpu.memory_space<semaphore_mem>> -> memref<!tpu.dma_semaphore, #tpu.memory_space<semaphore_mem>>
    tpu.enqueue_indirect_dma source(%dma_start3A_940 : memref<128x128xf32, #tpu.memory_space<vmem>>) target(%dma_start3A_946 : memref<100000x128xf32, #tpu.memory_space<hbm>>) offsets(%dma_start3A_943 : memref<128xi32, #tpu.memory_space<vmem>>) semaphore(%dma_start3A_948 : memref<!tpu.dma_semaphore, #tpu.memory_space<semaphore_mem>>)
    %dma_wait3A_949 = arith.constant 0 : i32
    %dma_wait3A_950 = arith.constant 8 : i32
    %dma_wait3A_951 = arith.constant 0 : i32
    %dma_wait3A_952 = arith.constant 0 : i32
    %dma_wait3A_953 = arith.constant 0 : i32
    %dma_wait3A_954 = tpu.memref_slice %arg9[%dma_wait3A_949, %dma_wait3A_952, %dma_wait3A_953] : memref<4x128x128xf32, #tpu.memory_space<vmem>> -> memref<1x128x128xf32, #tpu.memory_space<vmem>>
    %dma_wait3A_955 = tpu.memref_squeeze %dma_wait3A_954 : memref<1x128x128xf32, #tpu.memory_space<vmem>> -> memref<128x128xf32, #tpu.memory_space<vmem>>
    %dma_wait3A_956 = arith.constant 0 : i32
    %dma_wait3A_957 = tpu.memref_slice %arg6[%dma_wait3A_950, %dma_wait3A_956] : memref<12x128xi32, #tpu.memory_space<vmem>> -> memref<1x128xi32, #tpu.memory_space<vmem>>
    %dma_wait3A_958 = tpu.memref_squeeze %dma_wait3A_957 : memref<1x128xi32, #tpu.memory_space<vmem>> -> memref<128xi32, #tpu.memory_space<vmem>>
    %dma_wait3A_959 = arith.constant 0 : i32
    %dma_wait3A_960 = arith.constant 0 : i32
    %dma_wait3A_961 = tpu.memref_slice %arg4[%dma_wait3A_959, %dma_wait3A_960] : memref<100000x128xf32, #tpu.memory_space<hbm>> -> memref<100000x128xf32, #tpu.memory_space<hbm>>
    %dma_wait3A_962 = tpu.memref_slice %arg12[%dma_wait3A_951] : memref<4x!tpu.dma_semaphore, #tpu.memory_space<semaphore_mem>> -> memref<1x!tpu.dma_semaphore, #tpu.memory_space<semaphore_mem>>
    %dma_wait3A_963 = tpu.memref_squeeze %dma_wait3A_962 : memref<1x!tpu.dma_semaphore, #tpu.memory_space<semaphore_mem>> -> memref<!tpu.dma_semaphore, #tpu.memory_space<semaphore_mem>>
    tpu.wait_indirect_dma semaphore(%dma_wait3A_963 : memref<!tpu.dma_semaphore, #tpu.memory_space<semaphore_mem>>) src(%dma_wait3A_955 : memref<128x128xf32, #tpu.memory_space<vmem>>) dst(%dma_wait3A_961 : memref<100000x128xf32, #tpu.memory_space<hbm>>)
    %dma_wait3A_964 = arith.constant 1 : i32
    %dma_wait3A_965 = arith.constant 9 : i32
    %dma_wait3A_966 = arith.constant 1 : i32
    %dma_wait3A_967 = arith.constant 0 : i32
    %dma_wait3A_968 = arith.constant 0 : i32
    %dma_wait3A_969 = tpu.memref_slice %arg9[%dma_wait3A_964, %dma_wait3A_967, %dma_wait3A_968] : memref<4x128x128xf32, #tpu.memory_space<vmem>> -> memref<1x128x128xf32, #tpu.memory_space<vmem>>
    %dma_wait3A_970 = tpu.memref_squeeze %dma_wait3A_969 : memref<1x128x128xf32, #tpu.memory_space<vmem>> -> memref<128x128xf32, #tpu.memory_space<vmem>>
    %dma_wait3A_971 = arith.constant 0 : i32
    %dma_wait3A_972 = tpu.memref_slice %arg6[%dma_wait3A_965, %dma_wait3A_971] : memref<12x128xi32, #tpu.memory_space<vmem>> -> memref<1x128xi32, #tpu.memory_space<vmem>>
    %dma_wait3A_973 = tpu.memref_squeeze %dma_wait3A_972 : memref<1x128xi32, #tpu.memory_space<vmem>> -> memref<128xi32, #tpu.memory_space<vmem>>
    %dma_wait3A_974 = arith.constant 0 : i32
    %dma_wait3A_975 = arith.constant 0 : i32
    %dma_wait3A_976 = tpu.memref_slice %arg4[%dma_wait3A_974, %dma_wait3A_975] : memref<100000x128xf32, #tpu.memory_space<hbm>> -> memref<100000x128xf32, #tpu.memory_space<hbm>>
    %dma_wait3A_977 = tpu.memref_slice %arg12[%dma_wait3A_966] : memref<4x!tpu.dma_semaphore, #tpu.memory_space<semaphore_mem>> -> memref<1x!tpu.dma_semaphore, #tpu.memory_space<semaphore_mem>>
    %dma_wait3A_978 = tpu.memref_squeeze %dma_wait3A_977 : memref<1x!tpu.dma_semaphore, #tpu.memory_space<semaphore_mem>> -> memref<!tpu.dma_semaphore, #tpu.memory_space<semaphore_mem>>
    tpu.wait_indirect_dma semaphore(%dma_wait3A_978 : memref<!tpu.dma_semaphore, #tpu.memory_space<semaphore_mem>>) src(%dma_wait3A_970 : memref<128x128xf32, #tpu.memory_space<vmem>>) dst(%dma_wait3A_976 : memref<100000x128xf32, #tpu.memory_space<hbm>>)
    %dma_wait3A_979 = arith.constant 2 : i32
    %dma_wait3A_980 = arith.constant 10 : i32
    %dma_wait3A_981 = arith.constant 2 : i32
    %dma_wait3A_982 = arith.constant 0 : i32
    %dma_wait3A_983 = arith.constant 0 : i32
    %dma_wait3A_984 = tpu.memref_slice %arg9[%dma_wait3A_979, %dma_wait3A_982, %dma_wait3A_983] : memref<4x128x128xf32, #tpu.memory_space<vmem>> -> memref<1x128x128xf32, #tpu.memory_space<vmem>>
    %dma_wait3A_985 = tpu.memref_squeeze %dma_wait3A_984 : memref<1x128x128xf32, #tpu.memory_space<vmem>> -> memref<128x128xf32, #tpu.memory_space<vmem>>
    %dma_wait3A_986 = arith.constant 0 : i32
    %dma_wait3A_987 = tpu.memref_slice %arg6[%dma_wait3A_980, %dma_wait3A_986] : memref<12x128xi32, #tpu.memory_space<vmem>> -> memref<1x128xi32, #tpu.memory_space<vmem>>
    %dma_wait3A_988 = tpu.memref_squeeze %dma_wait3A_987 : memref<1x128xi32, #tpu.memory_space<vmem>> -> memref<128xi32, #tpu.memory_space<vmem>>
    %dma_wait3A_989 = arith.constant 0 : i32
    %dma_wait3A_990 = arith.constant 0 : i32
    %dma_wait3A_991 = tpu.memref_slice %arg4[%dma_wait3A_989, %dma_wait3A_990] : memref<100000x128xf32, #tpu.memory_space<hbm>> -> memref<100000x128xf32, #tpu.memory_space<hbm>>
    %dma_wait3A_992 = tpu.memref_slice %arg12[%dma_wait3A_981] : memref<4x!tpu.dma_semaphore, #tpu.memory_space<semaphore_mem>> -> memref<1x!tpu.dma_semaphore, #tpu.memory_space<semaphore_mem>>
    %dma_wait3A_993 = tpu.memref_squeeze %dma_wait3A_992 : memref<1x!tpu.dma_semaphore, #tpu.memory_space<semaphore_mem>> -> memref<!tpu.dma_semaphore, #tpu.memory_space<semaphore_mem>>
    tpu.wait_indirect_dma semaphore(%dma_wait3A_993 : memref<!tpu.dma_semaphore, #tpu.memory_space<semaphore_mem>>) src(%dma_wait3A_985 : memref<128x128xf32, #tpu.memory_space<vmem>>) dst(%dma_wait3A_991 : memref<100000x128xf32, #tpu.memory_space<hbm>>)
    %dma_wait3A_994 = arith.constant 3 : i32
    %dma_wait3A_995 = arith.constant 11 : i32
    %dma_wait3A_996 = arith.constant 3 : i32
    %dma_wait3A_997 = arith.constant 0 : i32
    %dma_wait3A_998 = arith.constant 0 : i32
    %dma_wait3A_999 = tpu.memref_slice %arg9[%dma_wait3A_994, %dma_wait3A_997, %dma_wait3A_998] : memref<4x128x128xf32, #tpu.memory_space<vmem>> -> memref<1x128x128xf32, #tpu.memory_space<vmem>>
    %dma_wait3A_1000 = tpu.memref_squeeze %dma_wait3A_999 : memref<1x128x128xf32, #tpu.memory_space<vmem>> -> memref<128x128xf32, #tpu.memory_space<vmem>>
    %dma_wait3A_1001 = arith.constant 0 : i32
    %dma_wait3A_1002 = tpu.memref_slice %arg6[%dma_wait3A_995, %dma_wait3A_1001] : memref<12x128xi32, #tpu.memory_space<vmem>> -> memref<1x128xi32, #tpu.memory_space<vmem>>
    %dma_wait3A_1003 = tpu.memref_squeeze %dma_wait3A_1002 : memref<1x128xi32, #tpu.memory_space<vmem>> -> memref<128xi32, #tpu.memory_space<vmem>>
    %dma_wait3A_1004 = arith.constant 0 : i32
    %dma_wait3A_1005 = arith.constant 0 : i32
    %dma_wait3A_1006 = tpu.memref_slice %arg4[%dma_wait3A_1004, %dma_wait3A_1005] : memref<100000x128xf32, #tpu.memory_space<hbm>> -> memref<100000x128xf32, #tpu.memory_space<hbm>>
    %dma_wait3A_1007 = tpu.memref_slice %arg12[%dma_wait3A_996] : memref<4x!tpu.dma_semaphore, #tpu.memory_space<semaphore_mem>> -> memref<1x!tpu.dma_semaphore, #tpu.memory_space<semaphore_mem>>
    %dma_wait3A_1008 = tpu.memref_squeeze %dma_wait3A_1007 : memref<1x!tpu.dma_semaphore, #tpu.memory_space<semaphore_mem>> -> memref<!tpu.dma_semaphore, #tpu.memory_space<semaphore_mem>>
    tpu.wait_indirect_dma semaphore(%dma_wait3A_1008 : memref<!tpu.dma_semaphore, #tpu.memory_space<semaphore_mem>>) src(%dma_wait3A_1000 : memref<128x128xf32, #tpu.memory_space<vmem>>) dst(%dma_wait3A_1006 : memref<100000x128xf32, #tpu.memory_space<hbm>>)
    %eq3A = arith.constant 0 : i32
    %eq3A_1009 = arith.cmpi eq, %add3A, %eq3A : i32
    %convert_element_type3A = arith.extui %eq3A_1009 : i1 to i32
    %cond3A = arith.constant 0 : i32
    %cond3A_1010 = arith.cmpi ne, %convert_element_type3A, %cond3A : i32
    scf.if %cond3A_1010 {
      %dma_start3A_1041 = arith.constant 0 : i32
      %dma_start3A_1042 = arith.constant 0 : i32
      %dma_start3A_1043 = tpu.memref_slice %arg7[%dma_start3A_1041, %dma_start3A_1042] : memref<1x128xi32, #tpu.memory_space<vmem>> -> memref<1x128xi32, #tpu.memory_space<vmem>>
      %dma_start3A_1044 = tpu.memref_squeeze %dma_start3A_1043 : memref<1x128xi32, #tpu.memory_space<vmem>> -> memref<128xi32, #tpu.memory_space<vmem>>
      %dma_start3A_1045 = arith.constant 49152 : i32
      %dma_start3A_1046 = tpu.memref_slice %arg3[%dma_start3A_1045] : memref<50000xi32, #tpu.memory_space<hbm>> -> memref<128xi32, #tpu.memory_space<hbm>>
      %dma_start3A_1047 = arith.constant 0 : i32
      %dma_start3A_1048 = tpu.memref_slice %arg7[%dma_start3A_1041, %dma_start3A_1047] : memref<1x128xi32, #tpu.memory_space<vmem>> -> memref<1x128xi32, #tpu.memory_space<vmem>>
      %dma_start3A_1049 = tpu.memref_squeeze %dma_start3A_1048 : memref<1x128xi32, #tpu.memory_space<vmem>> -> memref<128xi32, #tpu.memory_space<vmem>>
      %dma_start3A_1050 = arith.constant 49152 : i32
      %dma_start3A_1051 = tpu.memref_slice %arg3[%dma_start3A_1050] : memref<50000xi32, #tpu.memory_space<hbm>> -> memref<128xi32, #tpu.memory_space<hbm>>
      tpu.enqueue_dma source(%dma_start3A_1051 : memref<128xi32, #tpu.memory_space<hbm>>) target(%dma_start3A_1049 : memref<128xi32, #tpu.memory_space<vmem>>) target_semaphore(%arg10 : memref<!tpu.dma_semaphore, #tpu.memory_space<semaphore_mem>>)
      %dma_start3A_1052 = arith.constant 0 : i32
      %dma_start3A_1053 = arith.constant 0 : i32
      %dma_start3A_1054 = arith.constant 0 : i32
      %dma_start3A_1055 = arith.constant 0 : i32
      %dma_start3A_1056 = tpu.memref_slice %arg9[%dma_start3A_1052, %dma_start3A_1054, %dma_start3A_1055] : memref<4x128x128xf32, #tpu.memory_space<vmem>> -> memref<1x128x128xf32, #tpu.memory_space<vmem>>
      %dma_start3A_1057 = tpu.memref_squeeze %dma_start3A_1056 : memref<1x128x128xf32, #tpu.memory_space<vmem>> -> memref<128x128xf32, #tpu.memory_space<vmem>>
      %dma_start3A_1058 = arith.constant 49152 : i32
      %dma_start3A_1059 = arith.constant 0 : i32
      %dma_start3A_1060 = tpu.memref_slice %arg2[%dma_start3A_1058, %dma_start3A_1059] : memref<50000x128xf32, #tpu.memory_space<hbm>> -> memref<128x128xf32, #tpu.memory_space<hbm>>
      %dma_start3A_1061 = tpu.memref_slice %arg11[%dma_start3A_1053] : memref<4x!tpu.dma_semaphore, #tpu.memory_space<semaphore_mem>> -> memref<1x!tpu.dma_semaphore, #tpu.memory_space<semaphore_mem>>
      %dma_start3A_1062 = tpu.memref_squeeze %dma_start3A_1061 : memref<1x!tpu.dma_semaphore, #tpu.memory_space<semaphore_mem>> -> memref<!tpu.dma_semaphore, #tpu.memory_space<semaphore_mem>>
      %dma_start3A_1063 = arith.constant 0 : i32
      %dma_start3A_1064 = arith.constant 0 : i32
      %dma_start3A_1065 = tpu.memref_slice %arg9[%dma_start3A_1052, %dma_start3A_1063, %dma_start3A_1064] : memref<4x128x128xf32, #tpu.memory_space<vmem>> -> memref<1x128x128xf32, #tpu.memory_space<vmem>>
      %dma_start3A_1066 = tpu.memref_squeeze %dma_start3A_1065 : memref<1x128x128xf32, #tpu.memory_space<vmem>> -> memref<128x128xf32, #tpu.memory_space<vmem>>
      %dma_start3A_1067 = arith.constant 49152 : i32
      %dma_start3A_1068 = arith.constant 0 : i32
      %dma_start3A_1069 = tpu.memref_slice %arg2[%dma_start3A_1067, %dma_start3A_1068] : memref<50000x128xf32, #tpu.memory_space<hbm>> -> memref<128x128xf32, #tpu.memory_space<hbm>>
      tpu.enqueue_dma source(%dma_start3A_1069 : memref<128x128xf32, #tpu.memory_space<hbm>>) target(%dma_start3A_1066 : memref<128x128xf32, #tpu.memory_space<vmem>>) target_semaphore(%dma_start3A_1062 : memref<!tpu.dma_semaphore, #tpu.memory_space<semaphore_mem>>)
      %dma_wait3A_1070 = arith.constant 0 : i32
      %dma_wait3A_1071 = arith.constant 0 : i32
      %dma_wait3A_1072 = tpu.memref_slice %arg7[%dma_wait3A_1070, %dma_wait3A_1071] : memref<1x128xi32, #tpu.memory_space<vmem>> -> memref<1x128xi32, #tpu.memory_space<vmem>>
      %dma_wait3A_1073 = tpu.memref_squeeze %dma_wait3A_1072 : memref<1x128xi32, #tpu.memory_space<vmem>> -> memref<128xi32, #tpu.memory_space<vmem>>
      %dma_wait3A_1074 = arith.constant 49152 : i32
      %dma_wait3A_1075 = tpu.memref_slice %arg3[%dma_wait3A_1074] : memref<50000xi32, #tpu.memory_space<hbm>> -> memref<128xi32, #tpu.memory_space<hbm>>
      %dma_wait3A_1076 = arith.constant 0 : i32
      %dma_wait3A_1077 = tpu.memref_slice %arg7[%dma_wait3A_1070, %dma_wait3A_1076] : memref<1x128xi32, #tpu.memory_space<vmem>> -> memref<1x128xi32, #tpu.memory_space<vmem>>
      %dma_wait3A_1078 = tpu.memref_squeeze %dma_wait3A_1077 : memref<1x128xi32, #tpu.memory_space<vmem>> -> memref<128xi32, #tpu.memory_space<vmem>>
      %dma_wait3A_1079 = arith.constant 49152 : i32
      %dma_wait3A_1080 = tpu.memref_slice %arg3[%dma_wait3A_1079] : memref<50000xi32, #tpu.memory_space<hbm>> -> memref<128xi32, #tpu.memory_space<hbm>>
      tpu.wait_dma2 semaphore(%arg10 : memref<!tpu.dma_semaphore, #tpu.memory_space<semaphore_mem>>) src(%dma_wait3A_1080 : memref<128xi32, #tpu.memory_space<hbm>>) dst(%dma_wait3A_1078 : memref<128xi32, #tpu.memory_space<vmem>>)
      %dma_wait3A_1081 = arith.constant 0 : i32
      %dma_wait3A_1082 = arith.constant 0 : i32
      %dma_wait3A_1083 = arith.constant 0 : i32
      %dma_wait3A_1084 = arith.constant 0 : i32
      %dma_wait3A_1085 = tpu.memref_slice %arg9[%dma_wait3A_1081, %dma_wait3A_1083, %dma_wait3A_1084] : memref<4x128x128xf32, #tpu.memory_space<vmem>> -> memref<1x128x128xf32, #tpu.memory_space<vmem>>
      %dma_wait3A_1086 = tpu.memref_squeeze %dma_wait3A_1085 : memref<1x128x128xf32, #tpu.memory_space<vmem>> -> memref<128x128xf32, #tpu.memory_space<vmem>>
      %dma_wait3A_1087 = arith.constant 49152 : i32
      %dma_wait3A_1088 = arith.constant 0 : i32
      %dma_wait3A_1089 = tpu.memref_slice %arg2[%dma_wait3A_1087, %dma_wait3A_1088] : memref<50000x128xf32, #tpu.memory_space<hbm>> -> memref<128x128xf32, #tpu.memory_space<hbm>>
      %dma_wait3A_1090 = tpu.memref_slice %arg11[%dma_wait3A_1082] : memref<4x!tpu.dma_semaphore, #tpu.memory_space<semaphore_mem>> -> memref<1x!tpu.dma_semaphore, #tpu.memory_space<semaphore_mem>>
      %dma_wait3A_1091 = tpu.memref_squeeze %dma_wait3A_1090 : memref<1x!tpu.dma_semaphore, #tpu.memory_space<semaphore_mem>> -> memref<!tpu.dma_semaphore, #tpu.memory_space<semaphore_mem>>
      %dma_wait3A_1092 = arith.constant 0 : i32
      %dma_wait3A_1093 = arith.constant 0 : i32
      %dma_wait3A_1094 = tpu.memref_slice %arg9[%dma_wait3A_1081, %dma_wait3A_1092, %dma_wait3A_1093] : memref<4x128x128xf32, #tpu.memory_space<vmem>> -> memref<1x128x128xf32, #tpu.memory_space<vmem>>
      %dma_wait3A_1095 = tpu.memref_squeeze %dma_wait3A_1094 : memref<1x128x128xf32, #tpu.memory_space<vmem>> -> memref<128x128xf32, #tpu.memory_space<vmem>>
      %dma_wait3A_1096 = arith.constant 49152 : i32
      %dma_wait3A_1097 = arith.constant 0 : i32
      %dma_wait3A_1098 = tpu.memref_slice %arg2[%dma_wait3A_1096, %dma_wait3A_1097] : memref<50000x128xf32, #tpu.memory_space<hbm>> -> memref<128x128xf32, #tpu.memory_space<hbm>>
      tpu.wait_dma2 semaphore(%dma_wait3A_1091 : memref<!tpu.dma_semaphore, #tpu.memory_space<semaphore_mem>>) src(%dma_wait3A_1098 : memref<128x128xf32, #tpu.memory_space<hbm>>) dst(%dma_wait3A_1095 : memref<128x128xf32, #tpu.memory_space<vmem>>)
      %dma_start3A_1099 = arith.constant 0 : i32
      %dma_start3A_1100 = arith.constant 0 : i32
      %dma_start3A_1101 = arith.constant 0 : i32
      %dma_start3A_1102 = arith.constant 0 : i32
      %dma_start3A_1103 = arith.constant 0 : i32
      %dma_start3A_1104 = tpu.memref_slice %arg9[%dma_start3A_1099, %dma_start3A_1102, %dma_start3A_1103] : memref<4x128x128xf32, #tpu.memory_space<vmem>> -> memref<1x128x128xf32, #tpu.memory_space<vmem>>
      %dma_start3A_1105 = tpu.memref_squeeze %dma_start3A_1104 : memref<1x128x128xf32, #tpu.memory_space<vmem>> -> memref<128x128xf32, #tpu.memory_space<vmem>>
      %dma_start3A_1106 = arith.constant 0 : i32
      %dma_start3A_1107 = tpu.memref_slice %arg7[%dma_start3A_1100, %dma_start3A_1106] : memref<1x128xi32, #tpu.memory_space<vmem>> -> memref<1x128xi32, #tpu.memory_space<vmem>>
      %dma_start3A_1108 = tpu.memref_squeeze %dma_start3A_1107 : memref<1x128xi32, #tpu.memory_space<vmem>> -> memref<128xi32, #tpu.memory_space<vmem>>
      %dma_start3A_1109 = arith.constant 0 : i32
      %dma_start3A_1110 = arith.constant 0 : i32
      %dma_start3A_1111 = tpu.memref_slice %arg4[%dma_start3A_1109, %dma_start3A_1110] : memref<100000x128xf32, #tpu.memory_space<hbm>> -> memref<100000x128xf32, #tpu.memory_space<hbm>>
      %dma_start3A_1112 = tpu.memref_slice %arg12[%dma_start3A_1101] : memref<4x!tpu.dma_semaphore, #tpu.memory_space<semaphore_mem>> -> memref<1x!tpu.dma_semaphore, #tpu.memory_space<semaphore_mem>>
      %dma_start3A_1113 = tpu.memref_squeeze %dma_start3A_1112 : memref<1x!tpu.dma_semaphore, #tpu.memory_space<semaphore_mem>> -> memref<!tpu.dma_semaphore, #tpu.memory_space<semaphore_mem>>
      tpu.enqueue_indirect_dma source(%dma_start3A_1105 : memref<128x128xf32, #tpu.memory_space<vmem>>) target(%dma_start3A_1111 : memref<100000x128xf32, #tpu.memory_space<hbm>>) offsets(%dma_start3A_1108 : memref<128xi32, #tpu.memory_space<vmem>>) semaphore(%dma_start3A_1113 : memref<!tpu.dma_semaphore, #tpu.memory_space<semaphore_mem>>)
      %dma_wait3A_1114 = arith.constant 0 : i32
      %dma_wait3A_1115 = arith.constant 0 : i32
      %dma_wait3A_1116 = arith.constant 0 : i32
      %dma_wait3A_1117 = arith.constant 0 : i32
      %dma_wait3A_1118 = arith.constant 0 : i32
      %dma_wait3A_1119 = tpu.memref_slice %arg9[%dma_wait3A_1114, %dma_wait3A_1117, %dma_wait3A_1118] : memref<4x128x128xf32, #tpu.memory_space<vmem>> -> memref<1x128x128xf32, #tpu.memory_space<vmem>>
      %dma_wait3A_1120 = tpu.memref_squeeze %dma_wait3A_1119 : memref<1x128x128xf32, #tpu.memory_space<vmem>> -> memref<128x128xf32, #tpu.memory_space<vmem>>
      %dma_wait3A_1121 = arith.constant 0 : i32
      %dma_wait3A_1122 = tpu.memref_slice %arg7[%dma_wait3A_1115, %dma_wait3A_1121] : memref<1x128xi32, #tpu.memory_space<vmem>> -> memref<1x128xi32, #tpu.memory_space<vmem>>
      %dma_wait3A_1123 = tpu.memref_squeeze %dma_wait3A_1122 : memref<1x128xi32, #tpu.memory_space<vmem>> -> memref<128xi32, #tpu.memory_space<vmem>>
      %dma_wait3A_1124 = arith.constant 0 : i32
      %dma_wait3A_1125 = arith.constant 0 : i32
      %dma_wait3A_1126 = tpu.memref_slice %arg4[%dma_wait3A_1124, %dma_wait3A_1125] : memref<100000x128xf32, #tpu.memory_space<hbm>> -> memref<100000x128xf32, #tpu.memory_space<hbm>>
      %dma_wait3A_1127 = tpu.memref_slice %arg12[%dma_wait3A_1116] : memref<4x!tpu.dma_semaphore, #tpu.memory_space<semaphore_mem>> -> memref<1x!tpu.dma_semaphore, #tpu.memory_space<semaphore_mem>>
      %dma_wait3A_1128 = tpu.memref_squeeze %dma_wait3A_1127 : memref<1x!tpu.dma_semaphore, #tpu.memory_space<semaphore_mem>> -> memref<!tpu.dma_semaphore, #tpu.memory_space<semaphore_mem>>
      tpu.wait_indirect_dma semaphore(%dma_wait3A_1128 : memref<!tpu.dma_semaphore, #tpu.memory_space<semaphore_mem>>) src(%dma_wait3A_1120 : memref<128x128xf32, #tpu.memory_space<vmem>>) dst(%dma_wait3A_1126 : memref<100000x128xf32, #tpu.memory_space<hbm>>)
    } else {
    }
    %eq3A_1011 = arith.constant 1 : i32
    %eq3A_1012 = arith.cmpi eq, %add3A, %eq3A_1011 : i32
    %convert_element_type3A_1013 = arith.extui %eq3A_1012 : i1 to i32
    %cond3A_1014 = arith.constant 0 : i32
    %cond3A_1015 = arith.cmpi ne, %convert_element_type3A_1013, %cond3A_1014 : i32
    scf.if %cond3A_1015 {
      %dma_start3A_1041 = arith.constant 0 : i32
      %dma_start3A_1042 = arith.constant 0 : i32
      %dma_start3A_1043 = tpu.memref_slice %arg7[%dma_start3A_1041, %dma_start3A_1042] : memref<1x128xi32, #tpu.memory_space<vmem>> -> memref<1x128xi32, #tpu.memory_space<vmem>>
      %dma_start3A_1044 = tpu.memref_squeeze %dma_start3A_1043 : memref<1x128xi32, #tpu.memory_space<vmem>> -> memref<128xi32, #tpu.memory_space<vmem>>
      %dma_start3A_1045 = arith.constant 49280 : i32
      %dma_start3A_1046 = tpu.memref_slice %arg3[%dma_start3A_1045] : memref<50000xi32, #tpu.memory_space<hbm>> -> memref<128xi32, #tpu.memory_space<hbm>>
      %dma_start3A_1047 = arith.constant 0 : i32
      %dma_start3A_1048 = tpu.memref_slice %arg7[%dma_start3A_1041, %dma_start3A_1047] : memref<1x128xi32, #tpu.memory_space<vmem>> -> memref<1x128xi32, #tpu.memory_space<vmem>>
      %dma_start3A_1049 = tpu.memref_squeeze %dma_start3A_1048 : memref<1x128xi32, #tpu.memory_space<vmem>> -> memref<128xi32, #tpu.memory_space<vmem>>
      %dma_start3A_1050 = arith.constant 49280 : i32
      %dma_start3A_1051 = tpu.memref_slice %arg3[%dma_start3A_1050] : memref<50000xi32, #tpu.memory_space<hbm>> -> memref<128xi32, #tpu.memory_space<hbm>>
      tpu.enqueue_dma source(%dma_start3A_1051 : memref<128xi32, #tpu.memory_space<hbm>>) target(%dma_start3A_1049 : memref<128xi32, #tpu.memory_space<vmem>>) target_semaphore(%arg10 : memref<!tpu.dma_semaphore, #tpu.memory_space<semaphore_mem>>)
      %dma_start3A_1052 = arith.constant 0 : i32
      %dma_start3A_1053 = arith.constant 0 : i32
      %dma_start3A_1054 = arith.constant 0 : i32
      %dma_start3A_1055 = arith.constant 0 : i32
      %dma_start3A_1056 = tpu.memref_slice %arg9[%dma_start3A_1052, %dma_start3A_1054, %dma_start3A_1055] : memref<4x128x128xf32, #tpu.memory_space<vmem>> -> memref<1x128x128xf32, #tpu.memory_space<vmem>>
      %dma_start3A_1057 = tpu.memref_squeeze %dma_start3A_1056 : memref<1x128x128xf32, #tpu.memory_space<vmem>> -> memref<128x128xf32, #tpu.memory_space<vmem>>
      %dma_start3A_1058 = arith.constant 49280 : i32
      %dma_start3A_1059 = arith.constant 0 : i32
      %dma_start3A_1060 = tpu.memref_slice %arg2[%dma_start3A_1058, %dma_start3A_1059] : memref<50000x128xf32, #tpu.memory_space<hbm>> -> memref<128x128xf32, #tpu.memory_space<hbm>>
      %dma_start3A_1061 = tpu.memref_slice %arg11[%dma_start3A_1053] : memref<4x!tpu.dma_semaphore, #tpu.memory_space<semaphore_mem>> -> memref<1x!tpu.dma_semaphore, #tpu.memory_space<semaphore_mem>>
      %dma_start3A_1062 = tpu.memref_squeeze %dma_start3A_1061 : memref<1x!tpu.dma_semaphore, #tpu.memory_space<semaphore_mem>> -> memref<!tpu.dma_semaphore, #tpu.memory_space<semaphore_mem>>
      %dma_start3A_1063 = arith.constant 0 : i32
      %dma_start3A_1064 = arith.constant 0 : i32
      %dma_start3A_1065 = tpu.memref_slice %arg9[%dma_start3A_1052, %dma_start3A_1063, %dma_start3A_1064] : memref<4x128x128xf32, #tpu.memory_space<vmem>> -> memref<1x128x128xf32, #tpu.memory_space<vmem>>
      %dma_start3A_1066 = tpu.memref_squeeze %dma_start3A_1065 : memref<1x128x128xf32, #tpu.memory_space<vmem>> -> memref<128x128xf32, #tpu.memory_space<vmem>>
      %dma_start3A_1067 = arith.constant 49280 : i32
      %dma_start3A_1068 = arith.constant 0 : i32
      %dma_start3A_1069 = tpu.memref_slice %arg2[%dma_start3A_1067, %dma_start3A_1068] : memref<50000x128xf32, #tpu.memory_space<hbm>> -> memref<128x128xf32, #tpu.memory_space<hbm>>
      tpu.enqueue_dma source(%dma_start3A_1069 : memref<128x128xf32, #tpu.memory_space<hbm>>) target(%dma_start3A_1066 : memref<128x128xf32, #tpu.memory_space<vmem>>) target_semaphore(%dma_start3A_1062 : memref<!tpu.dma_semaphore, #tpu.memory_space<semaphore_mem>>)
      %dma_wait3A_1070 = arith.constant 0 : i32
      %dma_wait3A_1071 = arith.constant 0 : i32
      %dma_wait3A_1072 = tpu.memref_slice %arg7[%dma_wait3A_1070, %dma_wait3A_1071] : memref<1x128xi32, #tpu.memory_space<vmem>> -> memref<1x128xi32, #tpu.memory_space<vmem>>
      %dma_wait3A_1073 = tpu.memref_squeeze %dma_wait3A_1072 : memref<1x128xi32, #tpu.memory_space<vmem>> -> memref<128xi32, #tpu.memory_space<vmem>>
      %dma_wait3A_1074 = arith.constant 49280 : i32
      %dma_wait3A_1075 = tpu.memref_slice %arg3[%dma_wait3A_1074] : memref<50000xi32, #tpu.memory_space<hbm>> -> memref<128xi32, #tpu.memory_space<hbm>>
      %dma_wait3A_1076 = arith.constant 0 : i32
      %dma_wait3A_1077 = tpu.memref_slice %arg7[%dma_wait3A_1070, %dma_wait3A_1076] : memref<1x128xi32, #tpu.memory_space<vmem>> -> memref<1x128xi32, #tpu.memory_space<vmem>>
      %dma_wait3A_1078 = tpu.memref_squeeze %dma_wait3A_1077 : memref<1x128xi32, #tpu.memory_space<vmem>> -> memref<128xi32, #tpu.memory_space<vmem>>
      %dma_wait3A_1079 = arith.constant 49280 : i32
      %dma_wait3A_1080 = tpu.memref_slice %arg3[%dma_wait3A_1079] : memref<50000xi32, #tpu.memory_space<hbm>> -> memref<128xi32, #tpu.memory_space<hbm>>
      tpu.wait_dma2 semaphore(%arg10 : memref<!tpu.dma_semaphore, #tpu.memory_space<semaphore_mem>>) src(%dma_wait3A_1080 : memref<128xi32, #tpu.memory_space<hbm>>) dst(%dma_wait3A_1078 : memref<128xi32, #tpu.memory_space<vmem>>)
      %dma_wait3A_1081 = arith.constant 0 : i32
      %dma_wait3A_1082 = arith.constant 0 : i32
      %dma_wait3A_1083 = arith.constant 0 : i32
      %dma_wait3A_1084 = arith.constant 0 : i32
      %dma_wait3A_1085 = tpu.memref_slice %arg9[%dma_wait3A_1081, %dma_wait3A_1083, %dma_wait3A_1084] : memref<4x128x128xf32, #tpu.memory_space<vmem>> -> memref<1x128x128xf32, #tpu.memory_space<vmem>>
      %dma_wait3A_1086 = tpu.memref_squeeze %dma_wait3A_1085 : memref<1x128x128xf32, #tpu.memory_space<vmem>> -> memref<128x128xf32, #tpu.memory_space<vmem>>
      %dma_wait3A_1087 = arith.constant 49280 : i32
      %dma_wait3A_1088 = arith.constant 0 : i32
      %dma_wait3A_1089 = tpu.memref_slice %arg2[%dma_wait3A_1087, %dma_wait3A_1088] : memref<50000x128xf32, #tpu.memory_space<hbm>> -> memref<128x128xf32, #tpu.memory_space<hbm>>
      %dma_wait3A_1090 = tpu.memref_slice %arg11[%dma_wait3A_1082] : memref<4x!tpu.dma_semaphore, #tpu.memory_space<semaphore_mem>> -> memref<1x!tpu.dma_semaphore, #tpu.memory_space<semaphore_mem>>
      %dma_wait3A_1091 = tpu.memref_squeeze %dma_wait3A_1090 : memref<1x!tpu.dma_semaphore, #tpu.memory_space<semaphore_mem>> -> memref<!tpu.dma_semaphore, #tpu.memory_space<semaphore_mem>>
      %dma_wait3A_1092 = arith.constant 0 : i32
      %dma_wait3A_1093 = arith.constant 0 : i32
      %dma_wait3A_1094 = tpu.memref_slice %arg9[%dma_wait3A_1081, %dma_wait3A_1092, %dma_wait3A_1093] : memref<4x128x128xf32, #tpu.memory_space<vmem>> -> memref<1x128x128xf32, #tpu.memory_space<vmem>>
      %dma_wait3A_1095 = tpu.memref_squeeze %dma_wait3A_1094 : memref<1x128x128xf32, #tpu.memory_space<vmem>> -> memref<128x128xf32, #tpu.memory_space<vmem>>
      %dma_wait3A_1096 = arith.constant 49280 : i32
      %dma_wait3A_1097 = arith.constant 0 : i32
      %dma_wait3A_1098 = tpu.memref_slice %arg2[%dma_wait3A_1096, %dma_wait3A_1097] : memref<50000x128xf32, #tpu.memory_space<hbm>> -> memref<128x128xf32, #tpu.memory_space<hbm>>
      tpu.wait_dma2 semaphore(%dma_wait3A_1091 : memref<!tpu.dma_semaphore, #tpu.memory_space<semaphore_mem>>) src(%dma_wait3A_1098 : memref<128x128xf32, #tpu.memory_space<hbm>>) dst(%dma_wait3A_1095 : memref<128x128xf32, #tpu.memory_space<vmem>>)
      %dma_start3A_1099 = arith.constant 0 : i32
      %dma_start3A_1100 = arith.constant 0 : i32
      %dma_start3A_1101 = arith.constant 0 : i32
      %dma_start3A_1102 = arith.constant 0 : i32
      %dma_start3A_1103 = arith.constant 0 : i32
      %dma_start3A_1104 = tpu.memref_slice %arg9[%dma_start3A_1099, %dma_start3A_1102, %dma_start3A_1103] : memref<4x128x128xf32, #tpu.memory_space<vmem>> -> memref<1x128x128xf32, #tpu.memory_space<vmem>>
      %dma_start3A_1105 = tpu.memref_squeeze %dma_start3A_1104 : memref<1x128x128xf32, #tpu.memory_space<vmem>> -> memref<128x128xf32, #tpu.memory_space<vmem>>
      %dma_start3A_1106 = arith.constant 0 : i32
      %dma_start3A_1107 = tpu.memref_slice %arg7[%dma_start3A_1100, %dma_start3A_1106] : memref<1x128xi32, #tpu.memory_space<vmem>> -> memref<1x128xi32, #tpu.memory_space<vmem>>
      %dma_start3A_1108 = tpu.memref_squeeze %dma_start3A_1107 : memref<1x128xi32, #tpu.memory_space<vmem>> -> memref<128xi32, #tpu.memory_space<vmem>>
      %dma_start3A_1109 = arith.constant 0 : i32
      %dma_start3A_1110 = arith.constant 0 : i32
      %dma_start3A_1111 = tpu.memref_slice %arg4[%dma_start3A_1109, %dma_start3A_1110] : memref<100000x128xf32, #tpu.memory_space<hbm>> -> memref<100000x128xf32, #tpu.memory_space<hbm>>
      %dma_start3A_1112 = tpu.memref_slice %arg12[%dma_start3A_1101] : memref<4x!tpu.dma_semaphore, #tpu.memory_space<semaphore_mem>> -> memref<1x!tpu.dma_semaphore, #tpu.memory_space<semaphore_mem>>
      %dma_start3A_1113 = tpu.memref_squeeze %dma_start3A_1112 : memref<1x!tpu.dma_semaphore, #tpu.memory_space<semaphore_mem>> -> memref<!tpu.dma_semaphore, #tpu.memory_space<semaphore_mem>>
      tpu.enqueue_indirect_dma source(%dma_start3A_1105 : memref<128x128xf32, #tpu.memory_space<vmem>>) target(%dma_start3A_1111 : memref<100000x128xf32, #tpu.memory_space<hbm>>) offsets(%dma_start3A_1108 : memref<128xi32, #tpu.memory_space<vmem>>) semaphore(%dma_start3A_1113 : memref<!tpu.dma_semaphore, #tpu.memory_space<semaphore_mem>>)
      %dma_wait3A_1114 = arith.constant 0 : i32
      %dma_wait3A_1115 = arith.constant 0 : i32
      %dma_wait3A_1116 = arith.constant 0 : i32
      %dma_wait3A_1117 = arith.constant 0 : i32
      %dma_wait3A_1118 = arith.constant 0 : i32
      %dma_wait3A_1119 = tpu.memref_slice %arg9[%dma_wait3A_1114, %dma_wait3A_1117, %dma_wait3A_1118] : memref<4x128x128xf32, #tpu.memory_space<vmem>> -> memref<1x128x128xf32, #tpu.memory_space<vmem>>
      %dma_wait3A_1120 = tpu.memref_squeeze %dma_wait3A_1119 : memref<1x128x128xf32, #tpu.memory_space<vmem>> -> memref<128x128xf32, #tpu.memory_space<vmem>>
      %dma_wait3A_1121 = arith.constant 0 : i32
      %dma_wait3A_1122 = tpu.memref_slice %arg7[%dma_wait3A_1115, %dma_wait3A_1121] : memref<1x128xi32, #tpu.memory_space<vmem>> -> memref<1x128xi32, #tpu.memory_space<vmem>>
      %dma_wait3A_1123 = tpu.memref_squeeze %dma_wait3A_1122 : memref<1x128xi32, #tpu.memory_space<vmem>> -> memref<128xi32, #tpu.memory_space<vmem>>
      %dma_wait3A_1124 = arith.constant 0 : i32
      %dma_wait3A_1125 = arith.constant 0 : i32
      %dma_wait3A_1126 = tpu.memref_slice %arg4[%dma_wait3A_1124, %dma_wait3A_1125] : memref<100000x128xf32, #tpu.memory_space<hbm>> -> memref<100000x128xf32, #tpu.memory_space<hbm>>
      %dma_wait3A_1127 = tpu.memref_slice %arg12[%dma_wait3A_1116] : memref<4x!tpu.dma_semaphore, #tpu.memory_space<semaphore_mem>> -> memref<1x!tpu.dma_semaphore, #tpu.memory_space<semaphore_mem>>
      %dma_wait3A_1128 = tpu.memref_squeeze %dma_wait3A_1127 : memref<1x!tpu.dma_semaphore, #tpu.memory_space<semaphore_mem>> -> memref<!tpu.dma_semaphore, #tpu.memory_space<semaphore_mem>>
      tpu.wait_indirect_dma semaphore(%dma_wait3A_1128 : memref<!tpu.dma_semaphore, #tpu.memory_space<semaphore_mem>>) src(%dma_wait3A_1120 : memref<128x128xf32, #tpu.memory_space<vmem>>) dst(%dma_wait3A_1126 : memref<100000x128xf32, #tpu.memory_space<hbm>>)
    } else {
    }
    %eq3A_1016 = arith.constant 2 : i32
    %eq3A_1017 = arith.cmpi eq, %add3A, %eq3A_1016 : i32
    %convert_element_type3A_1018 = arith.extui %eq3A_1017 : i1 to i32
    %cond3A_1019 = arith.constant 0 : i32
    %cond3A_1020 = arith.cmpi ne, %convert_element_type3A_1018, %cond3A_1019 : i32
    scf.if %cond3A_1020 {
      %dma_start3A_1041 = arith.constant 0 : i32
      %dma_start3A_1042 = arith.constant 0 : i32
      %dma_start3A_1043 = tpu.memref_slice %arg7[%dma_start3A_1041, %dma_start3A_1042] : memref<1x128xi32, #tpu.memory_space<vmem>> -> memref<1x128xi32, #tpu.memory_space<vmem>>
      %dma_start3A_1044 = tpu.memref_squeeze %dma_start3A_1043 : memref<1x128xi32, #tpu.memory_space<vmem>> -> memref<128xi32, #tpu.memory_space<vmem>>
      %dma_start3A_1045 = arith.constant 49408 : i32
      %dma_start3A_1046 = tpu.memref_slice %arg3[%dma_start3A_1045] : memref<50000xi32, #tpu.memory_space<hbm>> -> memref<128xi32, #tpu.memory_space<hbm>>
      %dma_start3A_1047 = arith.constant 0 : i32
      %dma_start3A_1048 = tpu.memref_slice %arg7[%dma_start3A_1041, %dma_start3A_1047] : memref<1x128xi32, #tpu.memory_space<vmem>> -> memref<1x128xi32, #tpu.memory_space<vmem>>
      %dma_start3A_1049 = tpu.memref_squeeze %dma_start3A_1048 : memref<1x128xi32, #tpu.memory_space<vmem>> -> memref<128xi32, #tpu.memory_space<vmem>>
      %dma_start3A_1050 = arith.constant 49408 : i32
      %dma_start3A_1051 = tpu.memref_slice %arg3[%dma_start3A_1050] : memref<50000xi32, #tpu.memory_space<hbm>> -> memref<128xi32, #tpu.memory_space<hbm>>
      tpu.enqueue_dma source(%dma_start3A_1051 : memref<128xi32, #tpu.memory_space<hbm>>) target(%dma_start3A_1049 : memref<128xi32, #tpu.memory_space<vmem>>) target_semaphore(%arg10 : memref<!tpu.dma_semaphore, #tpu.memory_space<semaphore_mem>>)
      %dma_start3A_1052 = arith.constant 0 : i32
      %dma_start3A_1053 = arith.constant 0 : i32
      %dma_start3A_1054 = arith.constant 0 : i32
      %dma_start3A_1055 = arith.constant 0 : i32
      %dma_start3A_1056 = tpu.memref_slice %arg9[%dma_start3A_1052, %dma_start3A_1054, %dma_start3A_1055] : memref<4x128x128xf32, #tpu.memory_space<vmem>> -> memref<1x128x128xf32, #tpu.memory_space<vmem>>
      %dma_start3A_1057 = tpu.memref_squeeze %dma_start3A_1056 : memref<1x128x128xf32, #tpu.memory_space<vmem>> -> memref<128x128xf32, #tpu.memory_space<vmem>>
      %dma_start3A_1058 = arith.constant 49408 : i32
      %dma_start3A_1059 = arith.constant 0 : i32
      %dma_start3A_1060 = tpu.memref_slice %arg2[%dma_start3A_1058, %dma_start3A_1059] : memref<50000x128xf32, #tpu.memory_space<hbm>> -> memref<128x128xf32, #tpu.memory_space<hbm>>
      %dma_start3A_1061 = tpu.memref_slice %arg11[%dma_start3A_1053] : memref<4x!tpu.dma_semaphore, #tpu.memory_space<semaphore_mem>> -> memref<1x!tpu.dma_semaphore, #tpu.memory_space<semaphore_mem>>
      %dma_start3A_1062 = tpu.memref_squeeze %dma_start3A_1061 : memref<1x!tpu.dma_semaphore, #tpu.memory_space<semaphore_mem>> -> memref<!tpu.dma_semaphore, #tpu.memory_space<semaphore_mem>>
      %dma_start3A_1063 = arith.constant 0 : i32
      %dma_start3A_1064 = arith.constant 0 : i32
      %dma_start3A_1065 = tpu.memref_slice %arg9[%dma_start3A_1052, %dma_start3A_1063, %dma_start3A_1064] : memref<4x128x128xf32, #tpu.memory_space<vmem>> -> memref<1x128x128xf32, #tpu.memory_space<vmem>>
      %dma_start3A_1066 = tpu.memref_squeeze %dma_start3A_1065 : memref<1x128x128xf32, #tpu.memory_space<vmem>> -> memref<128x128xf32, #tpu.memory_space<vmem>>
      %dma_start3A_1067 = arith.constant 49408 : i32
      %dma_start3A_1068 = arith.constant 0 : i32
      %dma_start3A_1069 = tpu.memref_slice %arg2[%dma_start3A_1067, %dma_start3A_1068] : memref<50000x128xf32, #tpu.memory_space<hbm>> -> memref<128x128xf32, #tpu.memory_space<hbm>>
      tpu.enqueue_dma source(%dma_start3A_1069 : memref<128x128xf32, #tpu.memory_space<hbm>>) target(%dma_start3A_1066 : memref<128x128xf32, #tpu.memory_space<vmem>>) target_semaphore(%dma_start3A_1062 : memref<!tpu.dma_semaphore, #tpu.memory_space<semaphore_mem>>)
      %dma_wait3A_1070 = arith.constant 0 : i32
      %dma_wait3A_1071 = arith.constant 0 : i32
      %dma_wait3A_1072 = tpu.memref_slice %arg7[%dma_wait3A_1070, %dma_wait3A_1071] : memref<1x128xi32, #tpu.memory_space<vmem>> -> memref<1x128xi32, #tpu.memory_space<vmem>>
      %dma_wait3A_1073 = tpu.memref_squeeze %dma_wait3A_1072 : memref<1x128xi32, #tpu.memory_space<vmem>> -> memref<128xi32, #tpu.memory_space<vmem>>
      %dma_wait3A_1074 = arith.constant 49408 : i32
      %dma_wait3A_1075 = tpu.memref_slice %arg3[%dma_wait3A_1074] : memref<50000xi32, #tpu.memory_space<hbm>> -> memref<128xi32, #tpu.memory_space<hbm>>
      %dma_wait3A_1076 = arith.constant 0 : i32
      %dma_wait3A_1077 = tpu.memref_slice %arg7[%dma_wait3A_1070, %dma_wait3A_1076] : memref<1x128xi32, #tpu.memory_space<vmem>> -> memref<1x128xi32, #tpu.memory_space<vmem>>
      %dma_wait3A_1078 = tpu.memref_squeeze %dma_wait3A_1077 : memref<1x128xi32, #tpu.memory_space<vmem>> -> memref<128xi32, #tpu.memory_space<vmem>>
      %dma_wait3A_1079 = arith.constant 49408 : i32
      %dma_wait3A_1080 = tpu.memref_slice %arg3[%dma_wait3A_1079] : memref<50000xi32, #tpu.memory_space<hbm>> -> memref<128xi32, #tpu.memory_space<hbm>>
      tpu.wait_dma2 semaphore(%arg10 : memref<!tpu.dma_semaphore, #tpu.memory_space<semaphore_mem>>) src(%dma_wait3A_1080 : memref<128xi32, #tpu.memory_space<hbm>>) dst(%dma_wait3A_1078 : memref<128xi32, #tpu.memory_space<vmem>>)
      %dma_wait3A_1081 = arith.constant 0 : i32
      %dma_wait3A_1082 = arith.constant 0 : i32
      %dma_wait3A_1083 = arith.constant 0 : i32
      %dma_wait3A_1084 = arith.constant 0 : i32
      %dma_wait3A_1085 = tpu.memref_slice %arg9[%dma_wait3A_1081, %dma_wait3A_1083, %dma_wait3A_1084] : memref<4x128x128xf32, #tpu.memory_space<vmem>> -> memref<1x128x128xf32, #tpu.memory_space<vmem>>
      %dma_wait3A_1086 = tpu.memref_squeeze %dma_wait3A_1085 : memref<1x128x128xf32, #tpu.memory_space<vmem>> -> memref<128x128xf32, #tpu.memory_space<vmem>>
      %dma_wait3A_1087 = arith.constant 49408 : i32
      %dma_wait3A_1088 = arith.constant 0 : i32
      %dma_wait3A_1089 = tpu.memref_slice %arg2[%dma_wait3A_1087, %dma_wait3A_1088] : memref<50000x128xf32, #tpu.memory_space<hbm>> -> memref<128x128xf32, #tpu.memory_space<hbm>>
      %dma_wait3A_1090 = tpu.memref_slice %arg11[%dma_wait3A_1082] : memref<4x!tpu.dma_semaphore, #tpu.memory_space<semaphore_mem>> -> memref<1x!tpu.dma_semaphore, #tpu.memory_space<semaphore_mem>>
      %dma_wait3A_1091 = tpu.memref_squeeze %dma_wait3A_1090 : memref<1x!tpu.dma_semaphore, #tpu.memory_space<semaphore_mem>> -> memref<!tpu.dma_semaphore, #tpu.memory_space<semaphore_mem>>
      %dma_wait3A_1092 = arith.constant 0 : i32
      %dma_wait3A_1093 = arith.constant 0 : i32
      %dma_wait3A_1094 = tpu.memref_slice %arg9[%dma_wait3A_1081, %dma_wait3A_1092, %dma_wait3A_1093] : memref<4x128x128xf32, #tpu.memory_space<vmem>> -> memref<1x128x128xf32, #tpu.memory_space<vmem>>
      %dma_wait3A_1095 = tpu.memref_squeeze %dma_wait3A_1094 : memref<1x128x128xf32, #tpu.memory_space<vmem>> -> memref<128x128xf32, #tpu.memory_space<vmem>>
      %dma_wait3A_1096 = arith.constant 49408 : i32
      %dma_wait3A_1097 = arith.constant 0 : i32
      %dma_wait3A_1098 = tpu.memref_slice %arg2[%dma_wait3A_1096, %dma_wait3A_1097] : memref<50000x128xf32, #tpu.memory_space<hbm>> -> memref<128x128xf32, #tpu.memory_space<hbm>>
      tpu.wait_dma2 semaphore(%dma_wait3A_1091 : memref<!tpu.dma_semaphore, #tpu.memory_space<semaphore_mem>>) src(%dma_wait3A_1098 : memref<128x128xf32, #tpu.memory_space<hbm>>) dst(%dma_wait3A_1095 : memref<128x128xf32, #tpu.memory_space<vmem>>)
      %dma_start3A_1099 = arith.constant 0 : i32
      %dma_start3A_1100 = arith.constant 0 : i32
      %dma_start3A_1101 = arith.constant 0 : i32
      %dma_start3A_1102 = arith.constant 0 : i32
      %dma_start3A_1103 = arith.constant 0 : i32
      %dma_start3A_1104 = tpu.memref_slice %arg9[%dma_start3A_1099, %dma_start3A_1102, %dma_start3A_1103] : memref<4x128x128xf32, #tpu.memory_space<vmem>> -> memref<1x128x128xf32, #tpu.memory_space<vmem>>
      %dma_start3A_1105 = tpu.memref_squeeze %dma_start3A_1104 : memref<1x128x128xf32, #tpu.memory_space<vmem>> -> memref<128x128xf32, #tpu.memory_space<vmem>>
      %dma_start3A_1106 = arith.constant 0 : i32
      %dma_start3A_1107 = tpu.memref_slice %arg7[%dma_start3A_1100, %dma_start3A_1106] : memref<1x128xi32, #tpu.memory_space<vmem>> -> memref<1x128xi32, #tpu.memory_space<vmem>>
      %dma_start3A_1108 = tpu.memref_squeeze %dma_start3A_1107 : memref<1x128xi32, #tpu.memory_space<vmem>> -> memref<128xi32, #tpu.memory_space<vmem>>
      %dma_start3A_1109 = arith.constant 0 : i32
      %dma_start3A_1110 = arith.constant 0 : i32
      %dma_start3A_1111 = tpu.memref_slice %arg4[%dma_start3A_1109, %dma_start3A_1110] : memref<100000x128xf32, #tpu.memory_space<hbm>> -> memref<100000x128xf32, #tpu.memory_space<hbm>>
      %dma_start3A_1112 = tpu.memref_slice %arg12[%dma_start3A_1101] : memref<4x!tpu.dma_semaphore, #tpu.memory_space<semaphore_mem>> -> memref<1x!tpu.dma_semaphore, #tpu.memory_space<semaphore_mem>>
      %dma_start3A_1113 = tpu.memref_squeeze %dma_start3A_1112 : memref<1x!tpu.dma_semaphore, #tpu.memory_space<semaphore_mem>> -> memref<!tpu.dma_semaphore, #tpu.memory_space<semaphore_mem>>
      tpu.enqueue_indirect_dma source(%dma_start3A_1105 : memref<128x128xf32, #tpu.memory_space<vmem>>) target(%dma_start3A_1111 : memref<100000x128xf32, #tpu.memory_space<hbm>>) offsets(%dma_start3A_1108 : memref<128xi32, #tpu.memory_space<vmem>>) semaphore(%dma_start3A_1113 : memref<!tpu.dma_semaphore, #tpu.memory_space<semaphore_mem>>)
      %dma_wait3A_1114 = arith.constant 0 : i32
      %dma_wait3A_1115 = arith.constant 0 : i32
      %dma_wait3A_1116 = arith.constant 0 : i32
      %dma_wait3A_1117 = arith.constant 0 : i32
      %dma_wait3A_1118 = arith.constant 0 : i32
      %dma_wait3A_1119 = tpu.memref_slice %arg9[%dma_wait3A_1114, %dma_wait3A_1117, %dma_wait3A_1118] : memref<4x128x128xf32, #tpu.memory_space<vmem>> -> memref<1x128x128xf32, #tpu.memory_space<vmem>>
      %dma_wait3A_1120 = tpu.memref_squeeze %dma_wait3A_1119 : memref<1x128x128xf32, #tpu.memory_space<vmem>> -> memref<128x128xf32, #tpu.memory_space<vmem>>
      %dma_wait3A_1121 = arith.constant 0 : i32
      %dma_wait3A_1122 = tpu.memref_slice %arg7[%dma_wait3A_1115, %dma_wait3A_1121] : memref<1x128xi32, #tpu.memory_space<vmem>> -> memref<1x128xi32, #tpu.memory_space<vmem>>
      %dma_wait3A_1123 = tpu.memref_squeeze %dma_wait3A_1122 : memref<1x128xi32, #tpu.memory_space<vmem>> -> memref<128xi32, #tpu.memory_space<vmem>>
      %dma_wait3A_1124 = arith.constant 0 : i32
      %dma_wait3A_1125 = arith.constant 0 : i32
      %dma_wait3A_1126 = tpu.memref_slice %arg4[%dma_wait3A_1124, %dma_wait3A_1125] : memref<100000x128xf32, #tpu.memory_space<hbm>> -> memref<100000x128xf32, #tpu.memory_space<hbm>>
      %dma_wait3A_1127 = tpu.memref_slice %arg12[%dma_wait3A_1116] : memref<4x!tpu.dma_semaphore, #tpu.memory_space<semaphore_mem>> -> memref<1x!tpu.dma_semaphore, #tpu.memory_space<semaphore_mem>>
      %dma_wait3A_1128 = tpu.memref_squeeze %dma_wait3A_1127 : memref<1x!tpu.dma_semaphore, #tpu.memory_space<semaphore_mem>> -> memref<!tpu.dma_semaphore, #tpu.memory_space<semaphore_mem>>
      tpu.wait_indirect_dma semaphore(%dma_wait3A_1128 : memref<!tpu.dma_semaphore, #tpu.memory_space<semaphore_mem>>) src(%dma_wait3A_1120 : memref<128x128xf32, #tpu.memory_space<vmem>>) dst(%dma_wait3A_1126 : memref<100000x128xf32, #tpu.memory_space<hbm>>)
    } else {
    }
    %eq3A_1021 = arith.constant 3 : i32
    %eq3A_1022 = arith.cmpi eq, %add3A, %eq3A_1021 : i32
    %convert_element_type3A_1023 = arith.extui %eq3A_1022 : i1 to i32
    %cond3A_1024 = arith.constant 0 : i32
    %cond3A_1025 = arith.cmpi ne, %convert_element_type3A_1023, %cond3A_1024 : i32
    scf.if %cond3A_1025 {
      %dma_start3A_1041 = arith.constant 0 : i32
      %dma_start3A_1042 = arith.constant 0 : i32
      %dma_start3A_1043 = tpu.memref_slice %arg7[%dma_start3A_1041, %dma_start3A_1042] : memref<1x128xi32, #tpu.memory_space<vmem>> -> memref<1x128xi32, #tpu.memory_space<vmem>>
      %dma_start3A_1044 = tpu.memref_squeeze %dma_start3A_1043 : memref<1x128xi32, #tpu.memory_space<vmem>> -> memref<128xi32, #tpu.memory_space<vmem>>
      %dma_start3A_1045 = arith.constant 49536 : i32
      %dma_start3A_1046 = tpu.memref_slice %arg3[%dma_start3A_1045] : memref<50000xi32, #tpu.memory_space<hbm>> -> memref<128xi32, #tpu.memory_space<hbm>>
      %dma_start3A_1047 = arith.constant 0 : i32
      %dma_start3A_1048 = tpu.memref_slice %arg7[%dma_start3A_1041, %dma_start3A_1047] : memref<1x128xi32, #tpu.memory_space<vmem>> -> memref<1x128xi32, #tpu.memory_space<vmem>>
      %dma_start3A_1049 = tpu.memref_squeeze %dma_start3A_1048 : memref<1x128xi32, #tpu.memory_space<vmem>> -> memref<128xi32, #tpu.memory_space<vmem>>
      %dma_start3A_1050 = arith.constant 49536 : i32
      %dma_start3A_1051 = tpu.memref_slice %arg3[%dma_start3A_1050] : memref<50000xi32, #tpu.memory_space<hbm>> -> memref<128xi32, #tpu.memory_space<hbm>>
      tpu.enqueue_dma source(%dma_start3A_1051 : memref<128xi32, #tpu.memory_space<hbm>>) target(%dma_start3A_1049 : memref<128xi32, #tpu.memory_space<vmem>>) target_semaphore(%arg10 : memref<!tpu.dma_semaphore, #tpu.memory_space<semaphore_mem>>)
      %dma_start3A_1052 = arith.constant 0 : i32
      %dma_start3A_1053 = arith.constant 0 : i32
      %dma_start3A_1054 = arith.constant 0 : i32
      %dma_start3A_1055 = arith.constant 0 : i32
      %dma_start3A_1056 = tpu.memref_slice %arg9[%dma_start3A_1052, %dma_start3A_1054, %dma_start3A_1055] : memref<4x128x128xf32, #tpu.memory_space<vmem>> -> memref<1x128x128xf32, #tpu.memory_space<vmem>>
      %dma_start3A_1057 = tpu.memref_squeeze %dma_start3A_1056 : memref<1x128x128xf32, #tpu.memory_space<vmem>> -> memref<128x128xf32, #tpu.memory_space<vmem>>
      %dma_start3A_1058 = arith.constant 49536 : i32
      %dma_start3A_1059 = arith.constant 0 : i32
      %dma_start3A_1060 = tpu.memref_slice %arg2[%dma_start3A_1058, %dma_start3A_1059] : memref<50000x128xf32, #tpu.memory_space<hbm>> -> memref<128x128xf32, #tpu.memory_space<hbm>>
      %dma_start3A_1061 = tpu.memref_slice %arg11[%dma_start3A_1053] : memref<4x!tpu.dma_semaphore, #tpu.memory_space<semaphore_mem>> -> memref<1x!tpu.dma_semaphore, #tpu.memory_space<semaphore_mem>>
      %dma_start3A_1062 = tpu.memref_squeeze %dma_start3A_1061 : memref<1x!tpu.dma_semaphore, #tpu.memory_space<semaphore_mem>> -> memref<!tpu.dma_semaphore, #tpu.memory_space<semaphore_mem>>
      %dma_start3A_1063 = arith.constant 0 : i32
      %dma_start3A_1064 = arith.constant 0 : i32
      %dma_start3A_1065 = tpu.memref_slice %arg9[%dma_start3A_1052, %dma_start3A_1063, %dma_start3A_1064] : memref<4x128x128xf32, #tpu.memory_space<vmem>> -> memref<1x128x128xf32, #tpu.memory_space<vmem>>
      %dma_start3A_1066 = tpu.memref_squeeze %dma_start3A_1065 : memref<1x128x128xf32, #tpu.memory_space<vmem>> -> memref<128x128xf32, #tpu.memory_space<vmem>>
      %dma_start3A_1067 = arith.constant 49536 : i32
      %dma_start3A_1068 = arith.constant 0 : i32
      %dma_start3A_1069 = tpu.memref_slice %arg2[%dma_start3A_1067, %dma_start3A_1068] : memref<50000x128xf32, #tpu.memory_space<hbm>> -> memref<128x128xf32, #tpu.memory_space<hbm>>
      tpu.enqueue_dma source(%dma_start3A_1069 : memref<128x128xf32, #tpu.memory_space<hbm>>) target(%dma_start3A_1066 : memref<128x128xf32, #tpu.memory_space<vmem>>) target_semaphore(%dma_start3A_1062 : memref<!tpu.dma_semaphore, #tpu.memory_space<semaphore_mem>>)
      %dma_wait3A_1070 = arith.constant 0 : i32
      %dma_wait3A_1071 = arith.constant 0 : i32
      %dma_wait3A_1072 = tpu.memref_slice %arg7[%dma_wait3A_1070, %dma_wait3A_1071] : memref<1x128xi32, #tpu.memory_space<vmem>> -> memref<1x128xi32, #tpu.memory_space<vmem>>
      %dma_wait3A_1073 = tpu.memref_squeeze %dma_wait3A_1072 : memref<1x128xi32, #tpu.memory_space<vmem>> -> memref<128xi32, #tpu.memory_space<vmem>>
      %dma_wait3A_1074 = arith.constant 49536 : i32
      %dma_wait3A_1075 = tpu.memref_slice %arg3[%dma_wait3A_1074] : memref<50000xi32, #tpu.memory_space<hbm>> -> memref<128xi32, #tpu.memory_space<hbm>>
      %dma_wait3A_1076 = arith.constant 0 : i32
      %dma_wait3A_1077 = tpu.memref_slice %arg7[%dma_wait3A_1070, %dma_wait3A_1076] : memref<1x128xi32, #tpu.memory_space<vmem>> -> memref<1x128xi32, #tpu.memory_space<vmem>>
      %dma_wait3A_1078 = tpu.memref_squeeze %dma_wait3A_1077 : memref<1x128xi32, #tpu.memory_space<vmem>> -> memref<128xi32, #tpu.memory_space<vmem>>
      %dma_wait3A_1079 = arith.constant 49536 : i32
      %dma_wait3A_1080 = tpu.memref_slice %arg3[%dma_wait3A_1079] : memref<50000xi32, #tpu.memory_space<hbm>> -> memref<128xi32, #tpu.memory_space<hbm>>
      tpu.wait_dma2 semaphore(%arg10 : memref<!tpu.dma_semaphore, #tpu.memory_space<semaphore_mem>>) src(%dma_wait3A_1080 : memref<128xi32, #tpu.memory_space<hbm>>) dst(%dma_wait3A_1078 : memref<128xi32, #tpu.memory_space<vmem>>)
      %dma_wait3A_1081 = arith.constant 0 : i32
      %dma_wait3A_1082 = arith.constant 0 : i32
      %dma_wait3A_1083 = arith.constant 0 : i32
      %dma_wait3A_1084 = arith.constant 0 : i32
      %dma_wait3A_1085 = tpu.memref_slice %arg9[%dma_wait3A_1081, %dma_wait3A_1083, %dma_wait3A_1084] : memref<4x128x128xf32, #tpu.memory_space<vmem>> -> memref<1x128x128xf32, #tpu.memory_space<vmem>>
      %dma_wait3A_1086 = tpu.memref_squeeze %dma_wait3A_1085 : memref<1x128x128xf32, #tpu.memory_space<vmem>> -> memref<128x128xf32, #tpu.memory_space<vmem>>
      %dma_wait3A_1087 = arith.constant 49536 : i32
      %dma_wait3A_1088 = arith.constant 0 : i32
      %dma_wait3A_1089 = tpu.memref_slice %arg2[%dma_wait3A_1087, %dma_wait3A_1088] : memref<50000x128xf32, #tpu.memory_space<hbm>> -> memref<128x128xf32, #tpu.memory_space<hbm>>
      %dma_wait3A_1090 = tpu.memref_slice %arg11[%dma_wait3A_1082] : memref<4x!tpu.dma_semaphore, #tpu.memory_space<semaphore_mem>> -> memref<1x!tpu.dma_semaphore, #tpu.memory_space<semaphore_mem>>
      %dma_wait3A_1091 = tpu.memref_squeeze %dma_wait3A_1090 : memref<1x!tpu.dma_semaphore, #tpu.memory_space<semaphore_mem>> -> memref<!tpu.dma_semaphore, #tpu.memory_space<semaphore_mem>>
      %dma_wait3A_1092 = arith.constant 0 : i32
      %dma_wait3A_1093 = arith.constant 0 : i32
      %dma_wait3A_1094 = tpu.memref_slice %arg9[%dma_wait3A_1081, %dma_wait3A_1092, %dma_wait3A_1093] : memref<4x128x128xf32, #tpu.memory_space<vmem>> -> memref<1x128x128xf32, #tpu.memory_space<vmem>>
      %dma_wait3A_1095 = tpu.memref_squeeze %dma_wait3A_1094 : memref<1x128x128xf32, #tpu.memory_space<vmem>> -> memref<128x128xf32, #tpu.memory_space<vmem>>
      %dma_wait3A_1096 = arith.constant 49536 : i32
      %dma_wait3A_1097 = arith.constant 0 : i32
      %dma_wait3A_1098 = tpu.memref_slice %arg2[%dma_wait3A_1096, %dma_wait3A_1097] : memref<50000x128xf32, #tpu.memory_space<hbm>> -> memref<128x128xf32, #tpu.memory_space<hbm>>
      tpu.wait_dma2 semaphore(%dma_wait3A_1091 : memref<!tpu.dma_semaphore, #tpu.memory_space<semaphore_mem>>) src(%dma_wait3A_1098 : memref<128x128xf32, #tpu.memory_space<hbm>>) dst(%dma_wait3A_1095 : memref<128x128xf32, #tpu.memory_space<vmem>>)
      %dma_start3A_1099 = arith.constant 0 : i32
      %dma_start3A_1100 = arith.constant 0 : i32
      %dma_start3A_1101 = arith.constant 0 : i32
      %dma_start3A_1102 = arith.constant 0 : i32
      %dma_start3A_1103 = arith.constant 0 : i32
      %dma_start3A_1104 = tpu.memref_slice %arg9[%dma_start3A_1099, %dma_start3A_1102, %dma_start3A_1103] : memref<4x128x128xf32, #tpu.memory_space<vmem>> -> memref<1x128x128xf32, #tpu.memory_space<vmem>>
      %dma_start3A_1105 = tpu.memref_squeeze %dma_start3A_1104 : memref<1x128x128xf32, #tpu.memory_space<vmem>> -> memref<128x128xf32, #tpu.memory_space<vmem>>
      %dma_start3A_1106 = arith.constant 0 : i32
      %dma_start3A_1107 = tpu.memref_slice %arg7[%dma_start3A_1100, %dma_start3A_1106] : memref<1x128xi32, #tpu.memory_space<vmem>> -> memref<1x128xi32, #tpu.memory_space<vmem>>
      %dma_start3A_1108 = tpu.memref_squeeze %dma_start3A_1107 : memref<1x128xi32, #tpu.memory_space<vmem>> -> memref<128xi32, #tpu.memory_space<vmem>>
      %dma_start3A_1109 = arith.constant 0 : i32
      %dma_start3A_1110 = arith.constant 0 : i32
      %dma_start3A_1111 = tpu.memref_slice %arg4[%dma_start3A_1109, %dma_start3A_1110] : memref<100000x128xf32, #tpu.memory_space<hbm>> -> memref<100000x128xf32, #tpu.memory_space<hbm>>
      %dma_start3A_1112 = tpu.memref_slice %arg12[%dma_start3A_1101] : memref<4x!tpu.dma_semaphore, #tpu.memory_space<semaphore_mem>> -> memref<1x!tpu.dma_semaphore, #tpu.memory_space<semaphore_mem>>
      %dma_start3A_1113 = tpu.memref_squeeze %dma_start3A_1112 : memref<1x!tpu.dma_semaphore, #tpu.memory_space<semaphore_mem>> -> memref<!tpu.dma_semaphore, #tpu.memory_space<semaphore_mem>>
      tpu.enqueue_indirect_dma source(%dma_start3A_1105 : memref<128x128xf32, #tpu.memory_space<vmem>>) target(%dma_start3A_1111 : memref<100000x128xf32, #tpu.memory_space<hbm>>) offsets(%dma_start3A_1108 : memref<128xi32, #tpu.memory_space<vmem>>) semaphore(%dma_start3A_1113 : memref<!tpu.dma_semaphore, #tpu.memory_space<semaphore_mem>>)
      %dma_wait3A_1114 = arith.constant 0 : i32
      %dma_wait3A_1115 = arith.constant 0 : i32
      %dma_wait3A_1116 = arith.constant 0 : i32
      %dma_wait3A_1117 = arith.constant 0 : i32
      %dma_wait3A_1118 = arith.constant 0 : i32
      %dma_wait3A_1119 = tpu.memref_slice %arg9[%dma_wait3A_1114, %dma_wait3A_1117, %dma_wait3A_1118] : memref<4x128x128xf32, #tpu.memory_space<vmem>> -> memref<1x128x128xf32, #tpu.memory_space<vmem>>
      %dma_wait3A_1120 = tpu.memref_squeeze %dma_wait3A_1119 : memref<1x128x128xf32, #tpu.memory_space<vmem>> -> memref<128x128xf32, #tpu.memory_space<vmem>>
      %dma_wait3A_1121 = arith.constant 0 : i32
      %dma_wait3A_1122 = tpu.memref_slice %arg7[%dma_wait3A_1115, %dma_wait3A_1121] : memref<1x128xi32, #tpu.memory_space<vmem>> -> memref<1x128xi32, #tpu.memory_space<vmem>>
      %dma_wait3A_1123 = tpu.memref_squeeze %dma_wait3A_1122 : memref<1x128xi32, #tpu.memory_space<vmem>> -> memref<128xi32, #tpu.memory_space<vmem>>
      %dma_wait3A_1124 = arith.constant 0 : i32
      %dma_wait3A_1125 = arith.constant 0 : i32
      %dma_wait3A_1126 = tpu.memref_slice %arg4[%dma_wait3A_1124, %dma_wait3A_1125] : memref<100000x128xf32, #tpu.memory_space<hbm>> -> memref<100000x128xf32, #tpu.memory_space<hbm>>
      %dma_wait3A_1127 = tpu.memref_slice %arg12[%dma_wait3A_1116] : memref<4x!tpu.dma_semaphore, #tpu.memory_space<semaphore_mem>> -> memref<1x!tpu.dma_semaphore, #tpu.memory_space<semaphore_mem>>
      %dma_wait3A_1128 = tpu.memref_squeeze %dma_wait3A_1127 : memref<1x!tpu.dma_semaphore, #tpu.memory_space<semaphore_mem>> -> memref<!tpu.dma_semaphore, #tpu.memory_space<semaphore_mem>>
      tpu.wait_indirect_dma semaphore(%dma_wait3A_1128 : memref<!tpu.dma_semaphore, #tpu.memory_space<semaphore_mem>>) src(%dma_wait3A_1120 : memref<128x128xf32, #tpu.memory_space<vmem>>) dst(%dma_wait3A_1126 : memref<100000x128xf32, #tpu.memory_space<hbm>>)
    } else {
    }
    %eq3A_1026 = arith.constant 4 : i32
    %eq3A_1027 = arith.cmpi eq, %add3A, %eq3A_1026 : i32
    %convert_element_type3A_1028 = arith.extui %eq3A_1027 : i1 to i32
    %cond3A_1029 = arith.constant 0 : i32
    %cond3A_1030 = arith.cmpi ne, %convert_element_type3A_1028, %cond3A_1029 : i32
    scf.if %cond3A_1030 {
      %dma_start3A_1041 = arith.constant 0 : i32
      %dma_start3A_1042 = arith.constant 0 : i32
      %dma_start3A_1043 = tpu.memref_slice %arg7[%dma_start3A_1041, %dma_start3A_1042] : memref<1x128xi32, #tpu.memory_space<vmem>> -> memref<1x128xi32, #tpu.memory_space<vmem>>
      %dma_start3A_1044 = tpu.memref_squeeze %dma_start3A_1043 : memref<1x128xi32, #tpu.memory_space<vmem>> -> memref<128xi32, #tpu.memory_space<vmem>>
      %dma_start3A_1045 = arith.constant 49664 : i32
      %dma_start3A_1046 = tpu.memref_slice %arg3[%dma_start3A_1045] : memref<50000xi32, #tpu.memory_space<hbm>> -> memref<128xi32, #tpu.memory_space<hbm>>
      %dma_start3A_1047 = arith.constant 0 : i32
      %dma_start3A_1048 = tpu.memref_slice %arg7[%dma_start3A_1041, %dma_start3A_1047] : memref<1x128xi32, #tpu.memory_space<vmem>> -> memref<1x128xi32, #tpu.memory_space<vmem>>
      %dma_start3A_1049 = tpu.memref_squeeze %dma_start3A_1048 : memref<1x128xi32, #tpu.memory_space<vmem>> -> memref<128xi32, #tpu.memory_space<vmem>>
      %dma_start3A_1050 = arith.constant 49664 : i32
      %dma_start3A_1051 = tpu.memref_slice %arg3[%dma_start3A_1050] : memref<50000xi32, #tpu.memory_space<hbm>> -> memref<128xi32, #tpu.memory_space<hbm>>
      tpu.enqueue_dma source(%dma_start3A_1051 : memref<128xi32, #tpu.memory_space<hbm>>) target(%dma_start3A_1049 : memref<128xi32, #tpu.memory_space<vmem>>) target_semaphore(%arg10 : memref<!tpu.dma_semaphore, #tpu.memory_space<semaphore_mem>>)
      %dma_start3A_1052 = arith.constant 0 : i32
      %dma_start3A_1053 = arith.constant 0 : i32
      %dma_start3A_1054 = arith.constant 0 : i32
      %dma_start3A_1055 = arith.constant 0 : i32
      %dma_start3A_1056 = tpu.memref_slice %arg9[%dma_start3A_1052, %dma_start3A_1054, %dma_start3A_1055] : memref<4x128x128xf32, #tpu.memory_space<vmem>> -> memref<1x128x128xf32, #tpu.memory_space<vmem>>
      %dma_start3A_1057 = tpu.memref_squeeze %dma_start3A_1056 : memref<1x128x128xf32, #tpu.memory_space<vmem>> -> memref<128x128xf32, #tpu.memory_space<vmem>>
      %dma_start3A_1058 = arith.constant 49664 : i32
      %dma_start3A_1059 = arith.constant 0 : i32
      %dma_start3A_1060 = tpu.memref_slice %arg2[%dma_start3A_1058, %dma_start3A_1059] : memref<50000x128xf32, #tpu.memory_space<hbm>> -> memref<128x128xf32, #tpu.memory_space<hbm>>
      %dma_start3A_1061 = tpu.memref_slice %arg11[%dma_start3A_1053] : memref<4x!tpu.dma_semaphore, #tpu.memory_space<semaphore_mem>> -> memref<1x!tpu.dma_semaphore, #tpu.memory_space<semaphore_mem>>
      %dma_start3A_1062 = tpu.memref_squeeze %dma_start3A_1061 : memref<1x!tpu.dma_semaphore, #tpu.memory_space<semaphore_mem>> -> memref<!tpu.dma_semaphore, #tpu.memory_space<semaphore_mem>>
      %dma_start3A_1063 = arith.constant 0 : i32
      %dma_start3A_1064 = arith.constant 0 : i32
      %dma_start3A_1065 = tpu.memref_slice %arg9[%dma_start3A_1052, %dma_start3A_1063, %dma_start3A_1064] : memref<4x128x128xf32, #tpu.memory_space<vmem>> -> memref<1x128x128xf32, #tpu.memory_space<vmem>>
      %dma_start3A_1066 = tpu.memref_squeeze %dma_start3A_1065 : memref<1x128x128xf32, #tpu.memory_space<vmem>> -> memref<128x128xf32, #tpu.memory_space<vmem>>
      %dma_start3A_1067 = arith.constant 49664 : i32
      %dma_start3A_1068 = arith.constant 0 : i32
      %dma_start3A_1069 = tpu.memref_slice %arg2[%dma_start3A_1067, %dma_start3A_1068] : memref<50000x128xf32, #tpu.memory_space<hbm>> -> memref<128x128xf32, #tpu.memory_space<hbm>>
      tpu.enqueue_dma source(%dma_start3A_1069 : memref<128x128xf32, #tpu.memory_space<hbm>>) target(%dma_start3A_1066 : memref<128x128xf32, #tpu.memory_space<vmem>>) target_semaphore(%dma_start3A_1062 : memref<!tpu.dma_semaphore, #tpu.memory_space<semaphore_mem>>)
      %dma_wait3A_1070 = arith.constant 0 : i32
      %dma_wait3A_1071 = arith.constant 0 : i32
      %dma_wait3A_1072 = tpu.memref_slice %arg7[%dma_wait3A_1070, %dma_wait3A_1071] : memref<1x128xi32, #tpu.memory_space<vmem>> -> memref<1x128xi32, #tpu.memory_space<vmem>>
      %dma_wait3A_1073 = tpu.memref_squeeze %dma_wait3A_1072 : memref<1x128xi32, #tpu.memory_space<vmem>> -> memref<128xi32, #tpu.memory_space<vmem>>
      %dma_wait3A_1074 = arith.constant 49664 : i32
      %dma_wait3A_1075 = tpu.memref_slice %arg3[%dma_wait3A_1074] : memref<50000xi32, #tpu.memory_space<hbm>> -> memref<128xi32, #tpu.memory_space<hbm>>
      %dma_wait3A_1076 = arith.constant 0 : i32
      %dma_wait3A_1077 = tpu.memref_slice %arg7[%dma_wait3A_1070, %dma_wait3A_1076] : memref<1x128xi32, #tpu.memory_space<vmem>> -> memref<1x128xi32, #tpu.memory_space<vmem>>
      %dma_wait3A_1078 = tpu.memref_squeeze %dma_wait3A_1077 : memref<1x128xi32, #tpu.memory_space<vmem>> -> memref<128xi32, #tpu.memory_space<vmem>>
      %dma_wait3A_1079 = arith.constant 49664 : i32
      %dma_wait3A_1080 = tpu.memref_slice %arg3[%dma_wait3A_1079] : memref<50000xi32, #tpu.memory_space<hbm>> -> memref<128xi32, #tpu.memory_space<hbm>>
      tpu.wait_dma2 semaphore(%arg10 : memref<!tpu.dma_semaphore, #tpu.memory_space<semaphore_mem>>) src(%dma_wait3A_1080 : memref<128xi32, #tpu.memory_space<hbm>>) dst(%dma_wait3A_1078 : memref<128xi32, #tpu.memory_space<vmem>>)
      %dma_wait3A_1081 = arith.constant 0 : i32
      %dma_wait3A_1082 = arith.constant 0 : i32
      %dma_wait3A_1083 = arith.constant 0 : i32
      %dma_wait3A_1084 = arith.constant 0 : i32
      %dma_wait3A_1085 = tpu.memref_slice %arg9[%dma_wait3A_1081, %dma_wait3A_1083, %dma_wait3A_1084] : memref<4x128x128xf32, #tpu.memory_space<vmem>> -> memref<1x128x128xf32, #tpu.memory_space<vmem>>
      %dma_wait3A_1086 = tpu.memref_squeeze %dma_wait3A_1085 : memref<1x128x128xf32, #tpu.memory_space<vmem>> -> memref<128x128xf32, #tpu.memory_space<vmem>>
      %dma_wait3A_1087 = arith.constant 49664 : i32
      %dma_wait3A_1088 = arith.constant 0 : i32
      %dma_wait3A_1089 = tpu.memref_slice %arg2[%dma_wait3A_1087, %dma_wait3A_1088] : memref<50000x128xf32, #tpu.memory_space<hbm>> -> memref<128x128xf32, #tpu.memory_space<hbm>>
      %dma_wait3A_1090 = tpu.memref_slice %arg11[%dma_wait3A_1082] : memref<4x!tpu.dma_semaphore, #tpu.memory_space<semaphore_mem>> -> memref<1x!tpu.dma_semaphore, #tpu.memory_space<semaphore_mem>>
      %dma_wait3A_1091 = tpu.memref_squeeze %dma_wait3A_1090 : memref<1x!tpu.dma_semaphore, #tpu.memory_space<semaphore_mem>> -> memref<!tpu.dma_semaphore, #tpu.memory_space<semaphore_mem>>
      %dma_wait3A_1092 = arith.constant 0 : i32
      %dma_wait3A_1093 = arith.constant 0 : i32
      %dma_wait3A_1094 = tpu.memref_slice %arg9[%dma_wait3A_1081, %dma_wait3A_1092, %dma_wait3A_1093] : memref<4x128x128xf32, #tpu.memory_space<vmem>> -> memref<1x128x128xf32, #tpu.memory_space<vmem>>
      %dma_wait3A_1095 = tpu.memref_squeeze %dma_wait3A_1094 : memref<1x128x128xf32, #tpu.memory_space<vmem>> -> memref<128x128xf32, #tpu.memory_space<vmem>>
      %dma_wait3A_1096 = arith.constant 49664 : i32
      %dma_wait3A_1097 = arith.constant 0 : i32
      %dma_wait3A_1098 = tpu.memref_slice %arg2[%dma_wait3A_1096, %dma_wait3A_1097] : memref<50000x128xf32, #tpu.memory_space<hbm>> -> memref<128x128xf32, #tpu.memory_space<hbm>>
      tpu.wait_dma2 semaphore(%dma_wait3A_1091 : memref<!tpu.dma_semaphore, #tpu.memory_space<semaphore_mem>>) src(%dma_wait3A_1098 : memref<128x128xf32, #tpu.memory_space<hbm>>) dst(%dma_wait3A_1095 : memref<128x128xf32, #tpu.memory_space<vmem>>)
      %dma_start3A_1099 = arith.constant 0 : i32
      %dma_start3A_1100 = arith.constant 0 : i32
      %dma_start3A_1101 = arith.constant 0 : i32
      %dma_start3A_1102 = arith.constant 0 : i32
      %dma_start3A_1103 = arith.constant 0 : i32
      %dma_start3A_1104 = tpu.memref_slice %arg9[%dma_start3A_1099, %dma_start3A_1102, %dma_start3A_1103] : memref<4x128x128xf32, #tpu.memory_space<vmem>> -> memref<1x128x128xf32, #tpu.memory_space<vmem>>
      %dma_start3A_1105 = tpu.memref_squeeze %dma_start3A_1104 : memref<1x128x128xf32, #tpu.memory_space<vmem>> -> memref<128x128xf32, #tpu.memory_space<vmem>>
      %dma_start3A_1106 = arith.constant 0 : i32
      %dma_start3A_1107 = tpu.memref_slice %arg7[%dma_start3A_1100, %dma_start3A_1106] : memref<1x128xi32, #tpu.memory_space<vmem>> -> memref<1x128xi32, #tpu.memory_space<vmem>>
      %dma_start3A_1108 = tpu.memref_squeeze %dma_start3A_1107 : memref<1x128xi32, #tpu.memory_space<vmem>> -> memref<128xi32, #tpu.memory_space<vmem>>
      %dma_start3A_1109 = arith.constant 0 : i32
      %dma_start3A_1110 = arith.constant 0 : i32
      %dma_start3A_1111 = tpu.memref_slice %arg4[%dma_start3A_1109, %dma_start3A_1110] : memref<100000x128xf32, #tpu.memory_space<hbm>> -> memref<100000x128xf32, #tpu.memory_space<hbm>>
      %dma_start3A_1112 = tpu.memref_slice %arg12[%dma_start3A_1101] : memref<4x!tpu.dma_semaphore, #tpu.memory_space<semaphore_mem>> -> memref<1x!tpu.dma_semaphore, #tpu.memory_space<semaphore_mem>>
      %dma_start3A_1113 = tpu.memref_squeeze %dma_start3A_1112 : memref<1x!tpu.dma_semaphore, #tpu.memory_space<semaphore_mem>> -> memref<!tpu.dma_semaphore, #tpu.memory_space<semaphore_mem>>
      tpu.enqueue_indirect_dma source(%dma_start3A_1105 : memref<128x128xf32, #tpu.memory_space<vmem>>) target(%dma_start3A_1111 : memref<100000x128xf32, #tpu.memory_space<hbm>>) offsets(%dma_start3A_1108 : memref<128xi32, #tpu.memory_space<vmem>>) semaphore(%dma_start3A_1113 : memref<!tpu.dma_semaphore, #tpu.memory_space<semaphore_mem>>)
      %dma_wait3A_1114 = arith.constant 0 : i32
      %dma_wait3A_1115 = arith.constant 0 : i32
      %dma_wait3A_1116 = arith.constant 0 : i32
      %dma_wait3A_1117 = arith.constant 0 : i32
      %dma_wait3A_1118 = arith.constant 0 : i32
      %dma_wait3A_1119 = tpu.memref_slice %arg9[%dma_wait3A_1114, %dma_wait3A_1117, %dma_wait3A_1118] : memref<4x128x128xf32, #tpu.memory_space<vmem>> -> memref<1x128x128xf32, #tpu.memory_space<vmem>>
      %dma_wait3A_1120 = tpu.memref_squeeze %dma_wait3A_1119 : memref<1x128x128xf32, #tpu.memory_space<vmem>> -> memref<128x128xf32, #tpu.memory_space<vmem>>
      %dma_wait3A_1121 = arith.constant 0 : i32
      %dma_wait3A_1122 = tpu.memref_slice %arg7[%dma_wait3A_1115, %dma_wait3A_1121] : memref<1x128xi32, #tpu.memory_space<vmem>> -> memref<1x128xi32, #tpu.memory_space<vmem>>
      %dma_wait3A_1123 = tpu.memref_squeeze %dma_wait3A_1122 : memref<1x128xi32, #tpu.memory_space<vmem>> -> memref<128xi32, #tpu.memory_space<vmem>>
      %dma_wait3A_1124 = arith.constant 0 : i32
      %dma_wait3A_1125 = arith.constant 0 : i32
      %dma_wait3A_1126 = tpu.memref_slice %arg4[%dma_wait3A_1124, %dma_wait3A_1125] : memref<100000x128xf32, #tpu.memory_space<hbm>> -> memref<100000x128xf32, #tpu.memory_space<hbm>>
      %dma_wait3A_1127 = tpu.memref_slice %arg12[%dma_wait3A_1116] : memref<4x!tpu.dma_semaphore, #tpu.memory_space<semaphore_mem>> -> memref<1x!tpu.dma_semaphore, #tpu.memory_space<semaphore_mem>>
      %dma_wait3A_1128 = tpu.memref_squeeze %dma_wait3A_1127 : memref<1x!tpu.dma_semaphore, #tpu.memory_space<semaphore_mem>> -> memref<!tpu.dma_semaphore, #tpu.memory_space<semaphore_mem>>
      tpu.wait_indirect_dma semaphore(%dma_wait3A_1128 : memref<!tpu.dma_semaphore, #tpu.memory_space<semaphore_mem>>) src(%dma_wait3A_1120 : memref<128x128xf32, #tpu.memory_space<vmem>>) dst(%dma_wait3A_1126 : memref<100000x128xf32, #tpu.memory_space<hbm>>)
    } else {
    }
    %eq3A_1031 = arith.constant 5 : i32
    %eq3A_1032 = arith.cmpi eq, %add3A, %eq3A_1031 : i32
    %convert_element_type3A_1033 = arith.extui %eq3A_1032 : i1 to i32
    %cond3A_1034 = arith.constant 0 : i32
    %cond3A_1035 = arith.cmpi ne, %convert_element_type3A_1033, %cond3A_1034 : i32
    scf.if %cond3A_1035 {
      %dma_start3A_1041 = arith.constant 0 : i32
      %dma_start3A_1042 = arith.constant 0 : i32
      %dma_start3A_1043 = tpu.memref_slice %arg7[%dma_start3A_1041, %dma_start3A_1042] : memref<1x128xi32, #tpu.memory_space<vmem>> -> memref<1x128xi32, #tpu.memory_space<vmem>>
      %dma_start3A_1044 = tpu.memref_squeeze %dma_start3A_1043 : memref<1x128xi32, #tpu.memory_space<vmem>> -> memref<128xi32, #tpu.memory_space<vmem>>
      %dma_start3A_1045 = arith.constant 49792 : i32
      %dma_start3A_1046 = tpu.memref_slice %arg3[%dma_start3A_1045] : memref<50000xi32, #tpu.memory_space<hbm>> -> memref<128xi32, #tpu.memory_space<hbm>>
      %dma_start3A_1047 = arith.constant 0 : i32
      %dma_start3A_1048 = tpu.memref_slice %arg7[%dma_start3A_1041, %dma_start3A_1047] : memref<1x128xi32, #tpu.memory_space<vmem>> -> memref<1x128xi32, #tpu.memory_space<vmem>>
      %dma_start3A_1049 = tpu.memref_squeeze %dma_start3A_1048 : memref<1x128xi32, #tpu.memory_space<vmem>> -> memref<128xi32, #tpu.memory_space<vmem>>
      %dma_start3A_1050 = arith.constant 49792 : i32
      %dma_start3A_1051 = tpu.memref_slice %arg3[%dma_start3A_1050] : memref<50000xi32, #tpu.memory_space<hbm>> -> memref<128xi32, #tpu.memory_space<hbm>>
      tpu.enqueue_dma source(%dma_start3A_1051 : memref<128xi32, #tpu.memory_space<hbm>>) target(%dma_start3A_1049 : memref<128xi32, #tpu.memory_space<vmem>>) target_semaphore(%arg10 : memref<!tpu.dma_semaphore, #tpu.memory_space<semaphore_mem>>)
      %dma_start3A_1052 = arith.constant 0 : i32
      %dma_start3A_1053 = arith.constant 0 : i32
      %dma_start3A_1054 = arith.constant 0 : i32
      %dma_start3A_1055 = arith.constant 0 : i32
      %dma_start3A_1056 = tpu.memref_slice %arg9[%dma_start3A_1052, %dma_start3A_1054, %dma_start3A_1055] : memref<4x128x128xf32, #tpu.memory_space<vmem>> -> memref<1x128x128xf32, #tpu.memory_space<vmem>>
      %dma_start3A_1057 = tpu.memref_squeeze %dma_start3A_1056 : memref<1x128x128xf32, #tpu.memory_space<vmem>> -> memref<128x128xf32, #tpu.memory_space<vmem>>
      %dma_start3A_1058 = arith.constant 49792 : i32
      %dma_start3A_1059 = arith.constant 0 : i32
      %dma_start3A_1060 = tpu.memref_slice %arg2[%dma_start3A_1058, %dma_start3A_1059] : memref<50000x128xf32, #tpu.memory_space<hbm>> -> memref<128x128xf32, #tpu.memory_space<hbm>>
      %dma_start3A_1061 = tpu.memref_slice %arg11[%dma_start3A_1053] : memref<4x!tpu.dma_semaphore, #tpu.memory_space<semaphore_mem>> -> memref<1x!tpu.dma_semaphore, #tpu.memory_space<semaphore_mem>>
      %dma_start3A_1062 = tpu.memref_squeeze %dma_start3A_1061 : memref<1x!tpu.dma_semaphore, #tpu.memory_space<semaphore_mem>> -> memref<!tpu.dma_semaphore, #tpu.memory_space<semaphore_mem>>
      %dma_start3A_1063 = arith.constant 0 : i32
      %dma_start3A_1064 = arith.constant 0 : i32
      %dma_start3A_1065 = tpu.memref_slice %arg9[%dma_start3A_1052, %dma_start3A_1063, %dma_start3A_1064] : memref<4x128x128xf32, #tpu.memory_space<vmem>> -> memref<1x128x128xf32, #tpu.memory_space<vmem>>
      %dma_start3A_1066 = tpu.memref_squeeze %dma_start3A_1065 : memref<1x128x128xf32, #tpu.memory_space<vmem>> -> memref<128x128xf32, #tpu.memory_space<vmem>>
      %dma_start3A_1067 = arith.constant 49792 : i32
      %dma_start3A_1068 = arith.constant 0 : i32
      %dma_start3A_1069 = tpu.memref_slice %arg2[%dma_start3A_1067, %dma_start3A_1068] : memref<50000x128xf32, #tpu.memory_space<hbm>> -> memref<128x128xf32, #tpu.memory_space<hbm>>
      tpu.enqueue_dma source(%dma_start3A_1069 : memref<128x128xf32, #tpu.memory_space<hbm>>) target(%dma_start3A_1066 : memref<128x128xf32, #tpu.memory_space<vmem>>) target_semaphore(%dma_start3A_1062 : memref<!tpu.dma_semaphore, #tpu.memory_space<semaphore_mem>>)
      %dma_wait3A_1070 = arith.constant 0 : i32
      %dma_wait3A_1071 = arith.constant 0 : i32
      %dma_wait3A_1072 = tpu.memref_slice %arg7[%dma_wait3A_1070, %dma_wait3A_1071] : memref<1x128xi32, #tpu.memory_space<vmem>> -> memref<1x128xi32, #tpu.memory_space<vmem>>
      %dma_wait3A_1073 = tpu.memref_squeeze %dma_wait3A_1072 : memref<1x128xi32, #tpu.memory_space<vmem>> -> memref<128xi32, #tpu.memory_space<vmem>>
      %dma_wait3A_1074 = arith.constant 49792 : i32
      %dma_wait3A_1075 = tpu.memref_slice %arg3[%dma_wait3A_1074] : memref<50000xi32, #tpu.memory_space<hbm>> -> memref<128xi32, #tpu.memory_space<hbm>>
      %dma_wait3A_1076 = arith.constant 0 : i32
      %dma_wait3A_1077 = tpu.memref_slice %arg7[%dma_wait3A_1070, %dma_wait3A_1076] : memref<1x128xi32, #tpu.memory_space<vmem>> -> memref<1x128xi32, #tpu.memory_space<vmem>>
      %dma_wait3A_1078 = tpu.memref_squeeze %dma_wait3A_1077 : memref<1x128xi32, #tpu.memory_space<vmem>> -> memref<128xi32, #tpu.memory_space<vmem>>
      %dma_wait3A_1079 = arith.constant 49792 : i32
      %dma_wait3A_1080 = tpu.memref_slice %arg3[%dma_wait3A_1079] : memref<50000xi32, #tpu.memory_space<hbm>> -> memref<128xi32, #tpu.memory_space<hbm>>
      tpu.wait_dma2 semaphore(%arg10 : memref<!tpu.dma_semaphore, #tpu.memory_space<semaphore_mem>>) src(%dma_wait3A_1080 : memref<128xi32, #tpu.memory_space<hbm>>) dst(%dma_wait3A_1078 : memref<128xi32, #tpu.memory_space<vmem>>)
      %dma_wait3A_1081 = arith.constant 0 : i32
      %dma_wait3A_1082 = arith.constant 0 : i32
      %dma_wait3A_1083 = arith.constant 0 : i32
      %dma_wait3A_1084 = arith.constant 0 : i32
      %dma_wait3A_1085 = tpu.memref_slice %arg9[%dma_wait3A_1081, %dma_wait3A_1083, %dma_wait3A_1084] : memref<4x128x128xf32, #tpu.memory_space<vmem>> -> memref<1x128x128xf32, #tpu.memory_space<vmem>>
      %dma_wait3A_1086 = tpu.memref_squeeze %dma_wait3A_1085 : memref<1x128x128xf32, #tpu.memory_space<vmem>> -> memref<128x128xf32, #tpu.memory_space<vmem>>
      %dma_wait3A_1087 = arith.constant 49792 : i32
      %dma_wait3A_1088 = arith.constant 0 : i32
      %dma_wait3A_1089 = tpu.memref_slice %arg2[%dma_wait3A_1087, %dma_wait3A_1088] : memref<50000x128xf32, #tpu.memory_space<hbm>> -> memref<128x128xf32, #tpu.memory_space<hbm>>
      %dma_wait3A_1090 = tpu.memref_slice %arg11[%dma_wait3A_1082] : memref<4x!tpu.dma_semaphore, #tpu.memory_space<semaphore_mem>> -> memref<1x!tpu.dma_semaphore, #tpu.memory_space<semaphore_mem>>
      %dma_wait3A_1091 = tpu.memref_squeeze %dma_wait3A_1090 : memref<1x!tpu.dma_semaphore, #tpu.memory_space<semaphore_mem>> -> memref<!tpu.dma_semaphore, #tpu.memory_space<semaphore_mem>>
      %dma_wait3A_1092 = arith.constant 0 : i32
      %dma_wait3A_1093 = arith.constant 0 : i32
      %dma_wait3A_1094 = tpu.memref_slice %arg9[%dma_wait3A_1081, %dma_wait3A_1092, %dma_wait3A_1093] : memref<4x128x128xf32, #tpu.memory_space<vmem>> -> memref<1x128x128xf32, #tpu.memory_space<vmem>>
      %dma_wait3A_1095 = tpu.memref_squeeze %dma_wait3A_1094 : memref<1x128x128xf32, #tpu.memory_space<vmem>> -> memref<128x128xf32, #tpu.memory_space<vmem>>
      %dma_wait3A_1096 = arith.constant 49792 : i32
      %dma_wait3A_1097 = arith.constant 0 : i32
      %dma_wait3A_1098 = tpu.memref_slice %arg2[%dma_wait3A_1096, %dma_wait3A_1097] : memref<50000x128xf32, #tpu.memory_space<hbm>> -> memref<128x128xf32, #tpu.memory_space<hbm>>
      tpu.wait_dma2 semaphore(%dma_wait3A_1091 : memref<!tpu.dma_semaphore, #tpu.memory_space<semaphore_mem>>) src(%dma_wait3A_1098 : memref<128x128xf32, #tpu.memory_space<hbm>>) dst(%dma_wait3A_1095 : memref<128x128xf32, #tpu.memory_space<vmem>>)
      %dma_start3A_1099 = arith.constant 0 : i32
      %dma_start3A_1100 = arith.constant 0 : i32
      %dma_start3A_1101 = arith.constant 0 : i32
      %dma_start3A_1102 = arith.constant 0 : i32
      %dma_start3A_1103 = arith.constant 0 : i32
      %dma_start3A_1104 = tpu.memref_slice %arg9[%dma_start3A_1099, %dma_start3A_1102, %dma_start3A_1103] : memref<4x128x128xf32, #tpu.memory_space<vmem>> -> memref<1x128x128xf32, #tpu.memory_space<vmem>>
      %dma_start3A_1105 = tpu.memref_squeeze %dma_start3A_1104 : memref<1x128x128xf32, #tpu.memory_space<vmem>> -> memref<128x128xf32, #tpu.memory_space<vmem>>
      %dma_start3A_1106 = arith.constant 0 : i32
      %dma_start3A_1107 = tpu.memref_slice %arg7[%dma_start3A_1100, %dma_start3A_1106] : memref<1x128xi32, #tpu.memory_space<vmem>> -> memref<1x128xi32, #tpu.memory_space<vmem>>
      %dma_start3A_1108 = tpu.memref_squeeze %dma_start3A_1107 : memref<1x128xi32, #tpu.memory_space<vmem>> -> memref<128xi32, #tpu.memory_space<vmem>>
      %dma_start3A_1109 = arith.constant 0 : i32
      %dma_start3A_1110 = arith.constant 0 : i32
      %dma_start3A_1111 = tpu.memref_slice %arg4[%dma_start3A_1109, %dma_start3A_1110] : memref<100000x128xf32, #tpu.memory_space<hbm>> -> memref<100000x128xf32, #tpu.memory_space<hbm>>
      %dma_start3A_1112 = tpu.memref_slice %arg12[%dma_start3A_1101] : memref<4x!tpu.dma_semaphore, #tpu.memory_space<semaphore_mem>> -> memref<1x!tpu.dma_semaphore, #tpu.memory_space<semaphore_mem>>
      %dma_start3A_1113 = tpu.memref_squeeze %dma_start3A_1112 : memref<1x!tpu.dma_semaphore, #tpu.memory_space<semaphore_mem>> -> memref<!tpu.dma_semaphore, #tpu.memory_space<semaphore_mem>>
      tpu.enqueue_indirect_dma source(%dma_start3A_1105 : memref<128x128xf32, #tpu.memory_space<vmem>>) target(%dma_start3A_1111 : memref<100000x128xf32, #tpu.memory_space<hbm>>) offsets(%dma_start3A_1108 : memref<128xi32, #tpu.memory_space<vmem>>) semaphore(%dma_start3A_1113 : memref<!tpu.dma_semaphore, #tpu.memory_space<semaphore_mem>>)
      %dma_wait3A_1114 = arith.constant 0 : i32
      %dma_wait3A_1115 = arith.constant 0 : i32
      %dma_wait3A_1116 = arith.constant 0 : i32
      %dma_wait3A_1117 = arith.constant 0 : i32
      %dma_wait3A_1118 = arith.constant 0 : i32
      %dma_wait3A_1119 = tpu.memref_slice %arg9[%dma_wait3A_1114, %dma_wait3A_1117, %dma_wait3A_1118] : memref<4x128x128xf32, #tpu.memory_space<vmem>> -> memref<1x128x128xf32, #tpu.memory_space<vmem>>
      %dma_wait3A_1120 = tpu.memref_squeeze %dma_wait3A_1119 : memref<1x128x128xf32, #tpu.memory_space<vmem>> -> memref<128x128xf32, #tpu.memory_space<vmem>>
      %dma_wait3A_1121 = arith.constant 0 : i32
      %dma_wait3A_1122 = tpu.memref_slice %arg7[%dma_wait3A_1115, %dma_wait3A_1121] : memref<1x128xi32, #tpu.memory_space<vmem>> -> memref<1x128xi32, #tpu.memory_space<vmem>>
      %dma_wait3A_1123 = tpu.memref_squeeze %dma_wait3A_1122 : memref<1x128xi32, #tpu.memory_space<vmem>> -> memref<128xi32, #tpu.memory_space<vmem>>
      %dma_wait3A_1124 = arith.constant 0 : i32
      %dma_wait3A_1125 = arith.constant 0 : i32
      %dma_wait3A_1126 = tpu.memref_slice %arg4[%dma_wait3A_1124, %dma_wait3A_1125] : memref<100000x128xf32, #tpu.memory_space<hbm>> -> memref<100000x128xf32, #tpu.memory_space<hbm>>
      %dma_wait3A_1127 = tpu.memref_slice %arg12[%dma_wait3A_1116] : memref<4x!tpu.dma_semaphore, #tpu.memory_space<semaphore_mem>> -> memref<1x!tpu.dma_semaphore, #tpu.memory_space<semaphore_mem>>
      %dma_wait3A_1128 = tpu.memref_squeeze %dma_wait3A_1127 : memref<1x!tpu.dma_semaphore, #tpu.memory_space<semaphore_mem>> -> memref<!tpu.dma_semaphore, #tpu.memory_space<semaphore_mem>>
      tpu.wait_indirect_dma semaphore(%dma_wait3A_1128 : memref<!tpu.dma_semaphore, #tpu.memory_space<semaphore_mem>>) src(%dma_wait3A_1120 : memref<128x128xf32, #tpu.memory_space<vmem>>) dst(%dma_wait3A_1126 : memref<100000x128xf32, #tpu.memory_space<hbm>>)
    } else {
    }
    %eq3A_1036 = arith.constant 6 : i32
    %eq3A_1037 = arith.cmpi eq, %add3A, %eq3A_1036 : i32
    %convert_element_type3A_1038 = arith.extui %eq3A_1037 : i1 to i32
    %cond3A_1039 = arith.constant 0 : i32
    %cond3A_1040 = arith.cmpi ne, %convert_element_type3A_1038, %cond3A_1039 : i32
    scf.if %cond3A_1040 {
      %dma_start3A_1041 = arith.constant 0 : i32
      %dma_start3A_1042 = arith.constant 0 : i32
      %dma_start3A_1043 = tpu.memref_slice %arg8[%dma_start3A_1041, %dma_start3A_1042] : memref<1x80xi32, #tpu.memory_space<vmem>> -> memref<1x80xi32, #tpu.memory_space<vmem>>
      %dma_start3A_1044 = tpu.memref_squeeze %dma_start3A_1043 : memref<1x80xi32, #tpu.memory_space<vmem>> -> memref<80xi32, #tpu.memory_space<vmem>>
      %dma_start3A_1045 = arith.constant 49920 : i32
      %dma_start3A_1046 = tpu.memref_slice %arg3[%dma_start3A_1045] : memref<50000xi32, #tpu.memory_space<hbm>> -> memref<80xi32, #tpu.memory_space<hbm>>
      %dma_start3A_1047 = arith.constant 0 : i32
      %dma_start3A_1048 = tpu.memref_slice %arg8[%dma_start3A_1041, %dma_start3A_1047] : memref<1x80xi32, #tpu.memory_space<vmem>> -> memref<1x80xi32, #tpu.memory_space<vmem>>
      %dma_start3A_1049 = tpu.memref_squeeze %dma_start3A_1048 : memref<1x80xi32, #tpu.memory_space<vmem>> -> memref<80xi32, #tpu.memory_space<vmem>>
      %dma_start3A_1050 = arith.constant 49920 : i32
      %dma_start3A_1051 = tpu.memref_slice %arg3[%dma_start3A_1050] : memref<50000xi32, #tpu.memory_space<hbm>> -> memref<80xi32, #tpu.memory_space<hbm>>
      tpu.enqueue_dma source(%dma_start3A_1051 : memref<80xi32, #tpu.memory_space<hbm>>) target(%dma_start3A_1049 : memref<80xi32, #tpu.memory_space<vmem>>) target_semaphore(%arg10 : memref<!tpu.dma_semaphore, #tpu.memory_space<semaphore_mem>>)
      %dma_start3A_1052 = arith.constant 0 : i32
      %dma_start3A_1053 = arith.constant 0 : i32
      %dma_start3A_1054 = arith.constant 0 : i32
      %dma_start3A_1055 = arith.constant 0 : i32
      %dma_start3A_1056 = tpu.memref_slice %arg9[%dma_start3A_1052, %dma_start3A_1054, %dma_start3A_1055] : memref<4x128x128xf32, #tpu.memory_space<vmem>> -> memref<1x80x128xf32, #tpu.memory_space<vmem>>
      %dma_start3A_1057 = tpu.memref_squeeze %dma_start3A_1056 : memref<1x80x128xf32, #tpu.memory_space<vmem>> -> memref<80x128xf32, #tpu.memory_space<vmem>>
      %dma_start3A_1058 = arith.constant 49920 : i32
      %dma_start3A_1059 = arith.constant 0 : i32
      %dma_start3A_1060 = tpu.memref_slice %arg2[%dma_start3A_1058, %dma_start3A_1059] : memref<50000x128xf32, #tpu.memory_space<hbm>> -> memref<80x128xf32, #tpu.memory_space<hbm>>
      %dma_start3A_1061 = tpu.memref_slice %arg11[%dma_start3A_1053] : memref<4x!tpu.dma_semaphore, #tpu.memory_space<semaphore_mem>> -> memref<1x!tpu.dma_semaphore, #tpu.memory_space<semaphore_mem>>
      %dma_start3A_1062 = tpu.memref_squeeze %dma_start3A_1061 : memref<1x!tpu.dma_semaphore, #tpu.memory_space<semaphore_mem>> -> memref<!tpu.dma_semaphore, #tpu.memory_space<semaphore_mem>>
      %dma_start3A_1063 = arith.constant 0 : i32
      %dma_start3A_1064 = arith.constant 0 : i32
      %dma_start3A_1065 = tpu.memref_slice %arg9[%dma_start3A_1052, %dma_start3A_1063, %dma_start3A_1064] : memref<4x128x128xf32, #tpu.memory_space<vmem>> -> memref<1x80x128xf32, #tpu.memory_space<vmem>>
      %dma_start3A_1066 = tpu.memref_squeeze %dma_start3A_1065 : memref<1x80x128xf32, #tpu.memory_space<vmem>> -> memref<80x128xf32, #tpu.memory_space<vmem>>
      %dma_start3A_1067 = arith.constant 49920 : i32
      %dma_start3A_1068 = arith.constant 0 : i32
      %dma_start3A_1069 = tpu.memref_slice %arg2[%dma_start3A_1067, %dma_start3A_1068] : memref<50000x128xf32, #tpu.memory_space<hbm>> -> memref<80x128xf32, #tpu.memory_space<hbm>>
      tpu.enqueue_dma source(%dma_start3A_1069 : memref<80x128xf32, #tpu.memory_space<hbm>>) target(%dma_start3A_1066 : memref<80x128xf32, #tpu.memory_space<vmem>>) target_semaphore(%dma_start3A_1062 : memref<!tpu.dma_semaphore, #tpu.memory_space<semaphore_mem>>)
      %dma_wait3A_1070 = arith.constant 0 : i32
      %dma_wait3A_1071 = arith.constant 0 : i32
      %dma_wait3A_1072 = tpu.memref_slice %arg8[%dma_wait3A_1070, %dma_wait3A_1071] : memref<1x80xi32, #tpu.memory_space<vmem>> -> memref<1x80xi32, #tpu.memory_space<vmem>>
      %dma_wait3A_1073 = tpu.memref_squeeze %dma_wait3A_1072 : memref<1x80xi32, #tpu.memory_space<vmem>> -> memref<80xi32, #tpu.memory_space<vmem>>
      %dma_wait3A_1074 = arith.constant 49920 : i32
      %dma_wait3A_1075 = tpu.memref_slice %arg3[%dma_wait3A_1074] : memref<50000xi32, #tpu.memory_space<hbm>> -> memref<80xi32, #tpu.memory_space<hbm>>
      %dma_wait3A_1076 = arith.constant 0 : i32
      %dma_wait3A_1077 = tpu.memref_slice %arg8[%dma_wait3A_1070, %dma_wait3A_1076] : memref<1x80xi32, #tpu.memory_space<vmem>> -> memref<1x80xi32, #tpu.memory_space<vmem>>
      %dma_wait3A_1078 = tpu.memref_squeeze %dma_wait3A_1077 : memref<1x80xi32, #tpu.memory_space<vmem>> -> memref<80xi32, #tpu.memory_space<vmem>>
      %dma_wait3A_1079 = arith.constant 49920 : i32
      %dma_wait3A_1080 = tpu.memref_slice %arg3[%dma_wait3A_1079] : memref<50000xi32, #tpu.memory_space<hbm>> -> memref<80xi32, #tpu.memory_space<hbm>>
      tpu.wait_dma2 semaphore(%arg10 : memref<!tpu.dma_semaphore, #tpu.memory_space<semaphore_mem>>) src(%dma_wait3A_1080 : memref<80xi32, #tpu.memory_space<hbm>>) dst(%dma_wait3A_1078 : memref<80xi32, #tpu.memory_space<vmem>>)
      %dma_wait3A_1081 = arith.constant 0 : i32
      %dma_wait3A_1082 = arith.constant 0 : i32
      %dma_wait3A_1083 = arith.constant 0 : i32
      %dma_wait3A_1084 = arith.constant 0 : i32
      %dma_wait3A_1085 = tpu.memref_slice %arg9[%dma_wait3A_1081, %dma_wait3A_1083, %dma_wait3A_1084] : memref<4x128x128xf32, #tpu.memory_space<vmem>> -> memref<1x80x128xf32, #tpu.memory_space<vmem>>
      %dma_wait3A_1086 = tpu.memref_squeeze %dma_wait3A_1085 : memref<1x80x128xf32, #tpu.memory_space<vmem>> -> memref<80x128xf32, #tpu.memory_space<vmem>>
      %dma_wait3A_1087 = arith.constant 49920 : i32
      %dma_wait3A_1088 = arith.constant 0 : i32
      %dma_wait3A_1089 = tpu.memref_slice %arg2[%dma_wait3A_1087, %dma_wait3A_1088] : memref<50000x128xf32, #tpu.memory_space<hbm>> -> memref<80x128xf32, #tpu.memory_space<hbm>>
      %dma_wait3A_1090 = tpu.memref_slice %arg11[%dma_wait3A_1082] : memref<4x!tpu.dma_semaphore, #tpu.memory_space<semaphore_mem>> -> memref<1x!tpu.dma_semaphore, #tpu.memory_space<semaphore_mem>>
      %dma_wait3A_1091 = tpu.memref_squeeze %dma_wait3A_1090 : memref<1x!tpu.dma_semaphore, #tpu.memory_space<semaphore_mem>> -> memref<!tpu.dma_semaphore, #tpu.memory_space<semaphore_mem>>
      %dma_wait3A_1092 = arith.constant 0 : i32
      %dma_wait3A_1093 = arith.constant 0 : i32
      %dma_wait3A_1094 = tpu.memref_slice %arg9[%dma_wait3A_1081, %dma_wait3A_1092, %dma_wait3A_1093] : memref<4x128x128xf32, #tpu.memory_space<vmem>> -> memref<1x80x128xf32, #tpu.memory_space<vmem>>
      %dma_wait3A_1095 = tpu.memref_squeeze %dma_wait3A_1094 : memref<1x80x128xf32, #tpu.memory_space<vmem>> -> memref<80x128xf32, #tpu.memory_space<vmem>>
      %dma_wait3A_1096 = arith.constant 49920 : i32
      %dma_wait3A_1097 = arith.constant 0 : i32
      %dma_wait3A_1098 = tpu.memref_slice %arg2[%dma_wait3A_1096, %dma_wait3A_1097] : memref<50000x128xf32, #tpu.memory_space<hbm>> -> memref<80x128xf32, #tpu.memory_space<hbm>>
      tpu.wait_dma2 semaphore(%dma_wait3A_1091 : memref<!tpu.dma_semaphore, #tpu.memory_space<semaphore_mem>>) src(%dma_wait3A_1098 : memref<80x128xf32, #tpu.memory_space<hbm>>) dst(%dma_wait3A_1095 : memref<80x128xf32, #tpu.memory_space<vmem>>)
      %dma_start3A_1099 = arith.constant 0 : i32
      %dma_start3A_1100 = arith.constant 0 : i32
      %dma_start3A_1101 = arith.constant 0 : i32
      %dma_start3A_1102 = arith.constant 0 : i32
      %dma_start3A_1103 = arith.constant 0 : i32
      %dma_start3A_1104 = tpu.memref_slice %arg9[%dma_start3A_1099, %dma_start3A_1102, %dma_start3A_1103] : memref<4x128x128xf32, #tpu.memory_space<vmem>> -> memref<1x80x128xf32, #tpu.memory_space<vmem>>
      %dma_start3A_1105 = tpu.memref_squeeze %dma_start3A_1104 : memref<1x80x128xf32, #tpu.memory_space<vmem>> -> memref<80x128xf32, #tpu.memory_space<vmem>>
      %dma_start3A_1106 = arith.constant 0 : i32
      %dma_start3A_1107 = tpu.memref_slice %arg8[%dma_start3A_1100, %dma_start3A_1106] : memref<1x80xi32, #tpu.memory_space<vmem>> -> memref<1x80xi32, #tpu.memory_space<vmem>>
      %dma_start3A_1108 = tpu.memref_squeeze %dma_start3A_1107 : memref<1x80xi32, #tpu.memory_space<vmem>> -> memref<80xi32, #tpu.memory_space<vmem>>
      %dma_start3A_1109 = arith.constant 0 : i32
      %dma_start3A_1110 = arith.constant 0 : i32
      %dma_start3A_1111 = tpu.memref_slice %arg4[%dma_start3A_1109, %dma_start3A_1110] : memref<100000x128xf32, #tpu.memory_space<hbm>> -> memref<100000x128xf32, #tpu.memory_space<hbm>>
      %dma_start3A_1112 = tpu.memref_slice %arg12[%dma_start3A_1101] : memref<4x!tpu.dma_semaphore, #tpu.memory_space<semaphore_mem>> -> memref<1x!tpu.dma_semaphore, #tpu.memory_space<semaphore_mem>>
      %dma_start3A_1113 = tpu.memref_squeeze %dma_start3A_1112 : memref<1x!tpu.dma_semaphore, #tpu.memory_space<semaphore_mem>> -> memref<!tpu.dma_semaphore, #tpu.memory_space<semaphore_mem>>
      tpu.enqueue_indirect_dma source(%dma_start3A_1105 : memref<80x128xf32, #tpu.memory_space<vmem>>) target(%dma_start3A_1111 : memref<100000x128xf32, #tpu.memory_space<hbm>>) offsets(%dma_start3A_1108 : memref<80xi32, #tpu.memory_space<vmem>>) semaphore(%dma_start3A_1113 : memref<!tpu.dma_semaphore, #tpu.memory_space<semaphore_mem>>)
      %dma_wait3A_1114 = arith.constant 0 : i32
      %dma_wait3A_1115 = arith.constant 0 : i32
      %dma_wait3A_1116 = arith.constant 0 : i32
      %dma_wait3A_1117 = arith.constant 0 : i32
      %dma_wait3A_1118 = arith.constant 0 : i32
      %dma_wait3A_1119 = tpu.memref_slice %arg9[%dma_wait3A_1114, %dma_wait3A_1117, %dma_wait3A_1118] : memref<4x128x128xf32, #tpu.memory_space<vmem>> -> memref<1x80x128xf32, #tpu.memory_space<vmem>>
      %dma_wait3A_1120 = tpu.memref_squeeze %dma_wait3A_1119 : memref<1x80x128xf32, #tpu.memory_space<vmem>> -> memref<80x128xf32, #tpu.memory_space<vmem>>
      %dma_wait3A_1121 = arith.constant 0 : i32
      %dma_wait3A_1122 = tpu.memref_slice %arg8[%dma_wait3A_1115, %dma_wait3A_1121] : memref<1x80xi32, #tpu.memory_space<vmem>> -> memref<1x80xi32, #tpu.memory_space<vmem>>
      %dma_wait3A_1123 = tpu.memref_squeeze %dma_wait3A_1122 : memref<1x80xi32, #tpu.memory_space<vmem>> -> memref<80xi32, #tpu.memory_space<vmem>>
      %dma_wait3A_1124 = arith.constant 0 : i32
      %dma_wait3A_1125 = arith.constant 0 : i32
      %dma_wait3A_1126 = tpu.memref_slice %arg4[%dma_wait3A_1124, %dma_wait3A_1125] : memref<100000x128xf32, #tpu.memory_space<hbm>> -> memref<100000x128xf32, #tpu.memory_space<hbm>>
      %dma_wait3A_1127 = tpu.memref_slice %arg12[%dma_wait3A_1116] : memref<4x!tpu.dma_semaphore, #tpu.memory_space<semaphore_mem>> -> memref<1x!tpu.dma_semaphore, #tpu.memory_space<semaphore_mem>>
      %dma_wait3A_1128 = tpu.memref_squeeze %dma_wait3A_1127 : memref<1x!tpu.dma_semaphore, #tpu.memory_space<semaphore_mem>> -> memref<!tpu.dma_semaphore, #tpu.memory_space<semaphore_mem>>
      tpu.wait_indirect_dma semaphore(%dma_wait3A_1128 : memref<!tpu.dma_semaphore, #tpu.memory_space<semaphore_mem>>) src(%dma_wait3A_1120 : memref<80x128xf32, #tpu.memory_space<vmem>>) dst(%dma_wait3A_1126 : memref<100000x128xf32, #tpu.memory_space<hbm>>)
    } else {
    }
    return
  }
}

module attributes {stable_mosaic.version = 14 : i64} {
  func.func @_zero_body(%arg0: i32, %arg1: memref<25000x128xf32, #tpu.memory_space<vmem>>) attributes {dimension_semantics = [#tpu.dimension_semantics<arbitrary>], iteration_bounds = array<i64: 2>, scalar_prefetch = 0 : i64, scratch_operands = 0 : i64, tpu.core_type = #tpu.core_type<tc>, window_params = [{transform_indices = @transform_0, window_bounds = array<i64: 25000, 128>}]} {
    %broadcast_in_dim3A = arith.constant 0.000000e+00 : f32
    %broadcast_in_dim3A_0 = vector.broadcast %broadcast_in_dim3A : f32 to vector<25000x128xf32>
    %swap3A = arith.constant 0 : index
    %swap3A_1 = arith.constant 0 : index
    %swap3A_2 = vector.load %arg1[%swap3A, %swap3A_1] : memref<25000x128xf32, #tpu.memory_space<vmem>>, vector<25000x128xf32>
    tpu.vector_store %arg1[%swap3A, %swap3A_1], %broadcast_in_dim3A_0 {strides = array<i32>} : memref<25000x128xf32, #tpu.memory_space<vmem>>, vector<25000x128xf32>,
    return
  }
  func.func @transform_0(%arg0: i32) -> (i32, i32) {
    %add3A = arith.constant 2 : i32
    %add3A_0 = arith.addi %add3A, %arg0 : i32
    %c0_i32 = arith.constant 0 : i32
    %c0_i32_1 = arith.constant 0 : i32
    return %add3A_0, %c0_i32 : i32, i32
  }
}

module attributes {stable_mosaic.version = 14 : i64} {
  func.func @_copy_body(%arg0: memref<2x800000xi32, #tpu.memory_space<vmem>>, %arg1: memref<100000xi32, #tpu.memory_space<vmem>>, %arg2: memref<2x800000xi32, #tpu.memory_space<vmem>>, %arg3: memref<100000xi32, #tpu.memory_space<vmem>>) attributes {dimension_semantics = [], scalar_prefetch = 0 : i64, scratch_operands = 0 : i64, tpu.core_type = #tpu.core_type<tc>} {
    %get3A = arith.constant 0 : index
    %get3A_0 = arith.constant 0 : index
    %get3A_1 = vector.load %arg0[%get3A, %get3A_0] : memref<2x800000xi32, #tpu.memory_space<vmem>>, vector<2x800000xi32>
    %swap3A = arith.constant 0 : index
    %swap3A_2 = arith.constant 0 : index
    %swap3A_3 = vector.load %arg2[%swap3A, %swap3A_2] : memref<2x800000xi32, #tpu.memory_space<vmem>>, vector<2x800000xi32>
    tpu.vector_store %arg2[%swap3A, %swap3A_2], %get3A_1 {strides = array<i32>} : memref<2x800000xi32, #tpu.memory_space<vmem>>, vector<2x800000xi32>,
    %get3A_4 = arith.constant 0 : index
    %get3A_5 = vector.load %arg1[%get3A_4] : memref<100000xi32, #tpu.memory_space<vmem>>, vector<100000xi32>
    %swap3A_6 = arith.constant 0 : index
    %swap3A_7 = vector.load %arg3[%swap3A_6] : memref<100000xi32, #tpu.memory_space<vmem>>, vector<100000xi32>
    tpu.vector_store %arg3[%swap3A_6], %get3A_5 {strides = array<i32>} : memref<100000xi32, #tpu.memory_space<vmem>>, vector<100000xi32>,
    return
  }
}

</mosaic_0001>

<sc_bundles>
// kernel: kernel.5.cloned.1.call-start
scs
__scs_entry_jumppad:
0x0: {  	(pc) =	sbr.rel $0x88, $3  }
0x1: {  	(tag) =	ssettag $0x0;
	lr =	simm.s32 $0x1  }
0x2: {  	[smem:$0x3F9D] =	sst lr;
	_ =	strace $0xD0000000  }
0x3: {  	_ = 	snop  }
0x4: {  	_ = 	snop  }
0x5: {  	_ = 	snop  }
0x6: {  	_ = 	snop  }
0x7: {  	_ = 	snop  }
__scs_overlays_trampoline_lowered:
0x8: {  	[smem:$0x3FAC] =	sst s0  }
0x9: {  	[smem:$0x3FAD] =	sst s1  }
0xa: {  	[smem:$0x3FAE] =	sst s2  }
0xb: {  	[smem:$0x3FAF] =	sst s3  }
0xc: {  	[smem:$0x3FB0] =	sst s4  }
0xd: {  	[smem:$0x3FB1] =	sst s5  }
0xe: {  	[smem:$0x3FB2] =	sst s6  }
0xf: {  	[smem:$0x3FB3] =	sst s7  }
0x10: {  	[smem:$0x3FB4] =	sst s8  }
0x11: {  	[smem:$0x3FB5] =	sst s9;
	s0 =	simm.s32 @!p0 $0x0  }
0x12: {  	s1 =	sld [smem:$0x3F9B];
	s0 =	simm.s32 @p0 $0x1  }
0x13: {  	[smem:$0x3FB6] =	sst s0;
	s0 =	simm.s32 @!p1 $0x0  }
0x14: {  	s2 =	sld [smem:$0x3F9A];
	s0 =	simm.s32 @p1 $0x1  }
0x15: {  	[smem:$0x3FB7] =	sst s0;
	s0 =	simm.s32 @!p2 $0x0  }
0x16: {  	s3 =	sld [smem:$0x3FDB];
	s0 =	simm.s32 @p2 $0x1  }
0x17: {  	s4 =	simm.s32 $0x1BF5;
	[smem:$0x3FB9] =	sst s0  }
0x18: {  	s0 =	sld [smem:$0x3F9C];
	_ =	swait.ge [sflag:s4], $0x0  }
0x19: {  	s7 =	sld [smem:$0x3F9D]  }
0x1a: {  	s8 =	sadd.s32 $0xFFFFE003, lr  }
0x1b: {  	s9 =	sadd.s32 $0xFFFFFEF7, lr;
	s5 =	simm.s32 $0xFFFFFFFF;
	p2 =	slt.u32 s8, $0xFFFFF086  }
0x1c: {  	p1 =	slt.u32 s9, $0xF7A;
	s5 =	simm.s32 @!p2 $0x0  }
0x1d: {  	s5 =	simm.s32 @p1 $0x1;
	p0 =	seq.s32 s7, s2  }
0x1e: {  	s7 =	smul.u32 @!p0 $0xF7A, s2;
	p2 =	seq.s32 @!p0 s5, $0x0  }
0x1f: {  	s9 =	smul.u32 $0xF7A, s1;
	s8 =	simm.s32 @!p0 $0x1BF5;
	p2 =	por !p2, p0  }
0x20: {  	[sflag:s8] =	ssyncset.s32 @!p0 $0xFFFFF086;
	s6 =	sadd.s32 @!p0 s3, s7;
	s7 =	simm.s32 @!p0 $0x108  }
0x21: {  	s3 =	sadd.s32 s3, s9;
	s6 =	sadd.s32 @!p0 $0x88, s6;
	s7 =	simm.s32 @p2 $0x1082  }
0x22: {  	[simem:s7], [sflag:s8] =	dma.local @!p0 [hbm:s6], $0xF7A  }
0x23: {  	s9 =	sor.u32 $0xD0000000, s2;
	s6 =	simm.s32 $0x108;
	_ =	swait.ge @!p0 [sflag:s8], $0x0  }
0x24: {  	s3 =	sadd.s32 $0x88, s3;
	s6 =	simm.s32 @!p1 $0x1082;
	[sflag:s4] =	ssyncset.s32 $0xFFFFF086  }
0x25: {  	[simem:s6], [sflag:s4] =	dma.local [hbm:s3], $0xF7A  }
0x26: {  	[smem:$0x3F9D] =	sst s1;
	(tag) =	ssettag s2;
	_ =	strace s9  }
0x27: {  	s1 =	sld [smem:$0x3FAD]  }
0x28: {  	s2 =	sld [smem:$0x3FAE]  }
0x29: {  	s4 =	sld [smem:$0x3FB0]  }
0x2a: {  	p0 =	seq.s32 s5, $0x0;
	s5 =	sld [smem:$0x3FB1]  }
0x2b: {  	s6 =	sld [smem:$0x3FB2]  }
0x2c: {  	s7 =	sld [smem:$0x3FB3]  }
0x2d: {  	s3 =	simm.s32 $0x108;
	s8 =	sld [smem:$0x3FB4]  }
0x2e: {  	s3 =	simm.s32 @!p0 $0x1082;
	s9 =	sld [smem:$0x3FB5]  }
0x2f: {  	lr =	sadd.s32 s0, s3;
	s0 =	sld [smem:$0x3FAC]  }
0x30: {  	s3 =	sld [smem:$0x3FAF]  }
0x31: {  	[smem:$0x3FB8] =	sst s10  }
0x32: {  	s10 =	sld [smem:$0x3FB6];
	_ =	sdelay $0x3  }
0x33: {  	p0 =	seq.s32 s10, $0x1;
	s10 =	sld [smem:$0x3FB8];
	_ =	sdelay $0x3  }
0x34: {  	[smem:$0x3FB8] =	sst s10  }
0x35: {  	s10 =	sld [smem:$0x3FB7];
	_ =	sdelay $0x3  }
0x36: {  	p1 =	seq.s32 s10, $0x1;
	s10 =	sld [smem:$0x3FB8];
	_ =	sdelay $0x3  }
0x37: {  	[smem:$0x3FB8] =	sst s10  }
0x38: {  	s10 =	sld [smem:$0x3FB9]  }
0x39: {  	_ = 	snop;
	(pc) =	sbr.ind lr, $3  }
0x3a: {  	_ = 	snop  }
0x3b: {  	_ = 	snop  }
0x3c: {  	p2 =	seq.s32 s10, $0x1;
	s10 =	sld [smem:$0x3FB8]  }
0x3d: {  	_ =	shalt  }
0x3e: {  	_ =	shalt  }
0x3f: {  	_ =	shalt  }
0x40: {  	_ =	shalt  }
0x41: {  	_ =	shalt  }
0x42: {  	_ =	shalt  }
0x43: {  	_ =	shalt  }
0x44: {  	_ =	shalt  }
0x45: {  	_ =	shalt  }
0x46: {  	_ =	shalt  }
0x47: {  	_ =	shalt  }
0x48: {  	_ =	shalt  }
0x49: {  	_ =	shalt  }
0x4a: {  	_ =	shalt  }
0x4b: {  	_ =	shalt  }
0x4c: {  	_ =	shalt  }
0x4d: {  	_ =	shalt  }
0x4e: {  	_ =	shalt  }
0x4f: {  	_ =	shalt  }
0x50: {  	_ =	shalt  }
0x51: {  	_ =	shalt  }
0x52: {  	_ =	shalt  }
0x53: {  	_ =	shalt  }
0x54: {  	_ =	shalt  }
0x55: {  	_ =	shalt  }
0x56: {  	_ =	shalt  }
0x57: {  	_ =	shalt  }
0x58: {  	_ =	shalt  }
0x59: {  	_ =	shalt  }
0x5a: {  	_ =	shalt  }
0x5b: {  	_ =	shalt  }
0x5c: {  	_ =	shalt  }
0x5d: {  	_ =	shalt  }
0x5e: {  	_ =	shalt  }
0x5f: {  	_ =	shalt  }
0x60: {  	_ =	shalt  }
0x61: {  	_ =	shalt  }
0x62: {  	_ =	shalt  }
0x63: {  	_ =	shalt  }
0x64: {  	_ =	shalt  }
0x65: {  	_ =	shalt  }
0x66: {  	_ =	shalt  }
0x67: {  	_ =	shalt  }
0x68: {  	_ =	shalt  }
0x69: {  	_ =	shalt  }
0x6a: {  	_ =	shalt  }
0x6b: {  	_ =	shalt  }
0x6c: {  	_ =	shalt  }
0x6d: {  	_ =	shalt  }
0x6e: {  	_ =	shalt  }
0x6f: {  	_ =	shalt  }
0x70: {  	_ =	shalt  }
0x71: {  	_ =	shalt  }
0x72: {  	_ =	shalt  }
0x73: {  	_ =	shalt  }
0x74: {  	_ =	shalt  }
0x75: {  	_ =	shalt  }
0x76: {  	_ =	shalt  }
0x77: {  	_ =	shalt  }
0x78: {  	_ =	shalt  }
0x79: {  	_ =	shalt  }
0x7a: {  	_ =	shalt  }
0x7b: {  	_ =	shalt  }
0x7c: {  	_ =	shalt  }
0x7d: {  	_ =	shalt  }
0x7e: {  	_ =	shalt  }
0x7f: {  	_ =	shalt  }
0x80: {  	_ =	shalt  }
0x81: {  	_ =	shalt  }
0x82: {  	_ =	shalt  }
0x83: {  	_ =	shalt  }
0x84: {  	_ =	shalt  }
0x85: {  	_ =	shalt  }
0x86: {  	_ =	shalt  }
0x87: {  	_ =	shalt  }
.Lfunc_end0:
.L_simem_size_0:
called_computation_lowered:
.L_overlay_start_0:
0x88: {  	s2 =	sld [smem:$0x3FD9]  }
0x89: {  	s3 =	sld [smem:$0x3FFE];
	_ =	sdelay $0x1  }
0x8a: {  	s1 =	srdreg.scid  }
0x8b: {  	s0 =	sand.u32 $0x1, s1  }
0x8c: {  	s15 =	sshll.u32 s0, $0xA;
	s2 =	sadd.s32 s3, s2  }
0x8d: {  	s2 =	sadd.s32 s2, s15  }
0x8e: {  	[smem:$0x3FC4] =	sst s2  }
0x8f: {  	_ = 	snop  }
0x90: {  	s2 =	sld [smem:$0x3FD0];
	_ =	sdelay $0x1  }
0x91: {  	s16 =	sld [smem:$0x3FC9]  }
0x92: {  	s5 =	simm.s32 $0xA;
	s6 =	simm.s32 $0x10;
	s4 =	sld [smem:$0x3FC6]  }
0x93: {  	[smem:s6], [sflag:s5] =	dma.local [hbm:s2], $0x1  }
0x94: {  	_ =	swait.eq [sflag:s5], $0x1  }
0x95: {  	[sflag:s5] =	ssyncset.done $0x0  }
0x96: {  	[sflag:s5] =	ssyncadd.s32 $0xFFFFFFFF  }
0x97: {  	s17 =	sld [smem:$0x10];
	(tm) =	ssettm $0x1  }
0x98: {  	s18 =	sld [smem:$0x3FFB];
	_ =	sdelay $0x3  }
0x99: {  	_ =	strace s18  }
0x9a: {  	s5 =	sld [smem:$0x3FFC];
	_ =	sdelay $0x3  }
0x9b: {  	_ =	strace s5  }
0x9c: {  	s5 =	sld [smem:$0x3FFD];
	_ =	sdelay $0x3  }
0x9d: {  	_ =	strace s5  }
0x9e: {  	_ =	strace $0x8FFFFFFF  }
0x9f: {  	s19 =	sld [smem:$0x3FDB];
	_ =	sdelay $0x1  }
0xa0: {  	s20 =	simm.s32 $_scs_section_size  }
0xa1: {  	s7 =	simm.s32 $_size__tile_overlayer_lowered;
	s8 =	simm.s32 $_tile_overlayer_lowered  }
0xa2: {  	s23 =	simm.s32 $0x1BFF;
	s22 =	sshll.u32 s8, $0x1;
	s5 =	sadd.s32 s20, s19  }
0xa3: {  	s9 =	simm.s32 $0x0;
	s21 =	sshll.u32 s7, $0x1;
	s7 =	sadd.s32 s22, s5  }
0xa4: {  	[timem:s9], [sflag:s23] =	dma.local [hbm:s7], s21  }
0xa5: {  	_ =	swait.ge [sflag:s23], s21  }
0xa6: {  	s6 =	ssub.s32 $0x0, s21;
	[sflag:s23] =	ssyncset.done $0x0  }
0xa7: {  	[sflag:s23] =	ssyncadd.s32 s6;
	_ =	sdelay $0x1  }
0xa8: {  	s24 =	simm.s32 $0x1B8B  }
0xa9: {  	_ =	swait.ge [sflag:s24], $0x1  }
0xaa: {  	[sflag:s24] =	ssyncset.done $0x0  }
0xab: {  	s25 =	simm.s32 $0x1B8E;
	[sflag:s24] =	ssyncadd.s32 $0xFFFFFFFF  }
0xac: {  	s26 =	simm.s32 $execute0_lowered;
	[smem:$0x3FD2] =	sst s25  }
0xad: {  	s6 =	sshll.u32 s26, $0x1;
	_ =	strace $0x80000046;
	[dreg:$0x1] =	wrdreg $0xFFFFFFFF  }
0xae: {  	s28 =	simm.s32 $_size_execute0_lowered;
	s5 =	sadd.s32 s5, s6;
	[dreg:$0x0] =	wrdreg $0x0  }
0xaf: {  	s6 =	sshll.u32 s28, $0x1;
	[dreg:$0x2] =	wrdreg s5  }
0xb0: {  	[dreg:$0x3] =	wrdreg s6  }
0xb1: {  	[dreg:$0x4] =	wrdreg $0xC0  }
0xb2: {  	_ =	task [dreg:s9], $0x5FFFF  }
0xb3: {  	[dreg:$0x1] =	wrdreg $0xFFFFFFFF  }
0xb4: {  	[dreg:$0x0] =	wrdreg $0x60  }
0xb5: {  	[dreg:$0x2] =	wrdreg s16  }
0xb6: {  	[dreg:$0x3] =	wrdreg s4  }
0xb7: {  	[dreg:$0x4] =	wrdreg s17  }
0xb8: {  	[dreg:$0x5] =	wrdreg $0x9  }
0xb9: {  	_ =	task.clear_ibuf [dreg:s9], $0x6FFFF;
	_ =	strace $0x90000046  }
0xba: {  	s29 =	simm.s32 $0x9;
	_ =	strace $0x80000048  }
0xbb: {  	_ =	swait.ge [sflag:s29], $0x1  }
0xbc: {  	[sflag:s29] =	ssyncadd.s32 $0xFFFFFFFF  }
0xbd: {  	_ =	strace $0x90000048  }
0xbe: {  	_ =	sfence  }
0xbf: {  	s30 =	sld [smem:$0x0];
	_ =	sdelay $0x2  }
0xc0: {  	s31 =	sshll.u32 s1, $0xD;
	s1 =	sshrl.u32 s1, $0x2  }
0xc1: {  	s3 =	sand.u32 $0x4000, s31;
	s1 =	sadd.s32 s1, s30  }
0xc2: {  	s0 =	sor.u32 s3, s0;
	s1 =	sshll.u32 s1, $0x11  }
0xc3: {  	s0 =	sor.u32 s1, s0  }
0xc4: {  	s0 =	sadd.s32 $0x8F2B, s0  }
0xc5: {  	[sflag:s0] =	ssyncadd.remote.s32 $0x1  }
0xc6: {  	_ =	sfence.sel $0xFFFF  }
0xc7: {  	[dreg:$0x0] =	wrdreg $0xFFFFFFFF;
	(pc) =	sbr.abs _section_cstart, $3  }
0xc8: {  	[dreg:$0x1] =	wrdreg $0xFFFFFFFF  }
0xc9: {  	_ =	task.clear_ibuf [dreg:s9], $0x2FFFF;
	_ =	strace $0x9FFFFFFF  }
0xca: {  	(tm) =	ssettm $0x7FFFFFFF  }
0xcb: {  	_ =	shalt  }
tec
execute0_lowered:
.L_overlay_start_1:
0x0: {  	(tag) =	ssettag $0x1  }
0x1: {  	s0 =	rddreg [dreg:$0x0]  }
0x2: {  	s1 =	rddreg [dreg:$0x1];
	s3 =	srdreg.scid  }
0x3: {  	s5 =	stileid.u32;
	s2 =	rddreg [dreg:$0x2];
	s29 =	simm.s32 $0x80  }
0x4: {  	s30 =	simm.s32 $0x100;
	s4 =	sand.u32 $0x1, s3;
	s5 =	sshll.u32 s5, $0x1  }
0x5: {  	s31 =	simm.s32 $0x180;
	s3 =	simm.s32 $0x0;
	s5 =	sor.u32 s4, s5  }
0x6: {  	[smem:$0x7FF] =	sst s3;
	s4 =	ssub.s32 $0x2, s4;
	s6 =	smul.u32 $0x600, s5  }
0x7: {  	_ =	strace $0x80000047;
	s7 =	sshrl.u32 s4, $0x1;
	s8 =	smul.u32 $0x6000, s5  }
0x8: {  	p4 =	sgt.s32 s5, $0x4;
	p0 =	seq.s32 s5, $0x0;
	s4 =	ssub.s32 s4, s7  }
0x9: {  	p1 =	seq.s32 @p4 s5, $0x5;
	p3 =	seq.s32 @!p4 s5, $0x3;
	p5 =	seq.s32 @!p0 s5, $0x1  }
0xa: {  	s17 =	sshrl.u32 s6, $0x3;
	s9 =	sor.u32 $0x100, s6;
	s8 =	sadd.s32 s0, s8  }
0xb: {  	s11 =	sadd.s32 $0x200, s6;
	s12 =	sadd.s32 $0x280, s6;
	s14 =	sadd.s32 $0x380, s6  }
0xc: {  	p2 =	por p1, !p4;
	p6 =	por p3, p4;
	s15 =	sadd.s32 $0x480, s6  }
0xd: {  	s16 =	sadd.s32 $0x500, s6;
	s7 =	sadd.s32 s1, s17;
	[dreg:$0x5] =	wrdreg s8  }
0xe: {  	s10 =	sshrl.u32 s9, $0x3;
	s21 =	sshrl.u32 s11, $0x3;
	s13 =	sshrl.u32 s12, $0x3  }
0xf: {  	s24 =	sshrl.u32 s14, $0x3;
	p2 =	seq.s32 @!p2 s5, $0x6;
	p6 =	seq.s32 @!p6 s5, $0x4  }
0x10: {  	s26 =	sshrl.u32 s15, $0x3;
	s17 =	sshrl.u32 s16, $0x3;
	[dreg:$0x4] =	wrdreg s7  }
0x11: {  	s7 =	sor.u32 $0x80, s6;
	s19 =	sadd.s32 s1, s10;
	s22 =	sadd.s32 s1, s13  }
0x12: {  	p2 =	por @p4 !p2, p1;
	p1 =	por !p1, !p4;
	p6 =	por @!p4 !p6, p3  }
0x13: {  	p3 =	por !p3, p4;
	s28 =	sadd.s32 s1, s17;
	[dreg:$0x7] =	wrdreg s19  }
0x14: {  	s17 =	sshll.u32 s9, $0x4;
	s18 =	sshrl.u32 s7, $0x3;
	[dreg:$0xa] =	wrdreg s22  }
0x15: {  	[dreg:$0xf] =	wrdreg s28;
	s19 =	sadd.s32 s0, s17;
	s22 =	sshll.u32 s12, $0x4  }
0x16: {  	s12 =	sshll.u32 s16, $0x4;
	s16 =	sadd.s32 $0x1840, s1;
	[dreg:$0x12] =	wrdreg s19  }
0x17: {  	p2 =	por p2, !p4;
	s8 =	sadd.s32 s1, s18;
	[dreg:$0x1d] =	wrdreg s16  }
0x18: {  	s17 =	sadd.s32 $0x1830, s1;
	[dreg:$0x6] =	wrdreg s8;
	s8 =	sor.u32 $0x180, s6  }
0x19: {  	[dreg:$0x1e] =	wrdreg s17;
	s19 =	sadd.s32 $0x1810, s1;
	s20 =	sshrl.u32 s8, $0x3  }
0x1a: {  	p4 =	por p6, p4;
	[smem:$0x7F2] =	sst s19;
	s10 =	sadd.s32 s1, s20  }
0x1b: {  	p6 =	por p5, p0;
	[dreg:$0x8] =	wrdreg s10;
	s10 =	sadd.s32 s1, s21  }
0x1c: {  	s21 =	sshll.u32 s11, $0x4;
	[dreg:$0x9] =	wrdreg s10;
	s10 =	sadd.s32 $0x300, s6  }
0x1d: {  	s11 =	sshll.u32 s15, $0x4;
	s15 =	sadd.s32 $0x1850, s1;
	s23 =	sshrl.u32 s10, $0x3  }
0x1e: {  	s7 =	sshll.u32 s7, $0x4;
	[dreg:$0x1c] =	wrdreg s15;
	s13 =	sadd.s32 s1, s23  }
0x1f: {  	p6 =	seq.s32 @!p6 s5, $0x2;
	s23 =	sadd.s32 s0, s21;
	[dreg:$0xb] =	wrdreg s13  }
0x20: {  	s16 =	simm.s32 $0x3;
	s21 =	sadd.s32 $0xC2800, s0;
	[dreg:$0x14] =	wrdreg s23  }
0x21: {  	s17 =	simm.s32 $0xC900;
	s13 =	sadd.s32 s1, s24;
	[smem:$0x7F5] =	sst s21  }
0x22: {  	s19 =	simm.s32 $0x6;
	s24 =	sadd.s32 s0, s22;
	[dreg:$0xc] =	wrdreg s13  }
0x23: {  	s20 =	sshll.u32 s8, $0x4;
	s22 =	sadd.s32 $0xC2000, s0;
	[dreg:$0x15] =	wrdreg s24  }
0x24: {  	s8 =	simm.s32 $0x400;
	s23 =	sadd.s32 $0xC1800, s0;
	[smem:$0x7F6] =	sst s22  }
0x25: {  	s15 =	simm.s32 $0x8900;
	s13 =	simm.s32 @!p5 $0x0;
	[smem:$0x7F7] =	sst s23  }
0x26: {  	s24 =	sadd.s32 $0xC1000, s0;
	s13 =	simm.s32 @p5 $0x1;
	p5 =	sgt.s32 s5, $0x2  }
0x27: {  	[smem:$0x7FB] =	sst s13;
	s13 =	sadd.s32 $0x400, s6;
	s5 =	simm.s32 @!p5 $0x0  }
0x28: {  	[smem:$0x7F8] =	sst s24;
	s5 =	simm.s32 @p5 $0x1;
	s25 =	sshrl.u32 s13, $0x3  }
0x29: {  	s28 =	sshll.u32 s13, $0x4;
	s13 =	sadd.s32 s0, s12;
	[smem:$0x7F0] =	sst s5  }
0x2a: {  	s21 =	simm.s32 $0x7;
	s5 =	sadd.s32 s1, s25;
	[dreg:$0x1a] =	wrdreg s13  }
0x2b: {  	s25 =	sshll.u32 s10, $0x4;
	s10 =	sadd.s32 s0, s28;
	[dreg:$0xd] =	wrdreg s5  }
0x2c: {  	s22 =	simm.s32 $0x8;
	s5 =	sadd.s32 s1, s26;
	[dreg:$0x18] =	wrdreg s10  }
0x2d: {  	s26 =	sshll.u32 s14, $0x4;
	s14 =	sadd.s32 $0x1860, s1;
	[dreg:$0xe] =	wrdreg s5  }
0x2e: {  	s5 =	sadd.s32 $0x580, s6;
	s6 =	sadd.s32 s0, s7;
	[dreg:$0x1b] =	wrdreg s14  }
0x2f: {  	s23 =	simm.s32 $0x9;
	[dreg:$0x11] =	wrdreg s6;
	s6 =	sadd.s32 s0, s20  }
0x30: {  	s18 =	sshrl.u32 s5, $0x3;
	s20 =	sadd.s32 $0xC3000, s0;
	[dreg:$0x13] =	wrdreg s6  }
0x31: {  	s12 =	simm.s32 $0x4900;
	s9 =	sadd.s32 s1, s18;
	[smem:$0x7F4] =	sst s20  }
0x32: {  	s13 =	simm.s32 $0x1;
	s6 =	sadd.s32 s0, s25;
	[dreg:$0x10] =	wrdreg s9  }
0x33: {  	s10 =	simm.s32 $0x500;
	s5 =	sshll.u32 s5, $0x4;
	[dreg:$0x16] =	wrdreg s6  }
0x34: {  	s5 =	sadd.s32 s0, s5;
	s9 =	sadd.s32 s0, s26;
	s26 =	sld [smem:$0x7FB]  }
0x35: {  	s7 =	simm.s32 $0x380;
	s18 =	sadd.s32 $0x1820, s1;
	[smem:$0x7F1] =	sst s5  }
0x36: {  	s1 =	sadd.s32 $0x1800, s1;
	s25 =	sadd.s32 $0xC0800, s0;
	[dreg:$0x1f] =	wrdreg s18  }
0x37: {  	s6 =	sadd.s32 s0, s11;
	[smem:$0x7F3] =	sst s1;
	p5 =	seq.s32 s26, $0x1  }
0x38: {  	[smem:$0x7F9] =	sst s25;
	s0 =	sadd.s32 $0xC0000, s0;
	p6 =	por @!p0 !p6, p5  }
0x39: {  	s14 =	simm.s32 $0x2;
	[smem:$0x7FA] =	sst s0;
	s0 =	simm.s32 @!p6 $0x0  }
0x3a: {  	s20 =	simm.s32 $0x5;
	[dreg:$0x17] =	wrdreg s9;
	s0 =	simm.s32 @p6 $0x1  }
0x3b: {  	s1 =	smax.u32 s4, $0x1;
	s4 =	simm.s32 $0x200;
	[smem:$0x7FD] =	sst s0  }
.Ltmp0:
0x3c: {  	s5 =	simm.s32 $0x280;
	s28 =	sld [smem:$0x7FD];
	(pc) =	sbr.rel .LBB2_1-.Ltmp0, $4  }
0x3d: {  	s11 =	simm.s32 $0x580;
	s18 =	simm.s32 $0x4;
	[dreg:$0x19] =	wrdreg s6  }
0x3e: {  	s6 =	simm.s32 $0x300;
	s9 =	simm.s32 $0x480;
	s0 =	simm.s32 @!p0 $0x0  }
0x3f: {  	p6 =	por !p5, p0;
	s0 =	simm.s32 @p0 $0x1;
	p5 =	seq.s32 s28, $0x1  }
0x40: {  	[smem:$0x7FC] =	sst s0;
	s0 =	simm.s32 $0x900;
	p5 =	por p5, p0  }
.LBB2_3:
0x41: {  	s26 =	rddreg [dreg:$0x1c]  }
0x42: {  	s24 =	simm.s32 @!p1 $0x0;
	s25 =	simm.s32 @!p1 $0x800;
	s28 =	sld [smem:$0x7F5]  }
0x43: {  	[tilespmem:s25], [sflag:$0x1] =	stream.linear.gather @!p1 [hbm4b:s26+s24], $0x80, $0x38;
	[tilespmem:$0x10900] =	vst v63  }
0x44: {  	s26 =	simm.s32 @!p1 $0x900  }
0x45: {  	[tilespmem:s26], [sflag:$0x2] =	stream.linear.gather @!p1 [hbm4b:s28+s24], $0x4000, $0x38;
	[tilespmem:$0x10900] =	vst v63  }
0x46: {  	s24 =	simm.s32 @!p1 $0x1  }
0x47: {  	_ =	swait.ge @!p1 [sflag:s24], $0x80  }
0x48: {  	[sflag:s24] =	ssyncset.done @!p1 $0x0  }
0x49: {  	[sflag:s24] =	ssyncadd.s32 @!p1 $0xFFFFFF80;
	s24 =	simm.s32 @!p1 $0x2  }
0x4a: {  	_ =	swait.ge @!p1 [sflag:s24], $0x4000  }
0x4b: {  	[sflag:s24] =	ssyncset.done @!p1 $0x0  }
0x4c: {  	[sflag:s24] =	ssyncadd.s32 @!p1 $0xFFFFC000;
	s24 =	simm.s32 @!p1 $0x80  }
0x4d: {  	[hbm4b:s2+s24] =	stream.indirect.scatter @!p1 [tilespmem:s26], [sflag:$0x6], $0x80, s25, s24, $0xb8;
	[tilespmem:$0x10900] =	vst v63  }
0x4e: {  	s24 =	simm.s32 @!p1 $0x6  }
0x4f: {  	_ =	swait.ge @!p1 [sflag:s24], $0x4000  }
0x50: {  	s25 =	simm.s32 @!p2 $0x880;
	[sflag:s24] =	ssyncset.done @!p1 $0x0;
	s26 =	rddreg [dreg:$0x1b]  }
0x51: {  	s28 =	sld [smem:$0x7F4];
	[sflag:s24] =	ssyncadd.s32 @!p1 $0xFFFFC000;
	s24 =	simm.s32 @!p2 $0x0  }
0x52: {  	[tilespmem:s25], [sflag:$0x1] =	stream.linear.gather @!p2 [hbm4b:s26+s24], $0x50, $0x38;
	[tilespmem:$0x10900] =	vst v63  }
0x53: {  	s26 =	simm.s32 @!p2 $0x900  }
0x54: {  	[tilespmem:s26], [sflag:$0x2] =	stream.linear.gather @!p2 [hbm4b:s28+s24], $0x2800, $0x38;
	[tilespmem:$0x10900] =	vst v63  }
0x55: {  	s24 =	simm.s32 @!p2 $0x1  }
0x56: {  	_ =	swait.ge @!p2 [sflag:s24], $0x50  }
0x57: {  	[sflag:s24] =	ssyncset.done @!p2 $0x0  }
0x58: {  	[sflag:s24] =	ssyncadd.s32 @!p2 $0xFFFFFFB0;
	s24 =	simm.s32 @!p2 $0x2  }
0x59: {  	_ =	swait.ge @!p2 [sflag:s24], $0x2800  }
0x5a: {  	[sflag:s24] =	ssyncset.done @!p2 $0x0  }
0x5b: {  	[sflag:s24] =	ssyncadd.s32 @!p2 $0xFFFFD800;
	s24 =	simm.s32 @!p2 $0x50  }
0x5c: {  	[hbm4b:s2+s24] =	stream.indirect.scatter @!p2 [tilespmem:s26], [sflag:$0x6], $0x80, s25, s24, $0xb8;
	[tilespmem:$0x10900] =	vst v63  }
0x5d: {  	s24 =	simm.s32 @!p2 $0x6  }
0x5e: {  	_ =	swait.ge @!p2 [sflag:s24], $0x2800  }
0x5f: {  	s25 =	simm.s32 @!p3 $0x800;
	[sflag:s24] =	ssyncset.done @!p2 $0x0;
	s26 =	rddreg [dreg:$0x1e]  }
0x60: {  	s28 =	sld [smem:$0x7F7];
	[sflag:s24] =	ssyncadd.s32 @!p2 $0xFFFFD800;
	s24 =	simm.s32 @!p3 $0x0  }
0x61: {  	[tilespmem:s25], [sflag:$0x1] =	stream.linear.gather @!p3 [hbm4b:s26+s24], $0x80, $0x38;
	[tilespmem:$0x10900] =	vst v63  }
0x62: {  	s26 =	simm.s32 @!p3 $0x900  }
0x63: {  	[tilespmem:s26], [sflag:$0x2] =	stream.linear.gather @!p3 [hbm4b:s28+s24], $0x4000, $0x38;
	[tilespmem:$0x10900] =	vst v63  }
0x64: {  	s24 =	simm.s32 @!p3 $0x1  }
0x65: {  	_ =	swait.ge @!p3 [sflag:s24], $0x80  }
0x66: {  	[sflag:s24] =	ssyncset.done @!p3 $0x0  }
0x67: {  	[sflag:s24] =	ssyncadd.s32 @!p3 $0xFFFFFF80;
	s24 =	simm.s32 @!p3 $0x2  }
0x68: {  	_ =	swait.ge @!p3 [sflag:s24], $0x4000  }
0x69: {  	[sflag:s24] =	ssyncset.done @!p3 $0x0  }
0x6a: {  	[sflag:s24] =	ssyncadd.s32 @!p3 $0xFFFFC000;
	s24 =	simm.s32 @!p3 $0x80  }
0x6b: {  	[hbm4b:s2+s24] =	stream.indirect.scatter @!p3 [tilespmem:s26], [sflag:$0x6], $0x80, s25, s24, $0xb8;
	[tilespmem:$0x10900] =	vst v63  }
0x6c: {  	s24 =	simm.s32 @!p3 $0x6  }
0x6d: {  	_ =	swait.ge @!p3 [sflag:s24], $0x4000  }
0x6e: {  	s25 =	simm.s32 @!p4 $0x800;
	[sflag:s24] =	ssyncset.done @!p3 $0x0;
	s26 =	rddreg [dreg:$0x1d]  }
0x6f: {  	s28 =	sld [smem:$0x7F6];
	[sflag:s24] =	ssyncadd.s32 @!p3 $0xFFFFC000;
	s24 =	simm.s32 @!p4 $0x0  }
0x70: {  	[tilespmem:s25], [sflag:$0x1] =	stream.linear.gather @!p4 [hbm4b:s26+s24], $0x80, $0x38;
	[tilespmem:$0x10900] =	vst v63  }
0x71: {  	s26 =	simm.s32 @!p4 $0x900  }
0x72: {  	[tilespmem:s26], [sflag:$0x2] =	stream.linear.gather @!p4 [hbm4b:s28+s24], $0x4000, $0x38;
	[tilespmem:$0x10900] =	vst v63  }
0x73: {  	s24 =	simm.s32 @!p4 $0x1  }
0x74: {  	_ =	swait.ge @!p4 [sflag:s24], $0x80  }
0x75: {  	[sflag:s24] =	ssyncset.done @!p4 $0x0  }
0x76: {  	[sflag:s24] =	ssyncadd.s32 @!p4 $0xFFFFFF80;
	s24 =	simm.s32 @!p4 $0x2  }
0x77: {  	_ =	swait.ge @!p4 [sflag:s24], $0x4000  }
0x78: {  	[sflag:s24] =	ssyncset.done @!p4 $0x0  }
0x79: {  	[sflag:s24] =	ssyncadd.s32 @!p4 $0xFFFFC000;
	s24 =	simm.s32 @!p4 $0x80  }
0x7a: {  	[hbm4b:s2+s24] =	stream.indirect.scatter @!p4 [tilespmem:s26], [sflag:$0x6], $0x80, s25, s24, $0xb8;
	[tilespmem:$0x10900] =	vst v63  }
0x7b: {  	s24 =	simm.s32 @!p4 $0x6  }
0x7c: {  	_ =	swait.ge @!p4 [sflag:s24], $0x4000  }
0x7d: {  	[sflag:s24] =	ssyncset.done @!p4 $0x0  }
0x7e: {  	[sflag:s24] =	ssyncadd.s32 @!p4 $0xFFFFC000  }
.LBB2_4:
0x7f: {  	s1 =	sadd.s32 $0xFFFFFFFF, s1  }
0x80: {  	p0 =	sne.s32 s1, $0x0  }
.Ltmp1:
0x81: {  	_ = 	snop;
	(pc) =	sbr.rel @!p0 .LBB2_5-.Ltmp1, $1  }
0x82: {  	_ =	sdelay $0x3  }
.LBB2_1:
0x83: {  	s24 =	rddreg [dreg:$0x4]  }
0x84: {  	[tilespmem:s3], [sflag:$0x1] =	stream.linear.gather [hbm4b:s24+s3], $0x80, $0x38;
	[tilespmem:$0x10900] =	vst v63  }
0x85: {  	s25 =	rddreg [dreg:$0x5]  }
0x86: {  	[tilespmem:s0], [sflag:$0x2] =	stream.linear.gather [hbm4b:s25+s3], $0x4000, $0x38;
	[tilespmem:$0x10900] =	vst v63  }
0x87: {  	s26 =	rddreg [dreg:$0x6]  }
0x88: {  	[tilespmem:s29], [sflag:$0x1] =	stream.linear.gather [hbm4b:s26+s3], $0x80, $0x38;
	[tilespmem:$0x10900] =	vst v63  }
0x89: {  	s28 =	rddreg [dreg:$0x7]  }
0x8a: {  	[tilespmem:s30], [sflag:$0x1] =	stream.linear.gather [hbm4b:s28+s3], $0x80, $0x38;
	[tilespmem:$0x10900] =	vst v63  }
0x8b: {  	s25 =	rddreg [dreg:$0x8]  }
0x8c: {  	[tilespmem:s31], [sflag:$0x1] =	stream.linear.gather [hbm4b:s25+s3], $0x80, $0x38;
	[tilespmem:$0x10900] =	vst v63  }
0x8d: {  	s26 =	rddreg [dreg:$0x9]  }
0x8e: {  	[tilespmem:s4], [sflag:$0x1] =	stream.linear.gather [hbm4b:s26+s3], $0x80, $0x38;
	[tilespmem:$0x10900] =	vst v63  }
0x8f: {  	s28 =	rddreg [dreg:$0xa]  }
0x90: {  	[tilespmem:s5], [sflag:$0x1] =	stream.linear.gather [hbm4b:s28+s3], $0x80, $0x38;
	[tilespmem:$0x10900] =	vst v63  }
0x91: {  	s25 =	rddreg [dreg:$0xb]  }
0x92: {  	[tilespmem:s6], [sflag:$0x1] =	stream.linear.gather [hbm4b:s25+s3], $0x80, $0x38;
	[tilespmem:$0x10900] =	vst v63  }
0x93: {  	s26 =	rddreg [dreg:$0xc]  }
0x94: {  	[tilespmem:s7], [sflag:$0x1] =	stream.linear.gather [hbm4b:s26+s3], $0x80, $0x38;
	[tilespmem:$0x10900] =	vst v63  }
0x95: {  	s28 =	rddreg [dreg:$0xd]  }
0x96: {  	[tilespmem:s8], [sflag:$0x1] =	stream.linear.gather [hbm4b:s28+s3], $0x80, $0x38;
	[tilespmem:$0x10900] =	vst v63  }
0x97: {  	s25 =	rddreg [dreg:$0xe]  }
0x98: {  	[tilespmem:s9], [sflag:$0x1] =	stream.linear.gather [hbm4b:s25+s3], $0x80, $0x38;
	[tilespmem:$0x10900] =	vst v63  }
0x99: {  	s26 =	rddreg [dreg:$0xf]  }
0x9a: {  	[tilespmem:s10], [sflag:$0x1] =	stream.linear.gather [hbm4b:s26+s3], $0x80, $0x38;
	[tilespmem:$0x10900] =	vst v63  }
0x9b: {  	s28 =	rddreg [dreg:$0x10]  }
0x9c: {  	[tilespmem:s11], [sflag:$0x1] =	stream.linear.gather [hbm4b:s28+s3], $0x80, $0x38;
	[tilespmem:$0x10900] =	vst v63  }
0x9d: {  	s25 =	rddreg [dreg:$0x11]  }
0x9e: {  	[tilespmem:s12], [sflag:$0x3] =	stream.linear.gather [hbm4b:s25+s3], $0x4000, $0x38;
	[tilespmem:$0x10900] =	vst v63  }
0x9f: {  	_ =	swait.ge [sflag:s13], $0x80  }
0xa0: {  	[sflag:s13] =	ssyncset.done $0x0  }
0xa1: {  	[sflag:s13] =	ssyncadd.s32 $0xFFFFFF80  }
0xa2: {  	_ =	swait.ge [sflag:s14], $0x4000  }
0xa3: {  	[sflag:s14] =	ssyncset.done $0x0  }
0xa4: {  	[sflag:s14] =	ssyncadd.s32 $0xFFFFC000  }
0xa5: {  	[hbm4b:s2+s29] =	stream.indirect.scatter [tilespmem:s0], [sflag:$0x6], $0x80, s3, s29, $0xb8;
	[tilespmem:$0x10900] =	vst v63  }
0xa6: {  	s26 =	rddreg [dreg:$0x12]  }
0xa7: {  	[tilespmem:s15], [sflag:$0x4] =	stream.linear.gather [hbm4b:s26+s3], $0x4000, $0x38;
	[tilespmem:$0x10900] =	vst v63  }
0xa8: {  	_ =	swait.ge [sflag:s13], $0x80  }
0xa9: {  	[sflag:s13] =	ssyncset.done $0x0  }
0xaa: {  	[sflag:s13] =	ssyncadd.s32 $0xFFFFFF80  }
0xab: {  	_ =	swait.ge [sflag:s16], $0x4000  }
0xac: {  	[sflag:s16] =	ssyncset.done $0x0  }
0xad: {  	[sflag:s16] =	ssyncadd.s32 $0xFFFFC000  }
0xae: {  	[hbm4b:s2+s29] =	stream.indirect.scatter [tilespmem:s12], [sflag:$0x7], $0x80, s29, s29, $0xb8;
	[tilespmem:$0x10900] =	vst v63  }
0xaf: {  	s28 =	rddreg [dreg:$0x13]  }
0xb0: {  	[tilespmem:s17], [sflag:$0x5] =	stream.linear.gather [hbm4b:s28+s3], $0x4000, $0x38;
	[tilespmem:$0x10900] =	vst v63  }
0xb1: {  	_ =	swait.ge [sflag:s13], $0x80  }
0xb2: {  	[sflag:s13] =	ssyncset.done $0x0  }
0xb3: {  	[sflag:s13] =	ssyncadd.s32 $0xFFFFFF80  }
0xb4: {  	_ =	swait.ge [sflag:s18], $0x4000  }
0xb5: {  	[sflag:s18] =	ssyncset.done $0x0  }
0xb6: {  	[sflag:s18] =	ssyncadd.s32 $0xFFFFC000  }
0xb7: {  	[hbm4b:s2+s29] =	stream.indirect.scatter [tilespmem:s15], [sflag:$0x8], $0x80, s30, s29, $0xb8;
	[tilespmem:$0x10900] =	vst v63  }
0xb8: {  	_ =	swait.ge [sflag:s19], $0x4000  }
0xb9: {  	[sflag:s19] =	ssyncset.done $0x0  }
0xba: {  	s25 =	rddreg [dreg:$0x14];
	[sflag:s19] =	ssyncadd.s32 $0xFFFFC000  }
0xbb: {  	[tilespmem:s0], [sflag:$0x2] =	stream.linear.gather [hbm4b:s25+s3], $0x4000, $0x38;
	[tilespmem:$0x10900] =	vst v63  }
0xbc: {  	_ =	swait.ge [sflag:s13], $0x80  }
0xbd: {  	[sflag:s13] =	ssyncset.done $0x0  }
0xbe: {  	[sflag:s13] =	ssyncadd.s32 $0xFFFFFF80  }
0xbf: {  	_ =	swait.ge [sflag:s20], $0x4000  }
0xc0: {  	[sflag:s20] =	ssyncset.done $0x0  }
0xc1: {  	[sflag:s20] =	ssyncadd.s32 $0xFFFFC000  }
0xc2: {  	[hbm4b:s2+s29] =	stream.indirect.scatter [tilespmem:s17], [sflag:$0x9], $0x80, s31, s29, $0xb8;
	[tilespmem:$0x10900] =	vst v63  }
0xc3: {  	_ =	swait.ge [sflag:s21], $0x4000  }
0xc4: {  	[sflag:s21] =	ssyncset.done $0x0  }
0xc5: {  	s26 =	rddreg [dreg:$0x15];
	[sflag:s21] =	ssyncadd.s32 $0xFFFFC000  }
0xc6: {  	[tilespmem:s12], [sflag:$0x3] =	stream.linear.gather [hbm4b:s26+s3], $0x4000, $0x38;
	[tilespmem:$0x10900] =	vst v63  }
0xc7: {  	_ =	swait.ge [sflag:s13], $0x80  }
0xc8: {  	[sflag:s13] =	ssyncset.done $0x0  }
0xc9: {  	[sflag:s13] =	ssyncadd.s32 $0xFFFFFF80  }
0xca: {  	_ =	swait.ge [sflag:s14], $0x4000  }
0xcb: {  	[sflag:s14] =	ssyncset.done $0x0  }
0xcc: {  	[sflag:s14] =	ssyncadd.s32 $0xFFFFC000  }
0xcd: {  	[hbm4b:s2+s29] =	stream.indirect.scatter [tilespmem:s0], [sflag:$0x6], $0x80, s4, s29, $0xb8;
	[tilespmem:$0x10900] =	vst v63  }
0xce: {  	_ =	swait.ge [sflag:s22], $0x4000  }
0xcf: {  	[sflag:s22] =	ssyncset.done $0x0  }
0xd0: {  	s28 =	rddreg [dreg:$0x16];
	[sflag:s22] =	ssyncadd.s32 $0xFFFFC000  }
0xd1: {  	[tilespmem:s15], [sflag:$0x4] =	stream.linear.gather [hbm4b:s28+s3], $0x4000, $0x38;
	[tilespmem:$0x10900] =	vst v63  }
0xd2: {  	_ =	swait.ge [sflag:s13], $0x80  }
0xd3: {  	[sflag:s13] =	ssyncset.done $0x0  }
0xd4: {  	[sflag:s13] =	ssyncadd.s32 $0xFFFFFF80  }
0xd5: {  	_ =	swait.ge [sflag:s16], $0x4000  }
0xd6: {  	[sflag:s16] =	ssyncset.done $0x0  }
0xd7: {  	[sflag:s16] =	ssyncadd.s32 $0xFFFFC000  }
0xd8: {  	[hbm4b:s2+s29] =	stream.indirect.scatter [tilespmem:s12], [sflag:$0x7], $0x80, s5, s29, $0xb8;
	[tilespmem:$0x10900] =	vst v63  }
0xd9: {  	_ =	swait.ge [sflag:s23], $0x4000  }
0xda: {  	[sflag:s23] =	ssyncset.done $0x0  }
0xdb: {  	s25 =	rddreg [dreg:$0x17];
	[sflag:s23] =	ssyncadd.s32 $0xFFFFC000  }
0xdc: {  	[tilespmem:s17], [sflag:$0x5] =	stream.linear.gather [hbm4b:s25+s3], $0x4000, $0x38;
	[tilespmem:$0x10900] =	vst v63  }
0xdd: {  	_ =	swait.ge [sflag:s13], $0x80  }
0xde: {  	[sflag:s13] =	ssyncset.done $0x0  }
0xdf: {  	[sflag:s13] =	ssyncadd.s32 $0xFFFFFF80  }
0xe0: {  	_ =	swait.ge [sflag:s18], $0x4000  }
0xe1: {  	[sflag:s18] =	ssyncset.done $0x0  }
0xe2: {  	[sflag:s18] =	ssyncadd.s32 $0xFFFFC000  }
0xe3: {  	[hbm4b:s2+s29] =	stream.indirect.scatter [tilespmem:s15], [sflag:$0x8], $0x80, s6, s29, $0xb8;
	[tilespmem:$0x10900] =	vst v63  }
0xe4: {  	_ =	swait.ge [sflag:s19], $0x4000  }
0xe5: {  	[sflag:s19] =	ssyncset.done $0x0  }
0xe6: {  	s26 =	rddreg [dreg:$0x18];
	[sflag:s19] =	ssyncadd.s32 $0xFFFFC000  }
0xe7: {  	[tilespmem:s0], [sflag:$0x2] =	stream.linear.gather [hbm4b:s26+s3], $0x4000, $0x38;
	[tilespmem:$0x10900] =	vst v63  }
0xe8: {  	_ =	swait.ge [sflag:s13], $0x80  }
0xe9: {  	[sflag:s13] =	ssyncset.done $0x0  }
0xea: {  	[sflag:s13] =	ssyncadd.s32 $0xFFFFFF80  }
0xeb: {  	_ =	swait.ge [sflag:s20], $0x4000  }
0xec: {  	[sflag:s20] =	ssyncset.done $0x0  }
0xed: {  	[sflag:s20] =	ssyncadd.s32 $0xFFFFC000  }
0xee: {  	[hbm4b:s2+s29] =	stream.indirect.scatter [tilespmem:s17], [sflag:$0x9], $0x80, s7, s29, $0xb8;
	[tilespmem:$0x10900] =	vst v63  }
0xef: {  	_ =	swait.ge [sflag:s21], $0x4000  }
0xf0: {  	[sflag:s21] =	ssyncset.done $0x0  }
0xf1: {  	s28 =	rddreg [dreg:$0x19];
	[sflag:s21] =	ssyncadd.s32 $0xFFFFC000  }
0xf2: {  	[tilespmem:s12], [sflag:$0x3] =	stream.linear.gather [hbm4b:s28+s3], $0x4000, $0x38;
	[tilespmem:$0x10900] =	vst v63  }
0xf3: {  	_ =	swait.ge [sflag:s13], $0x80  }
0xf4: {  	[sflag:s13] =	ssyncset.done $0x0  }
0xf5: {  	[sflag:s13] =	ssyncadd.s32 $0xFFFFFF80  }
0xf6: {  	_ =	swait.ge [sflag:s14], $0x4000  }
0xf7: {  	[sflag:s14] =	ssyncset.done $0x0  }
0xf8: {  	[sflag:s14] =	ssyncadd.s32 $0xFFFFC000  }
0xf9: {  	[hbm4b:s2+s29] =	stream.indirect.scatter [tilespmem:s0], [sflag:$0x6], $0x80, s8, s29, $0xb8;
	[tilespmem:$0x10900] =	vst v63  }
0xfa: {  	_ =	swait.ge [sflag:s22], $0x4000  }
0xfb: {  	[sflag:s22] =	ssyncset.done $0x0  }
0xfc: {  	s25 =	rddreg [dreg:$0x1a];
	[sflag:s22] =	ssyncadd.s32 $0xFFFFC000  }
0xfd: {  	[tilespmem:s15], [sflag:$0x4] =	stream.linear.gather [hbm4b:s25+s3], $0x4000, $0x38;
	[tilespmem:$0x10900] =	vst v63  }
0xfe: {  	_ =	swait.ge [sflag:s13], $0x80  }
0xff: {  	[sflag:s13] =	ssyncset.done $0x0  }
0x100: {  	[sflag:s13] =	ssyncadd.s32 $0xFFFFFF80  }
0x101: {  	_ =	swait.ge [sflag:s16], $0x4000  }
0x102: {  	[sflag:s16] =	ssyncset.done $0x0  }
0x103: {  	[sflag:s16] =	ssyncadd.s32 $0xFFFFC000  }
0x104: {  	[hbm4b:s2+s29] =	stream.indirect.scatter [tilespmem:s12], [sflag:$0x7], $0x80, s9, s29, $0xb8;
	[tilespmem:$0x10900] =	vst v63  }
0x105: {  	_ =	swait.ge [sflag:s23], $0x4000  }
0x106: {  	s26 =	sld [smem:$0x7F1]  }
0x107: {  	[sflag:s23] =	ssyncset.done $0x0  }
0x108: {  	[sflag:s23] =	ssyncadd.s32 $0xFFFFC000  }
0x109: {  	[tilespmem:s17], [sflag:$0x5] =	stream.linear.gather [hbm4b:s26+s3], $0x4000, $0x38;
	[tilespmem:$0x10900] =	vst v63  }
0x10a: {  	_ =	swait.ge [sflag:s13], $0x80  }
0x10b: {  	[sflag:s13] =	ssyncset.done $0x0  }
0x10c: {  	[sflag:s13] =	ssyncadd.s32 $0xFFFFFF80  }
0x10d: {  	_ =	swait.ge [sflag:s18], $0x4000  }
0x10e: {  	[sflag:s18] =	ssyncset.done $0x0  }
0x10f: {  	[sflag:s18] =	ssyncadd.s32 $0xFFFFC000  }
0x110: {  	[hbm4b:s2+s29] =	stream.indirect.scatter [tilespmem:s15], [sflag:$0x8], $0x80, s10, s29, $0xb8;
	[tilespmem:$0x10900] =	vst v63  }
0x111: {  	_ =	swait.ge [sflag:s13], $0x80  }
0x112: {  	[sflag:s13] =	ssyncset.done $0x0  }
0x113: {  	[sflag:s13] =	ssyncadd.s32 $0xFFFFFF80  }
0x114: {  	_ =	swait.ge [sflag:s20], $0x4000  }
0x115: {  	[sflag:s20] =	ssyncset.done $0x0  }
0x116: {  	[sflag:s20] =	ssyncadd.s32 $0xFFFFC000  }
0x117: {  	[hbm4b:s2+s29] =	stream.indirect.scatter [tilespmem:s17], [sflag:$0x9], $0x80, s11, s29, $0xb8;
	[tilespmem:$0x10900] =	vst v63  }
0x118: {  	_ =	swait.ge [sflag:s19], $0x4000  }
0x119: {  	[sflag:s19] =	ssyncset.done $0x0  }
0x11a: {  	[sflag:s19] =	ssyncadd.s32 $0xFFFFC000  }
0x11b: {  	_ =	swait.ge [sflag:s21], $0x4000  }
0x11c: {  	[sflag:s21] =	ssyncset.done $0x0  }
0x11d: {  	[sflag:s21] =	ssyncadd.s32 $0xFFFFC000  }
0x11e: {  	_ =	swait.ge [sflag:s22], $0x4000  }
0x11f: {  	[sflag:s22] =	ssyncset.done $0x0  }
0x120: {  	[sflag:s22] =	ssyncadd.s32 $0xFFFFC000  }
0x121: {  	_ =	swait.ge [sflag:s23], $0x4000  }
0x122: {  	s28 =	sld [smem:$0x7F0];
	_ =	sdelay $0x2  }
0x123: {  	p0 =	seq.s32 s28, $0x1  }
.Ltmp2:
0x124: {  	_ = 	snop;
	(pc) =	sbr.rel @p0 .LBB2_3-.Ltmp2, $3  }
0x125: {  	_ =	sdelay $0x1  }
0x126: {  	[sflag:s23] =	ssyncset.done $0x0  }
0x127: {  	[sflag:s23] =	ssyncadd.s32 $0xFFFFC000  }
0x128: {  	s24 =	sld [smem:$0x7FC];
	_ =	sdelay $0x1  }
0x129: {  	s26 =	sld [smem:$0x7F3]  }
0x12a: {  	p0 =	seq.s32 s24, $0x1  }
0x12b: {  	s28 =	sld [smem:$0x7FA];
	s24 =	simm.s32 @p0 $0x0;
	s25 =	simm.s32 @p0 $0x800  }
0x12c: {  	[tilespmem:s25], [sflag:$0x1] =	stream.linear.gather @p0 [hbm4b:s26+s24], $0x80, $0x38;
	[tilespmem:$0x10900] =	vst v63  }
0x12d: {  	s26 =	simm.s32 @p0 $0x900  }
0x12e: {  	[tilespmem:s26], [sflag:$0x2] =	stream.linear.gather @p0 [hbm4b:s28+s24], $0x4000, $0x38;
	[tilespmem:$0x10900] =	vst v63  }
0x12f: {  	s24 =	simm.s32 @p0 $0x1  }
0x130: {  	_ =	swait.ge @p0 [sflag:s24], $0x80  }
0x131: {  	[sflag:s24] =	ssyncset.done @p0 $0x0  }
0x132: {  	[sflag:s24] =	ssyncadd.s32 @p0 $0xFFFFFF80;
	s24 =	simm.s32 @p0 $0x2  }
0x133: {  	_ =	swait.ge @p0 [sflag:s24], $0x4000  }
0x134: {  	[sflag:s24] =	ssyncset.done @p0 $0x0  }
0x135: {  	[sflag:s24] =	ssyncadd.s32 @p0 $0xFFFFC000;
	s24 =	simm.s32 @p0 $0x80  }
0x136: {  	[hbm4b:s2+s24] =	stream.indirect.scatter @p0 [tilespmem:s26], [sflag:$0x6], $0x80, s25, s24, $0xb8;
	[tilespmem:$0x10900] =	vst v63  }
0x137: {  	s24 =	simm.s32 @p0 $0x6  }
0x138: {  	_ =	swait.ge @p0 [sflag:s24], $0x4000  }
0x139: {  	s26 =	sld [smem:$0x7F2]  }
0x13a: {  	s25 =	simm.s32 @!p6 $0x800;
	[sflag:s24] =	ssyncset.done @p0 $0x0  }
0x13b: {  	s28 =	sld [smem:$0x7F9];
	[sflag:s24] =	ssyncadd.s32 @p0 $0xFFFFC000;
	s24 =	simm.s32 @!p6 $0x0  }
0x13c: {  	[tilespmem:s25], [sflag:$0x1] =	stream.linear.gather @!p6 [hbm4b:s26+s24], $0x80, $0x38;
	[tilespmem:$0x10900] =	vst v63  }
0x13d: {  	s26 =	simm.s32 @!p6 $0x900  }
0x13e: {  	[tilespmem:s26], [sflag:$0x2] =	stream.linear.gather @!p6 [hbm4b:s28+s24], $0x4000, $0x38;
	[tilespmem:$0x10900] =	vst v63  }
0x13f: {  	s24 =	simm.s32 @!p6 $0x1  }
0x140: {  	_ =	swait.ge @!p6 [sflag:s24], $0x80  }
0x141: {  	[sflag:s24] =	ssyncset.done @!p6 $0x0  }
0x142: {  	[sflag:s24] =	ssyncadd.s32 @!p6 $0xFFFFFF80;
	s24 =	simm.s32 @!p6 $0x2  }
0x143: {  	_ =	swait.ge @!p6 [sflag:s24], $0x4000  }
0x144: {  	[sflag:s24] =	ssyncset.done @!p6 $0x0  }
0x145: {  	[sflag:s24] =	ssyncadd.s32 @!p6 $0xFFFFC000;
	s24 =	simm.s32 @!p6 $0x80  }
0x146: {  	[hbm4b:s2+s24] =	stream.indirect.scatter @!p6 [tilespmem:s26], [sflag:$0x6], $0x80, s25, s24, $0xb8;
	[tilespmem:$0x10900] =	vst v63  }
0x147: {  	s24 =	simm.s32 @!p6 $0x6  }
0x148: {  	_ =	swait.ge @!p6 [sflag:s24], $0x4000  }
0x149: {  	s25 =	simm.s32 @!p5 $0x800;
	[sflag:s24] =	ssyncset.done @!p6 $0x0;
	s26 =	rddreg [dreg:$0x1f]  }
0x14a: {  	s28 =	sld [smem:$0x7F8];
	[sflag:s24] =	ssyncadd.s32 @!p6 $0xFFFFC000;
	s24 =	simm.s32 @!p5 $0x0  }
0x14b: {  	[tilespmem:s25], [sflag:$0x1] =	stream.linear.gather @!p5 [hbm4b:s26+s24], $0x80, $0x38;
	[tilespmem:$0x10900] =	vst v63  }
0x14c: {  	s26 =	simm.s32 @!p5 $0x900  }
0x14d: {  	[tilespmem:s26], [sflag:$0x2] =	stream.linear.gather @!p5 [hbm4b:s28+s24], $0x4000, $0x38;
	[tilespmem:$0x10900] =	vst v63  }
0x14e: {  	s24 =	simm.s32 @!p5 $0x1  }
0x14f: {  	_ =	swait.ge @!p5 [sflag:s24], $0x80  }
0x150: {  	[sflag:s24] =	ssyncset.done @!p5 $0x0  }
0x151: {  	[sflag:s24] =	ssyncadd.s32 @!p5 $0xFFFFFF80;
	s24 =	simm.s32 @!p5 $0x2  }
0x152: {  	_ =	swait.ge @!p5 [sflag:s24], $0x4000  }
0x153: {  	[sflag:s24] =	ssyncset.done @!p5 $0x0  }
0x154: {  	[sflag:s24] =	ssyncadd.s32 @!p5 $0xFFFFC000;
	s24 =	simm.s32 @!p5 $0x80  }
0x155: {  	[hbm4b:s2+s24] =	stream.indirect.scatter @!p5 [tilespmem:s26], [sflag:$0x6], $0x80, s25, s24, $0xb8;
	[tilespmem:$0x10900] =	vst v63  }
.Ltmp3:
0x156: {  	_ = 	snop;
	(pc) =	sbr.rel .LBB2_4-.Ltmp3, $4  }
0x157: {  	s24 =	simm.s32 @!p5 $0x6  }
0x158: {  	_ =	swait.ge @!p5 [sflag:s24], $0x4000  }
0x159: {  	[sflag:s24] =	ssyncset.done @!p5 $0x0  }
0x15a: {  	[sflag:s24] =	ssyncadd.s32 @!p5 $0xFFFFC000  }
.LBB2_5:
0x15b: {  	_ =	sfence.sel $0x180000  }
0x15c: {  	[bflag:$0x0] =	sbarrier.arrive $0xFFFF  }
0x15d: {  	_ =	strace $0x90000047  }
0x15e: {  	s0 =	stileid.u32;
	[bflag:$0x2] =	sbarrier.arrive $0xFFFF  }
0x15f: {  	p0 =	sne.s32 s0, $0x0;
	s0 =	rddreg [dreg:$0x3]  }
0x160: {  	s0 =	sadd.s32 @!p0 $0x100000, s0  }
0x161: {  	[sflag:s0] =	ssyncadd.tile.s32 @!p0 $0x1;
	_ =	shalt  }
.Lfunc_end2:
_tile_overlayer_lowered:
.L_overlay_start_2:
0x162: {  	(tag) =	ssettag $0x2  }
0x163: {  	s0 =	rddreg [dreg:$0x0];
	s2 =	stileid.u32  }
0x164: {  	s1 =	rddreg [dreg:$0x1];
	p0 =	sne.s32 s2, $0x0  }
0x165: {  	s3 =	rddreg [dreg:$0x2];
	[bflag:$0x3] =	sbarrier.arrive $0xFFFF;
	s2 =	simm.s32 @!p0 $0x1C0A  }
0x166: {  	[timem:s3], [sflag:s2] =	dma.local @!p0 [hbm:s0], s1  }
0x167: {  	s0 =	simm.s32 @!p0 $0xA  }
0x168: {  	_ =	swait.ge @!p0 [sflag:s0], s1  }
0x169: {  	s1 =	ssub.s32 @!p0 $0x0, s1;
	[sflag:s0] =	ssyncset.done @!p0 $0x0  }
0x16a: {  	[sflag:s0] =	ssyncadd.s32 @!p0 s1  }
0x16b: {  	[bflag:$0x3] =	sbarrier.arrive $0xFFFF  }
0x16c: {  	_ =	shalt  }

</sc_bundles>
